<compile_context>
chip_gen: v7x
topology: tpu7x:2x2x1
jax: 0.10.2.dev20260603
libtpu: 0.0.44.dev20260713+nightly
codegen_flags: <defaults>
</compile_context>

<pallas_src>
import jax
import jax.numpy as jnp
from jax.experimental import pallas as pl
from jax.experimental.pallas import tpu as pltpu
from jax.experimental.pallas import tpu_sc as plsc

_N_E = 8192
_D = 256
_N_TOK = 4608
_BM = 512
_BN = 1024
_NI = _N_TOK // _BM
_NJ = _N_E // _BN
_GW = 128
_EPS = 1e-12


def _argmin_body(z_ref, en_ref, esq_ref, idx_ref, loss_ref, enb_s):
    i = pl.program_id(0)

    @pl.when(i == 0)
    def _prep_codebook():
        for j in range(_NJ):
            ent = jnp.transpose(en_ref[j * _BN:(j + 1) * _BN, :],
                                (1, 0))
            enb_s[j] = ent.astype(jnp.bfloat16)

    zn = z_ref[...]
    zsq = jnp.sum(zn * zn, keepdims=True)
    znm2 = (-2.0 * zn).astype(jnp.bfloat16)

    nr = _BM // 128
    rv = [None] * nr
    ri = [None] * nr
    for j in range(_NJ):
        d2 = jax.lax.dot_general(
            znm2, enb_s[j],
            dimension_numbers=(((1,), (0,)), ((), ())),
            preferred_element_type=jnp.float32)
        score = d2 + esq_ref[:, j * _BN:(j + 1) * _BN]
        for r in range(nr):
            rvc, ric = rv[r], ri[r]
            for g in range(_BN // 128):
                sg = score[r * 128:(r + 1) * 128, g * 128:(g + 1) * 128]
                fold = j * (_BN // 128) + g
                if rvc is None:
                    rvc = sg
                    ric = jnp.zeros((128, 128), jnp.int32)
                else:
                    m = sg < rvc
                    rvc = jnp.where(m, sg, rvc)
                    ric = jnp.where(m, jnp.full((128, 128), fold,
                                                jnp.int32), ric)
            rv[r], ri[r] = rvc, ric

    rva = jnp.concatenate(rv, axis=0)
    ria = jnp.concatenate(ri, axis=0)
    rvt = rva.T
    rit = ria.T
    sub = jax.lax.broadcasted_iota(jnp.int32, (128, _BM), 0)
    gidx = rit * 128 + sub
    mv = jnp.min(rvt, axis=0, keepdims=True)
    cand = jnp.where(rvt == mv, gidx, jnp.full((128, _BM), 2**31 - 1,
                                               jnp.int32))
    idx_ref[...] = jnp.min(cand, axis=0, keepdims=True).reshape(1, 1, _BM)
    part = zsq + jnp.sum(mv, keepdims=True)
    prev = jnp.where(i == 0, jnp.zeros((1, 1), jnp.float32),
                     loss_ref[...])
    tot = prev + part
    scale = 1.25 / float(_N_TOK * _D)
    tot = jnp.where(i == _NI - 1, tot * scale, tot)
    loss_ref[...] = tot


def _argmin_call(zn, en, esq):
    return pl.pallas_call(
        _argmin_body,
        grid=(_NI,),
        in_specs=[
            pl.BlockSpec((_BM, _D), lambda i: (i, 0)),
            pl.BlockSpec((_N_E, _D), lambda i: (0, 0)),
            pl.BlockSpec((1, _N_E), lambda i: (0, 0)),
        ],
        out_specs=[
            pl.BlockSpec((1, 1, _BM), lambda i: (i, 0, 0)),
            pl.BlockSpec((1, 1), lambda i: (0, 0)),
        ],
        out_shape=[
            jax.ShapeDtypeStruct((_NI, 1, _BM), jnp.int32),
            jax.ShapeDtypeStruct((1, 1), jnp.float32),
        ],
        scratch_shapes=[
            pltpu.VMEM((_NJ, _D, _BN), jnp.bfloat16),
        ],
        compiler_params=pltpu.CompilerParams(
            dimension_semantics=("arbitrary",)),
    )(zn, en, esq)


def _gather_rows(table, idx_row):
    mesh = plsc.VectorSubcoreMesh(core_axis_name="core",
                                  subcore_axis_name="subcore")

    @pl.kernel(out_type=jax.ShapeDtypeStruct((_N_TOK, _D), table.dtype),
               mesh=mesh)
    def k(x_hbm, i_hbm, o_hbm):
        def body(i_vmem, o_vmem):
            pltpu.sync_copy(x_hbm.at[i_vmem.at[0]], o_vmem)

        pltpu.emit_pipeline(
            body,
            grid=(_N_TOK // _GW,),
            in_specs=[pl.BlockSpec((1, _GW), index_map=lambda i: (0, i))],
            out_specs=[pl.BlockSpec((_GW, _D), index_map=lambda i: (i, 0))],
            core_axis_name=("core", "subcore"),
            dimension_semantics=(pltpu.PARALLEL,),
        )(i_hbm, o_hbm)

    return k(table, idx_row)


def _norm(x):
    n = jnp.linalg.norm(x, axis=-1, keepdims=True)
    return x / jnp.maximum(n, _EPS)


def kernel(z, embedding_weight):
    z_flat = z.reshape(_N_TOK, _D)
    zn = _norm(z_flat)
    en = _norm(embedding_weight)
    esq = jnp.sum(en ** 2, axis=1).reshape(1, _N_E)
    idx2, loss = _argmin_call(zn, en, esq)
    idx = idx2.reshape(_N_TOK)
    z_qnorm = _gather_rows(en, idx2.reshape(1, _N_TOK))
    return (z_qnorm.reshape(z.shape), loss.reshape(()), idx)

# --- scband reference (transcript-rebuilt; emitter-appended) ---
"""Pipeline reference for scband-vector-quantizer-78116865179754 (READ-ONLY COPY).

The authoritative reference and input builder live on the scoring server;
editing this copy changes nothing except your own understanding.
"""

import jax, jax.numpy as jnp
import numpy as np

N_E = 8192
E_DIM = 256
BETA = 0.25


def _norm(x):
    # torch F.normalize(dim=-1): x / max(||x||_2, eps)
    n = jnp.linalg.norm(x, axis=-1, keepdims=True)
    return x / jnp.maximum(n, 1e-12)


def setup_inputs(seed: int = 0) -> dict:
    key = jax.random.key(seed)
    k1, k2 = jax.random.split(key)
    z = jax.random.normal(k1, (8, 576, E_DIM), dtype=jnp.float32)
    embedding_weight = jax.random.normal(k2, (N_E, E_DIM), dtype=jnp.float32)
    return {"z": z, "embedding_weight": embedding_weight}


def reference(z, embedding_weight):
    z_flat = z.reshape(-1, E_DIM)
    zn = _norm(z_flat)
    en = _norm(embedding_weight)
    d = (jnp.sum(zn ** 2, axis=1, keepdims=True)
         + jnp.sum(en ** 2, axis=1)
         - 2.0 * jnp.einsum('bd,nd->bn', zn, en))
    min_encoding_indices = jnp.argmin(d, axis=1)
    z_q = jnp.take(embedding_weight, min_encoding_indices, axis=0).reshape(z.shape)
    z_qnorm = _norm(z_q)
    z_norm = _norm(z)
    loss = (BETA * jnp.mean((jax.lax.stop_gradient(z_qnorm) - z_norm) ** 2)
            + jnp.mean((z_qnorm - jax.lax.stop_gradient(z_norm)) ** 2))
    z_qnorm_st = z_norm + jax.lax.stop_gradient(z_qnorm - z_norm)
    return (z_qnorm_st, loss, min_encoding_indices)

if __name__ == "__main__":
    import jax
    _d = setup_inputs()
    print(jax.jit(kernel)(*tuple(_d.values())))

</pallas_src>

<mosaic_0001>
#map = affine_map<(d0, d1) -> (0, 0)>
module attributes {stable_mosaic.version = 14 : i64} {
  func.func @k(%arg0: i32, %arg1: i32, %arg2: memref<8192x256xf32, #tpu.memory_space<hbm>>, %arg3: memref<1x4608xi32, #tpu.memory_space<hbm>>, %arg4: memref<4608x256xf32, #tpu.memory_space<hbm>>) attributes {dimension_semantics = [#tpu.dimension_semantics<core_parallel>, #tpu.dimension_semantics<subcore_parallel>], iteration_bounds = array<i64: 2, 16>, scalar_prefetch = 0 : i64, scratch_operands = 0 : i64, tpu.core_type = #tpu.core_type<sc_vector_subcore>, window_params = [{transform_indices = #map}, {transform_indices = #map}, {transform_indices = #map}]} {
    %mul3A = arith.constant 1 : i32
    %mul3A_0 = arith.muli %arg1, %mul3A : i32
    %add3A = arith.constant 0 : i32
    %add3A_1 = arith.addi %add3A, %mul3A_0 : i32
    %mul3A_2 = arith.constant 16 : i32
    %mul3A_3 = arith.muli %arg0, %mul3A_2 : i32
    %add3A_4 = arith.addi %add3A_1, %mul3A_3 : i32
    %lt3A = arith.constant 4 : i32
    %lt3A_5 = arith.cmpi slt, %add3A_4, %lt3A : i32
    %jit3A = arith.constant 2 : i32
    %jit3A_6 = arith.constant 1 : i32
    %select_n3A = arith.select %lt3A_5, %jit3A, %jit3A_6 : i32
    %lt3A_7 = arith.constant 4 : i32
    %lt3A_8 = arith.cmpi slt, %add3A_4, %lt3A_7 : i32
    %mul3A_9 = arith.muli %add3A_4, %select_n3A : i32
    %mul3A_10 = arith.constant 1 : i32
    %mul3A_11 = arith.muli %add3A_4, %mul3A_10 : i32
    %add3A_12 = arith.constant 4 : i32
    %add3A_13 = arith.addi %mul3A_11, %add3A_12 : i32
    %select_n3A_14 = arith.select %lt3A_8, %mul3A_9, %add3A_13 : i32
    %mul3A_15 = arith.constant 1 : i32
    %mul3A_16 = arith.muli %mul3A_15, %select_n3A : i32
    "tpu.region"() ({
      %run_scoped3A = memref.alloca() : memref<2x1x128xi32, #tpu.memory_space<vmem>>
      %run_scoped3A_17 = tpu.sem_alloc : memref<2x!tpu.dma_semaphore, #tpu.memory_space<semaphore_mem>>
      %run_scoped3A_18 = memref.alloca() : memref<2x128x256xf32, #tpu.memory_space<vmem>>
      %run_scoped3A_19 = tpu.sem_alloc : memref<2x!tpu.dma_semaphore, #tpu.memory_space<semaphore_mem>>
      %gt3A = arith.constant 0 : i32
      %gt3A_20 = arith.cmpi sgt, %mul3A_16, %gt3A : i32
      %convert_element_type3A = arith.extui %gt3A_20 : i1 to i32
      %cond3A = arith.constant 0 : i32
      %cond3A_21 = arith.cmpi ne, %convert_element_type3A, %cond3A : i32
      scf.if %cond3A_21 {
        %mul3A_22 = arith.constant 1 : i32
        %mul3A_23 = arith.muli %mul3A_22, %select_n3A : i32
        %sub3A = arith.constant 1 : i32
        %sub3A_24 = arith.subi %mul3A_23, %sub3A : i32
        %eq3A = arith.constant 0 : i32
        %eq3A_25 = arith.cmpi eq, %sub3A_24, %eq3A : i32
        %add3A_26 = arith.constant 0 : i32
        %add3A_27 = arith.addi %add3A_26, %select_n3A_14 : i32
        %select_n3A_28 = arith.constant true
        %select_n3A_29 = arith.constant 0 : i32
        %select_n3A_30 = arith.constant -1 : i32
        %select_n3A_31 = arith.select %select_n3A_28, %select_n3A_30, %select_n3A_29 : i32
        %eq3A_32 = arith.constant -1 : i32
        %eq3A_33 = arith.cmpi eq, %select_n3A_31, %eq3A_32 : i32
        %sub3A_34 = arith.constant 1 : i32
        %sub3A_35 = arith.subi %select_n3A, %sub3A_34 : i32
        %select_n3A_36 = arith.select %eq3A_33, %sub3A_35, %select_n3A_31 : i32
        %add3A_37 = arith.addi %select_n3A_36, %select_n3A_14 : i32
        %select_n3A_38 = arith.constant true
        %select_n3A_39 = arith.constant 0 : i32
        %select_n3A_40 = arith.constant 1 : i32
        %select_n3A_41 = arith.select %select_n3A_38, %select_n3A_40, %select_n3A_39 : i32
        %eq3A_42 = arith.cmpi eq, %select_n3A_41, %select_n3A : i32
        %select_n3A_43 = arith.constant 0 : i32
        %select_n3A_44 = arith.select %eq3A_42, %select_n3A_43, %select_n3A_41 : i32
        %add3A_45 = arith.addi %select_n3A_44, %select_n3A_14 : i32
        %add3A_46 = arith.constant 1 : i32
        %add3A_47 = arith.addi %select_n3A_44, %add3A_46 : i32
        %select_n3A_48 = arith.constant true
        %select_n3A_49 = arith.select %select_n3A_48, %add3A_47, %select_n3A_44 : i32
        %eq3A_50 = arith.cmpi eq, %select_n3A_49, %select_n3A : i32
        %select_n3A_51 = arith.constant 0 : i32
        %select_n3A_52 = arith.select %eq3A_50, %select_n3A_51, %select_n3A_49 : i32
        %add3A_53 = arith.addi %select_n3A_52, %select_n3A_14 : i32
        "tpu.trace_start"() <{level = 10 : i32, message = "ep_initialize_0"}> : () -> ()
        %rem3A = arith.constant 0 : i32
        %rem3A_54 = arith.constant 2 : i32
        %rem3A_55 = arith.remui %rem3A, %rem3A_54 : i32
        %mul3A_56 = arith.constant 128 : i32
        %mul3A_57 = arith.muli %mul3A_56, %add3A_27 : i32
        %dma_start3A = arith.constant 0 : i32
        %dma_start3A_58 = arith.constant 0 : i32
        %dma_start3A_59 = tpu.memref_slice %run_scoped3A[%rem3A_55, %dma_start3A, %dma_start3A_58] : memref<2x1x128xi32, #tpu.memory_space<vmem>> -> memref<1x1x128xi32, #tpu.memory_space<vmem>>
        %dma_start3A_60 = tpu.memref_squeeze %dma_start3A_59 : memref<1x1x128xi32, #tpu.memory_space<vmem>> -> memref<1x128xi32, #tpu.memory_space<vmem>>
        %dma_start3A_61 = arith.constant 0 : i32
        %dma_start3A_62 = tpu.memref_slice %arg3[%dma_start3A_61, %mul3A_57] : memref<1x4608xi32, #tpu.memory_space<hbm>> -> memref<1x128xi32, #tpu.memory_space<hbm>>
        %dma_start3A_63 = tpu.memref_slice %run_scoped3A_17[%rem3A_55] : memref<2x!tpu.dma_semaphore, #tpu.memory_space<semaphore_mem>> -> memref<1x!tpu.dma_semaphore, #tpu.memory_space<semaphore_mem>>
        %dma_start3A_64 = tpu.memref_squeeze %dma_start3A_63 : memref<1x!tpu.dma_semaphore, #tpu.memory_space<semaphore_mem>> -> memref<!tpu.dma_semaphore, #tpu.memory_space<semaphore_mem>>
        %dma_start3A_65 = arith.constant 0 : i32
        %dma_start3A_66 = arith.constant 0 : i32
        %dma_start3A_67 = tpu.memref_slice %run_scoped3A[%rem3A_55, %dma_start3A_65, %dma_start3A_66] : memref<2x1x128xi32, #tpu.memory_space<vmem>> -> memref<1x1x128xi32, #tpu.memory_space<vmem>>
        %dma_start3A_68 = tpu.memref_squeeze %dma_start3A_67 : memref<1x1x128xi32, #tpu.memory_space<vmem>> -> memref<1x128xi32, #tpu.memory_space<vmem>>
        %dma_start3A_69 = arith.constant 0 : i32
        %dma_start3A_70 = tpu.memref_slice %arg3[%dma_start3A_69, %mul3A_57] : memref<1x4608xi32, #tpu.memory_space<hbm>> -> memref<1x128xi32, #tpu.memory_space<hbm>>
        tpu.enqueue_dma source(%dma_start3A_70 : memref<1x128xi32, #tpu.memory_space<hbm>>) target(%dma_start3A_68 : memref<1x128xi32, #tpu.memory_space<vmem>>) target_semaphore(%dma_start3A_64 : memref<!tpu.dma_semaphore, #tpu.memory_space<semaphore_mem>>)
        %add3A_71 = arith.constant 0 : i32
        %add3A_72 = arith.constant 1 : i32
        %add3A_73 = arith.addi %add3A_71, %add3A_72 : i32
        %select_n3A_74 = arith.constant true
        %select_n3A_75 = arith.constant 0 : i32
        %select_n3A_76 = arith.select %select_n3A_74, %add3A_73, %select_n3A_75 : i32
        %while3A = arith.constant 0 : i32
        %while3A_77 = arith.constant 0 : i32
        %while3A_78 = arith.constant 0 : i32
        %while3A_79 = arith.constant 0 : i32
        %while3A_80 = arith.constant 0 : i32
        "tpu.trace_stop"() : () -> ()
        %while3A_81 = arith.subi %mul3A_16, %while3A : i32
        %while3A_82 = arith.addi %while3A, %while3A_81 : i32
        %while3A_83 = arith.constant 1 : i32
        %while3A_84 = arith.divsi %while3A_81, %while3A_83 : i32
        %while3A_85 = arith.muli %while3A_84, %while3A_83 : i32
        %while3A_86 = arith.addi %while3A, %while3A_85 : i32
        %while3A_87 = arith.constant 1 : i32
        %while3A_88:5 = scf.for %while3A_142 = %while3A to %while3A_86 step %while3A_87 iter_args(%while3A_143 = %select_n3A_76, %while3A_144 = %while3A_77, %while3A_145 = %while3A_78, %while3A_146 = %while3A_79, %while3A_147 = %while3A_80) -> (i32, i32, i32, i32, i32)  : i32 {
          %mul3A_148 = arith.constant 1 : i32
          %mul3A_149 = arith.muli %mul3A_148, %select_n3A : i32
          %eq3A_150 = arith.constant 0 : i32
          %eq3A_151 = arith.cmpi eq, %while3A_142, %eq3A_150 : i32
          %sub3A_152 = arith.constant 1 : i32
          %sub3A_153 = arith.subi %mul3A_149, %sub3A_152 : i32
          %eq3A_154 = arith.cmpi eq, %while3A_142, %sub3A_153 : i32
          %add3A_155 = arith.addi %while3A_147, %select_n3A_14 : i32
          %sub3A_156 = arith.constant 1 : i32
          %sub3A_157 = arith.subi %while3A_147, %sub3A_156 : i32
          %select_n3A_158 = arith.constant true
          %select_n3A_159 = arith.select %select_n3A_158, %sub3A_157, %while3A_147 : i32
          %eq3A_160 = arith.constant -1 : i32
          %eq3A_161 = arith.cmpi eq, %select_n3A_159, %eq3A_160 : i32
          %sub3A_162 = arith.constant 1 : i32
          %sub3A_163 = arith.subi %select_n3A, %sub3A_162 : i32
          %select_n3A_164 = arith.select %eq3A_161, %sub3A_163, %select_n3A_159 : i32
          %add3A_165 = arith.addi %select_n3A_164, %select_n3A_14 : i32
          %add3A_166 = arith.constant 1 : i32
          %add3A_167 = arith.addi %while3A_147, %add3A_166 : i32
          %select_n3A_168 = arith.constant true
          %select_n3A_169 = arith.select %select_n3A_168, %add3A_167, %while3A_147 : i32
          %eq3A_170 = arith.cmpi eq, %select_n3A_169, %select_n3A : i32
          %select_n3A_171 = arith.constant 0 : i32
          %select_n3A_172 = arith.select %eq3A_170, %select_n3A_171, %select_n3A_169 : i32
          %add3A_173 = arith.addi %select_n3A_172, %select_n3A_14 : i32
          %add3A_174 = arith.constant 1 : i32
          %add3A_175 = arith.addi %select_n3A_172, %add3A_174 : i32
          %select_n3A_176 = arith.constant true
          %select_n3A_177 = arith.select %select_n3A_176, %add3A_175, %select_n3A_172 : i32
          %eq3A_178 = arith.cmpi eq, %select_n3A_177, %select_n3A : i32
          %select_n3A_179 = arith.constant 0 : i32
          %select_n3A_180 = arith.select %eq3A_178, %select_n3A_179, %select_n3A_177 : i32
          %add3A_181 = arith.addi %select_n3A_180, %select_n3A_14 : i32
          %ne3A = arith.cmpi ne, %add3A_155, %add3A_173 : i32
          %or3A = arith.constant false
          %or3A_182 = arith.ori %or3A, %ne3A : i1
          %sub3A_183 = arith.constant 2 : i32
          %sub3A_184 = arith.subi %mul3A_149, %sub3A_183 : i32
          %add3A_185 = arith.constant 1 : i32
          %add3A_186 = arith.addi %sub3A_184, %add3A_185 : i32
          %ge3A = arith.cmpi sge, %while3A_142, %add3A_186 : i32
          %not3A = arith.constant true
          %not3A_187 = arith.xori %ge3A, %not3A : i1
          %and3A = arith.andi %or3A_182, %not3A_187 : i1
          %convert_element_type3A_188 = arith.extui %and3A : i1 to i32
          %cond3A_189 = arith.constant 0 : i32
          %cond3A_190 = arith.cmpi ne, %convert_element_type3A_188, %cond3A_189 : i32
          scf.if %cond3A_190 {
            "tpu.trace_start"() <{level = 10 : i32, message = "ep_copy_in"}> : () -> ()
            %rem3A_294 = arith.constant 2 : i32
            %rem3A_295 = arith.remui %while3A_143, %rem3A_294 : i32
            %mul3A_296 = arith.constant 128 : i32
            %mul3A_297 = arith.muli %mul3A_296, %add3A_173 : i32
            %dma_start3A_298 = arith.constant 0 : i32
            %dma_start3A_299 = arith.constant 0 : i32
            %dma_start3A_300 = tpu.memref_slice %run_scoped3A[%rem3A_295, %dma_start3A_298, %dma_start3A_299] : memref<2x1x128xi32, #tpu.memory_space<vmem>> -> memref<1x1x128xi32, #tpu.memory_space<vmem>>
            %dma_start3A_301 = tpu.memref_squeeze %dma_start3A_300 : memref<1x1x128xi32, #tpu.memory_space<vmem>> -> memref<1x128xi32, #tpu.memory_space<vmem>>
            %dma_start3A_302 = arith.constant 0 : i32
            %dma_start3A_303 = tpu.memref_slice %arg3[%dma_start3A_302, %mul3A_297] : memref<1x4608xi32, #tpu.memory_space<hbm>> -> memref<1x128xi32, #tpu.memory_space<hbm>>
            %dma_start3A_304 = tpu.memref_slice %run_scoped3A_17[%rem3A_295] : memref<2x!tpu.dma_semaphore, #tpu.memory_space<semaphore_mem>> -> memref<1x!tpu.dma_semaphore, #tpu.memory_space<semaphore_mem>>
            %dma_start3A_305 = tpu.memref_squeeze %dma_start3A_304 : memref<1x!tpu.dma_semaphore, #tpu.memory_space<semaphore_mem>> -> memref<!tpu.dma_semaphore, #tpu.memory_space<semaphore_mem>>
            %dma_start3A_306 = arith.constant 0 : i32
            %dma_start3A_307 = arith.constant 0 : i32
            %dma_start3A_308 = tpu.memref_slice %run_scoped3A[%rem3A_295, %dma_start3A_306, %dma_start3A_307] : memref<2x1x128xi32, #tpu.memory_space<vmem>> -> memref<1x1x128xi32, #tpu.memory_space<vmem>>
            %dma_start3A_309 = tpu.memref_squeeze %dma_start3A_308 : memref<1x1x128xi32, #tpu.memory_space<vmem>> -> memref<1x128xi32, #tpu.memory_space<vmem>>
            %dma_start3A_310 = arith.constant 0 : i32
            %dma_start3A_311 = tpu.memref_slice %arg3[%dma_start3A_310, %mul3A_297] : memref<1x4608xi32, #tpu.memory_space<hbm>> -> memref<1x128xi32, #tpu.memory_space<hbm>>
            tpu.enqueue_dma source(%dma_start3A_311 : memref<1x128xi32, #tpu.memory_space<hbm>>) target(%dma_start3A_309 : memref<1x128xi32, #tpu.memory_space<vmem>>) target_semaphore(%dma_start3A_305 : memref<!tpu.dma_semaphore, #tpu.memory_space<semaphore_mem>>)
            "tpu.trace_stop"() : () -> ()
          } else {
          }
          %and3A_191 = arith.constant true
          %and3A_192 = arith.andi %and3A, %and3A_191 : i1
          %add3A_193 = arith.constant 1 : i32
          %add3A_194 = arith.addi %while3A_143, %add3A_193 : i32
          %select_n3A_195 = arith.select %and3A_192, %add3A_194, %while3A_143 : i32
          %ne3A_196 = arith.cmpi ne, %add3A_155, %add3A_173 : i32
          %or3A_197 = arith.constant false
          %or3A_198 = arith.ori %or3A_197, %ne3A_196 : i1
          %or3A_199 = arith.constant false
          %or3A_200 = arith.ori %or3A_198, %or3A_199 : i1
          %sub3A_201 = arith.constant 2 : i32
          %sub3A_202 = arith.subi %mul3A_149, %sub3A_201 : i32
          %add3A_203 = arith.constant 1 : i32
          %add3A_204 = arith.addi %sub3A_202, %add3A_203 : i32
          %ge3A_205 = arith.cmpi sge, %while3A_142, %add3A_204 : i32
          %not3A_206 = arith.constant true
          %not3A_207 = arith.xori %ge3A_205, %not3A_206 : i1
          %and3A_208 = arith.andi %or3A_200, %not3A_207 : i1
          %ne3A_209 = arith.cmpi ne, %add3A_155, %add3A_165 : i32
          %or3A_210 = arith.constant false
          %or3A_211 = arith.ori %or3A_210, %ne3A_209 : i1
          %or3A_212 = arith.ori %or3A_211, %eq3A_151 : i1
          %convert_element_type3A_213 = arith.extui %or3A_212 : i1 to i32
          %cond3A_214 = arith.constant 0 : i32
          %cond3A_215 = arith.cmpi ne, %convert_element_type3A_213, %cond3A_214 : i32
          scf.if %cond3A_215 {
            "tpu.trace_start"() <{level = 10 : i32, message = "ep_wait_in"}> : () -> ()
            %mul3A_294 = arith.constant 128 : i32
            %mul3A_295 = arith.muli %mul3A_294, %add3A_155 : i32
            %rem3A_296 = arith.constant 2 : i32
            %rem3A_297 = arith.remui %while3A_144, %rem3A_296 : i32
            %dma_wait3A = arith.constant 0 : i32
            %dma_wait3A_298 = arith.constant 0 : i32
            %dma_wait3A_299 = tpu.memref_slice %run_scoped3A[%rem3A_297, %dma_wait3A, %dma_wait3A_298] : memref<2x1x128xi32, #tpu.memory_space<vmem>> -> memref<1x1x128xi32, #tpu.memory_space<vmem>>
            %dma_wait3A_300 = tpu.memref_squeeze %dma_wait3A_299 : memref<1x1x128xi32, #tpu.memory_space<vmem>> -> memref<1x128xi32, #tpu.memory_space<vmem>>
            %dma_wait3A_301 = arith.constant 0 : i32
            %dma_wait3A_302 = tpu.memref_slice %arg3[%dma_wait3A_301, %mul3A_295] : memref<1x4608xi32, #tpu.memory_space<hbm>> -> memref<1x128xi32, #tpu.memory_space<hbm>>
            %dma_wait3A_303 = tpu.memref_slice %run_scoped3A_17[%rem3A_297] : memref<2x!tpu.dma_semaphore, #tpu.memory_space<semaphore_mem>> -> memref<1x!tpu.dma_semaphore, #tpu.memory_space<semaphore_mem>>
            %dma_wait3A_304 = tpu.memref_squeeze %dma_wait3A_303 : memref<1x!tpu.dma_semaphore, #tpu.memory_space<semaphore_mem>> -> memref<!tpu.dma_semaphore, #tpu.memory_space<semaphore_mem>>
            %dma_wait3A_305 = arith.constant 0 : i32
            %dma_wait3A_306 = arith.constant 0 : i32
            %dma_wait3A_307 = tpu.memref_slice %run_scoped3A[%rem3A_297, %dma_wait3A_305, %dma_wait3A_306] : memref<2x1x128xi32, #tpu.memory_space<vmem>> -> memref<1x1x128xi32, #tpu.memory_space<vmem>>
            %dma_wait3A_308 = tpu.memref_squeeze %dma_wait3A_307 : memref<1x1x128xi32, #tpu.memory_space<vmem>> -> memref<1x128xi32, #tpu.memory_space<vmem>>
            %dma_wait3A_309 = arith.constant 0 : i32
            %dma_wait3A_310 = tpu.memref_slice %arg3[%dma_wait3A_309, %mul3A_295] : memref<1x4608xi32, #tpu.memory_space<hbm>> -> memref<1x128xi32, #tpu.memory_space<hbm>>
            tpu.wait_dma2 semaphore(%dma_wait3A_304 : memref<!tpu.dma_semaphore, #tpu.memory_space<semaphore_mem>>) src(%dma_wait3A_310 : memref<1x128xi32, #tpu.memory_space<hbm>>) dst(%dma_wait3A_308 : memref<1x128xi32, #tpu.memory_space<vmem>>)
            "tpu.trace_stop"() : () -> ()
          } else {
          }
          %ne3A_216 = arith.cmpi ne, %add3A_155, %add3A_165 : i32
          %or3A_217 = arith.constant false
          %or3A_218 = arith.ori %or3A_217, %ne3A_216 : i1
          %or3A_219 = arith.constant false
          %or3A_220 = arith.ori %or3A_218, %or3A_219 : i1
          %or3A_221 = arith.ori %or3A_220, %eq3A_151 : i1
          %convert_element_type3A_222 = arith.extui %or3A_221 : i1 to i32
          %cond3A_223 = arith.constant 0 : i32
          %cond3A_224 = arith.cmpi ne, %convert_element_type3A_222, %cond3A_223 : i32
          scf.if %cond3A_224 {
          } else {
          }
          %rem3A_225 = arith.constant 2 : i32
          %rem3A_226 = arith.remui %while3A_144, %rem3A_225 : i32
          %rem3A_227 = arith.constant 2 : i32
          %rem3A_228 = arith.remui %while3A_145, %rem3A_227 : i32
          %run_scoped3A_229 = arith.constant 0 : i32
          "tpu.trace_start"() <{level = 10 : i32, message = "ep_run_kernel"}> : () -> ()
          "tpu.region"() ({
            %run_scoped3A_294 = tpu.sem_alloc : memref<!tpu.dma_semaphore, #tpu.memory_space<semaphore_mem>>
            %dma_start3A_295 = arith.constant 0 : i32
            %dma_start3A_296 = arith.constant 0 : i32
            %dma_start3A_297 = tpu.memref_slice %run_scoped3A_18[%rem3A_228, %dma_start3A_295, %dma_start3A_296] : memref<2x128x256xf32, #tpu.memory_space<vmem>> -> memref<1x128x256xf32, #tpu.memory_space<vmem>>
            %dma_start3A_298 = tpu.memref_squeeze %dma_start3A_297 : memref<1x128x256xf32, #tpu.memory_space<vmem>> -> memref<128x256xf32, #tpu.memory_space<vmem>>
            %dma_start3A_299 = arith.constant 0 : i32
            %dma_start3A_300 = arith.constant 0 : i32
            %dma_start3A_301 = tpu.memref_slice %run_scoped3A[%rem3A_226, %dma_start3A_299, %dma_start3A_300] : memref<2x1x128xi32, #tpu.memory_space<vmem>> -> memref<1x1x128xi32, #tpu.memory_space<vmem>>
            %dma_start3A_302 = tpu.memref_squeeze %dma_start3A_301 : memref<1x1x128xi32, #tpu.memory_space<vmem>> -> memref<1x128xi32, #tpu.memory_space<vmem>>
            %dma_start3A_303 = arith.constant 0 : i32
            %dma_start3A_304 = tpu.memref_slice %dma_start3A_302[%run_scoped3A_229, %dma_start3A_303] : memref<1x128xi32, #tpu.memory_space<vmem>> -> memref<1x128xi32, #tpu.memory_space<vmem>>
            %dma_start3A_305 = tpu.memref_squeeze %dma_start3A_304 : memref<1x128xi32, #tpu.memory_space<vmem>> -> memref<128xi32, #tpu.memory_space<vmem>>
            %dma_start3A_306 = arith.constant 0 : i32
            %dma_start3A_307 = arith.constant 0 : i32
            %dma_start3A_308 = tpu.memref_slice %arg2[%dma_start3A_306, %dma_start3A_307] : memref<8192x256xf32, #tpu.memory_space<hbm>> -> memref<8192x256xf32, #tpu.memory_space<hbm>>
            tpu.enqueue_indirect_dma source(%dma_start3A_308 : memref<8192x256xf32, #tpu.memory_space<hbm>>) target(%dma_start3A_298 : memref<128x256xf32, #tpu.memory_space<vmem>>) offsets(%dma_start3A_305 : memref<128xi32, #tpu.memory_space<vmem>>) semaphore(%run_scoped3A_294 : memref<!tpu.dma_semaphore, #tpu.memory_space<semaphore_mem>>)
            %dma_wait3A = arith.constant 0 : i32
            %dma_wait3A_309 = arith.constant 0 : i32
            %dma_wait3A_310 = tpu.memref_slice %run_scoped3A_18[%rem3A_228, %dma_wait3A, %dma_wait3A_309] : memref<2x128x256xf32, #tpu.memory_space<vmem>> -> memref<1x128x256xf32, #tpu.memory_space<vmem>>
            %dma_wait3A_311 = tpu.memref_squeeze %dma_wait3A_310 : memref<1x128x256xf32, #tpu.memory_space<vmem>> -> memref<128x256xf32, #tpu.memory_space<vmem>>
            %dma_wait3A_312 = arith.constant 0 : i32
            %dma_wait3A_313 = arith.constant 0 : i32
            %dma_wait3A_314 = tpu.memref_slice %run_scoped3A[%rem3A_226, %dma_wait3A_312, %dma_wait3A_313] : memref<2x1x128xi32, #tpu.memory_space<vmem>> -> memref<1x1x128xi32, #tpu.memory_space<vmem>>
            %dma_wait3A_315 = tpu.memref_squeeze %dma_wait3A_314 : memref<1x1x128xi32, #tpu.memory_space<vmem>> -> memref<1x128xi32, #tpu.memory_space<vmem>>
            %dma_wait3A_316 = arith.constant 0 : i32
            %dma_wait3A_317 = tpu.memref_slice %dma_wait3A_315[%run_scoped3A_229, %dma_wait3A_316] : memref<1x128xi32, #tpu.memory_space<vmem>> -> memref<1x128xi32, #tpu.memory_space<vmem>>
            %dma_wait3A_318 = tpu.memref_squeeze %dma_wait3A_317 : memref<1x128xi32, #tpu.memory_space<vmem>> -> memref<128xi32, #tpu.memory_space<vmem>>
            %dma_wait3A_319 = arith.constant 0 : i32
            %dma_wait3A_320 = arith.constant 0 : i32
            %dma_wait3A_321 = tpu.memref_slice %arg2[%dma_wait3A_319, %dma_wait3A_320] : memref<8192x256xf32, #tpu.memory_space<hbm>> -> memref<8192x256xf32, #tpu.memory_space<hbm>>
            tpu.wait_indirect_dma semaphore(%run_scoped3A_294 : memref<!tpu.dma_semaphore, #tpu.memory_space<semaphore_mem>>) src(%dma_wait3A_321 : memref<8192x256xf32, #tpu.memory_space<hbm>>) dst(%dma_wait3A_311 : memref<128x256xf32, #tpu.memory_space<vmem>>)
            tpu.yield
          }) : () -> ()
          "tpu.trace_stop"() : () -> ()
          %ne3A_230 = arith.cmpi ne, %add3A_155, %add3A_173 : i32
          %or3A_231 = arith.constant false
          %or3A_232 = arith.ori %or3A_231, %ne3A_230 : i1
          %or3A_233 = arith.ori %or3A_232, %eq3A_154 : i1
          %convert_element_type3A_234 = arith.extui %or3A_233 : i1 to i32
          %cond3A_235 = arith.constant 0 : i32
          %cond3A_236 = arith.cmpi ne, %convert_element_type3A_234, %cond3A_235 : i32
          scf.if %cond3A_236 {
          } else {
          }
          %and3A_237 = arith.constant false
          %and3A_238 = arith.andi %or3A_233, %and3A_237 : i1
          %ne3A_239 = arith.cmpi ne, %add3A_155, %add3A_173 : i32
          %or3A_240 = arith.constant false
          %or3A_241 = arith.ori %or3A_240, %ne3A_239 : i1
          %or3A_242 = arith.constant false
          %or3A_243 = arith.ori %or3A_241, %or3A_242 : i1
          %or3A_244 = arith.ori %or3A_243, %eq3A_154 : i1
          %convert_element_type3A_245 = arith.extui %or3A_244 : i1 to i32
          %cond3A_246 = arith.constant 0 : i32
          %cond3A_247 = arith.cmpi ne, %convert_element_type3A_245, %cond3A_246 : i32
          scf.if %cond3A_247 {
            "tpu.trace_start"() <{level = 10 : i32, message = "ep_copy_out"}> : () -> ()
            %rem3A_294 = arith.constant 2 : i32
            %rem3A_295 = arith.remui %while3A_145, %rem3A_294 : i32
            %mul3A_296 = arith.constant 128 : i32
            %mul3A_297 = arith.muli %mul3A_296, %add3A_155 : i32
            %dma_start3A_298 = arith.constant 0 : i32
            %dma_start3A_299 = arith.constant 0 : i32
            %dma_start3A_300 = tpu.memref_slice %run_scoped3A_18[%rem3A_295, %dma_start3A_298, %dma_start3A_299] : memref<2x128x256xf32, #tpu.memory_space<vmem>> -> memref<1x128x256xf32, #tpu.memory_space<vmem>>
            %dma_start3A_301 = tpu.memref_squeeze %dma_start3A_300 : memref<1x128x256xf32, #tpu.memory_space<vmem>> -> memref<128x256xf32, #tpu.memory_space<vmem>>
            %dma_start3A_302 = arith.constant 0 : i32
            %dma_start3A_303 = tpu.memref_slice %arg4[%mul3A_297, %dma_start3A_302] : memref<4608x256xf32, #tpu.memory_space<hbm>> -> memref<128x256xf32, #tpu.memory_space<hbm>>
            %dma_start3A_304 = tpu.memref_slice %run_scoped3A_19[%rem3A_295] : memref<2x!tpu.dma_semaphore, #tpu.memory_space<semaphore_mem>> -> memref<1x!tpu.dma_semaphore, #tpu.memory_space<semaphore_mem>>
            %dma_start3A_305 = tpu.memref_squeeze %dma_start3A_304 : memref<1x!tpu.dma_semaphore, #tpu.memory_space<semaphore_mem>> -> memref<!tpu.dma_semaphore, #tpu.memory_space<semaphore_mem>>
            %dma_start3A_306 = arith.constant 0 : i32
            %dma_start3A_307 = tpu.memref_slice %arg4[%mul3A_297, %dma_start3A_306] : memref<4608x256xf32, #tpu.memory_space<hbm>> -> memref<128x256xf32, #tpu.memory_space<hbm>>
            %dma_start3A_308 = arith.constant 0 : i32
            %dma_start3A_309 = arith.constant 0 : i32
            %dma_start3A_310 = tpu.memref_slice %run_scoped3A_18[%rem3A_295, %dma_start3A_308, %dma_start3A_309] : memref<2x128x256xf32, #tpu.memory_space<vmem>> -> memref<1x128x256xf32, #tpu.memory_space<vmem>>
            %dma_start3A_311 = tpu.memref_squeeze %dma_start3A_310 : memref<1x128x256xf32, #tpu.memory_space<vmem>> -> memref<128x256xf32, #tpu.memory_space<vmem>>
            tpu.enqueue_dma source(%dma_start3A_311 : memref<128x256xf32, #tpu.memory_space<vmem>>) target(%dma_start3A_307 : memref<128x256xf32, #tpu.memory_space<hbm>>) target_semaphore(%dma_start3A_305 : memref<!tpu.dma_semaphore, #tpu.memory_space<semaphore_mem>>)
            "tpu.trace_stop"() : () -> ()
          } else {
          }
          %and3A_248 = arith.constant true
          %and3A_249 = arith.andi %or3A_244, %and3A_248 : i1
          %add3A_250 = arith.constant 1 : i32
          %add3A_251 = arith.addi %while3A_145, %add3A_250 : i32
          %select_n3A_252 = arith.select %and3A_249, %add3A_251, %while3A_145 : i32
          %ne3A_253 = arith.cmpi ne, %add3A_155, %add3A_165 : i32
          %or3A_254 = arith.constant false
          %or3A_255 = arith.ori %or3A_254, %ne3A_253 : i1
          %not3A_256 = arith.constant true
          %not3A_257 = arith.xori %eq3A_151, %not3A_256 : i1
          %and3A_258 = arith.andi %or3A_255, %not3A_257 : i1
          %convert_element_type3A_259 = arith.extui %and3A_258 : i1 to i32
          %cond3A_260 = arith.constant 0 : i32
          %cond3A_261 = arith.cmpi ne, %convert_element_type3A_259, %cond3A_260 : i32
          scf.if %cond3A_261 {
          } else {
          }
          %and3A_262 = arith.constant false
          %and3A_263 = arith.andi %and3A_258, %and3A_262 : i1
          %ne3A_264 = arith.cmpi ne, %add3A_155, %add3A_165 : i32
          %or3A_265 = arith.constant false
          %or3A_266 = arith.ori %or3A_265, %ne3A_264 : i1
          %or3A_267 = arith.constant false
          %or3A_268 = arith.ori %or3A_266, %or3A_267 : i1
          %not3A_269 = arith.constant true
          %not3A_270 = arith.xori %eq3A_151, %not3A_269 : i1
          %and3A_271 = arith.andi %or3A_268, %not3A_270 : i1
          %convert_element_type3A_272 = arith.extui %and3A_271 : i1 to i32
          %cond3A_273 = arith.constant 0 : i32
          %cond3A_274 = arith.cmpi ne, %convert_element_type3A_272, %cond3A_273 : i32
          scf.if %cond3A_274 {
            "tpu.trace_start"() <{level = 10 : i32, message = "ep_wait_out"}> : () -> ()
            %rem3A_294 = arith.constant 2 : i32
            %rem3A_295 = arith.remui %while3A_146, %rem3A_294 : i32
            %mul3A_296 = arith.constant 128 : i32
            %mul3A_297 = arith.muli %mul3A_296, %add3A_165 : i32
            %dma_wait3A = arith.constant 0 : i32
            %dma_wait3A_298 = arith.constant 0 : i32
            %dma_wait3A_299 = tpu.memref_slice %run_scoped3A_18[%rem3A_295, %dma_wait3A, %dma_wait3A_298] : memref<2x128x256xf32, #tpu.memory_space<vmem>> -> memref<1x128x256xf32, #tpu.memory_space<vmem>>
            %dma_wait3A_300 = tpu.memref_squeeze %dma_wait3A_299 : memref<1x128x256xf32, #tpu.memory_space<vmem>> -> memref<128x256xf32, #tpu.memory_space<vmem>>
            %dma_wait3A_301 = arith.constant 0 : i32
            %dma_wait3A_302 = tpu.memref_slice %arg4[%mul3A_297, %dma_wait3A_301] : memref<4608x256xf32, #tpu.memory_space<hbm>> -> memref<128x256xf32, #tpu.memory_space<hbm>>
            %dma_wait3A_303 = tpu.memref_slice %run_scoped3A_19[%rem3A_295] : memref<2x!tpu.dma_semaphore, #tpu.memory_space<semaphore_mem>> -> memref<1x!tpu.dma_semaphore, #tpu.memory_space<semaphore_mem>>
            %dma_wait3A_304 = tpu.memref_squeeze %dma_wait3A_303 : memref<1x!tpu.dma_semaphore, #tpu.memory_space<semaphore_mem>> -> memref<!tpu.dma_semaphore, #tpu.memory_space<semaphore_mem>>
            %dma_wait3A_305 = arith.constant 0 : i32
            %dma_wait3A_306 = tpu.memref_slice %arg4[%mul3A_297, %dma_wait3A_305] : memref<4608x256xf32, #tpu.memory_space<hbm>> -> memref<128x256xf32, #tpu.memory_space<hbm>>
            %dma_wait3A_307 = arith.constant 0 : i32
            %dma_wait3A_308 = arith.constant 0 : i32
            %dma_wait3A_309 = tpu.memref_slice %run_scoped3A_18[%rem3A_295, %dma_wait3A_307, %dma_wait3A_308] : memref<2x128x256xf32, #tpu.memory_space<vmem>> -> memref<1x128x256xf32, #tpu.memory_space<vmem>>
            %dma_wait3A_310 = tpu.memref_squeeze %dma_wait3A_309 : memref<1x128x256xf32, #tpu.memory_space<vmem>> -> memref<128x256xf32, #tpu.memory_space<vmem>>
            tpu.wait_dma2 semaphore(%dma_wait3A_304 : memref<!tpu.dma_semaphore, #tpu.memory_space<semaphore_mem>>) src(%dma_wait3A_310 : memref<128x256xf32, #tpu.memory_space<vmem>>) dst(%dma_wait3A_306 : memref<128x256xf32, #tpu.memory_space<hbm>>)
            "tpu.trace_stop"() : () -> ()
          } else {
          }
          %and3A_275 = arith.constant true
          %and3A_276 = arith.andi %and3A_271, %and3A_275 : i1
          %add3A_277 = arith.constant 1 : i32
          %add3A_278 = arith.addi %while3A_146, %add3A_277 : i32
          %select_n3A_279 = arith.select %and3A_276, %add3A_278, %while3A_146 : i32
          %ne3A_280 = arith.cmpi ne, %add3A_155, %add3A_173 : i32
          %or3A_281 = arith.constant false
          %or3A_282 = arith.ori %or3A_281, %ne3A_280 : i1
          %or3A_283 = arith.ori %or3A_282, %eq3A_154 : i1
          %add3A_284 = arith.constant 1 : i32
          %add3A_285 = arith.addi %while3A_144, %add3A_284 : i32
          %select_n3A_286 = arith.select %or3A_283, %add3A_285, %while3A_144 : i32
          %add3A_287 = arith.constant 1 : i32
          %add3A_288 = arith.addi %while3A_147, %add3A_287 : i32
          %select_n3A_289 = arith.constant true
          %select_n3A_290 = arith.select %select_n3A_289, %add3A_288, %while3A_147 : i32
          %eq3A_291 = arith.cmpi eq, %select_n3A_290, %select_n3A : i32
          %select_n3A_292 = arith.constant 0 : i32
          %select_n3A_293 = arith.select %eq3A_291, %select_n3A_292, %select_n3A_290 : i32
          scf.yield %select_n3A_195, %select_n3A_286, %select_n3A_252, %select_n3A_279, %select_n3A_293 : i32, i32, i32, i32, i32
        }
        %while3A_89 = arith.constant 1 : i32
        %while3A_90:5 = scf.for %while3A_142 = %while3A_86 to %while3A_82 step %while3A_89 iter_args(%while3A_143 = %while3A_88#0, %while3A_144 = %while3A_88#1, %while3A_145 = %while3A_88#2, %while3A_146 = %while3A_88#3, %while3A_147 = %while3A_88#4) -> (i32, i32, i32, i32, i32)  : i32 {
          %mul3A_148 = arith.constant 1 : i32
          %mul3A_149 = arith.muli %mul3A_148, %select_n3A : i32
          %eq3A_150 = arith.constant 0 : i32
          %eq3A_151 = arith.cmpi eq, %while3A_142, %eq3A_150 : i32
          %sub3A_152 = arith.constant 1 : i32
          %sub3A_153 = arith.subi %mul3A_149, %sub3A_152 : i32
          %eq3A_154 = arith.cmpi eq, %while3A_142, %sub3A_153 : i32
          %add3A_155 = arith.addi %while3A_147, %select_n3A_14 : i32
          %sub3A_156 = arith.constant 1 : i32
          %sub3A_157 = arith.subi %while3A_147, %sub3A_156 : i32
          %select_n3A_158 = arith.constant true
          %select_n3A_159 = arith.select %select_n3A_158, %sub3A_157, %while3A_147 : i32
          %eq3A_160 = arith.constant -1 : i32
          %eq3A_161 = arith.cmpi eq, %select_n3A_159, %eq3A_160 : i32
          %sub3A_162 = arith.constant 1 : i32
          %sub3A_163 = arith.subi %select_n3A, %sub3A_162 : i32
          %select_n3A_164 = arith.select %eq3A_161, %sub3A_163, %select_n3A_159 : i32
          %add3A_165 = arith.addi %select_n3A_164, %select_n3A_14 : i32
          %add3A_166 = arith.constant 1 : i32
          %add3A_167 = arith.addi %while3A_147, %add3A_166 : i32
          %select_n3A_168 = arith.constant true
          %select_n3A_169 = arith.select %select_n3A_168, %add3A_167, %while3A_147 : i32
          %eq3A_170 = arith.cmpi eq, %select_n3A_169, %select_n3A : i32
          %select_n3A_171 = arith.constant 0 : i32
          %select_n3A_172 = arith.select %eq3A_170, %select_n3A_171, %select_n3A_169 : i32
          %add3A_173 = arith.addi %select_n3A_172, %select_n3A_14 : i32
          %add3A_174 = arith.constant 1 : i32
          %add3A_175 = arith.addi %select_n3A_172, %add3A_174 : i32
          %select_n3A_176 = arith.constant true
          %select_n3A_177 = arith.select %select_n3A_176, %add3A_175, %select_n3A_172 : i32
          %eq3A_178 = arith.cmpi eq, %select_n3A_177, %select_n3A : i32
          %select_n3A_179 = arith.constant 0 : i32
          %select_n3A_180 = arith.select %eq3A_178, %select_n3A_179, %select_n3A_177 : i32
          %add3A_181 = arith.addi %select_n3A_180, %select_n3A_14 : i32
          %ne3A = arith.cmpi ne, %add3A_155, %add3A_173 : i32
          %or3A = arith.constant false
          %or3A_182 = arith.ori %or3A, %ne3A : i1
          %sub3A_183 = arith.constant 2 : i32
          %sub3A_184 = arith.subi %mul3A_149, %sub3A_183 : i32
          %add3A_185 = arith.constant 1 : i32
          %add3A_186 = arith.addi %sub3A_184, %add3A_185 : i32
          %ge3A = arith.cmpi sge, %while3A_142, %add3A_186 : i32
          %not3A = arith.constant true
          %not3A_187 = arith.xori %ge3A, %not3A : i1
          %and3A = arith.andi %or3A_182, %not3A_187 : i1
          %convert_element_type3A_188 = arith.extui %and3A : i1 to i32
          %cond3A_189 = arith.constant 0 : i32
          %cond3A_190 = arith.cmpi ne, %convert_element_type3A_188, %cond3A_189 : i32
          scf.if %cond3A_190 {
            "tpu.trace_start"() <{level = 10 : i32, message = "ep_copy_in"}> : () -> ()
            %rem3A_294 = arith.constant 2 : i32
            %rem3A_295 = arith.remui %while3A_143, %rem3A_294 : i32
            %mul3A_296 = arith.constant 128 : i32
            %mul3A_297 = arith.muli %mul3A_296, %add3A_173 : i32
            %dma_start3A_298 = arith.constant 0 : i32
            %dma_start3A_299 = arith.constant 0 : i32
            %dma_start3A_300 = tpu.memref_slice %run_scoped3A[%rem3A_295, %dma_start3A_298, %dma_start3A_299] : memref<2x1x128xi32, #tpu.memory_space<vmem>> -> memref<1x1x128xi32, #tpu.memory_space<vmem>>
            %dma_start3A_301 = tpu.memref_squeeze %dma_start3A_300 : memref<1x1x128xi32, #tpu.memory_space<vmem>> -> memref<1x128xi32, #tpu.memory_space<vmem>>
            %dma_start3A_302 = arith.constant 0 : i32
            %dma_start3A_303 = tpu.memref_slice %arg3[%dma_start3A_302, %mul3A_297] : memref<1x4608xi32, #tpu.memory_space<hbm>> -> memref<1x128xi32, #tpu.memory_space<hbm>>
            %dma_start3A_304 = tpu.memref_slice %run_scoped3A_17[%rem3A_295] : memref<2x!tpu.dma_semaphore, #tpu.memory_space<semaphore_mem>> -> memref<1x!tpu.dma_semaphore, #tpu.memory_space<semaphore_mem>>
            %dma_start3A_305 = tpu.memref_squeeze %dma_start3A_304 : memref<1x!tpu.dma_semaphore, #tpu.memory_space<semaphore_mem>> -> memref<!tpu.dma_semaphore, #tpu.memory_space<semaphore_mem>>
            %dma_start3A_306 = arith.constant 0 : i32
            %dma_start3A_307 = arith.constant 0 : i32
            %dma_start3A_308 = tpu.memref_slice %run_scoped3A[%rem3A_295, %dma_start3A_306, %dma_start3A_307] : memref<2x1x128xi32, #tpu.memory_space<vmem>> -> memref<1x1x128xi32, #tpu.memory_space<vmem>>
            %dma_start3A_309 = tpu.memref_squeeze %dma_start3A_308 : memref<1x1x128xi32, #tpu.memory_space<vmem>> -> memref<1x128xi32, #tpu.memory_space<vmem>>
            %dma_start3A_310 = arith.constant 0 : i32
            %dma_start3A_311 = tpu.memref_slice %arg3[%dma_start3A_310, %mul3A_297] : memref<1x4608xi32, #tpu.memory_space<hbm>> -> memref<1x128xi32, #tpu.memory_space<hbm>>
            tpu.enqueue_dma source(%dma_start3A_311 : memref<1x128xi32, #tpu.memory_space<hbm>>) target(%dma_start3A_309 : memref<1x128xi32, #tpu.memory_space<vmem>>) target_semaphore(%dma_start3A_305 : memref<!tpu.dma_semaphore, #tpu.memory_space<semaphore_mem>>)
            "tpu.trace_stop"() : () -> ()
          } else {
          }
          %and3A_191 = arith.constant true
          %and3A_192 = arith.andi %and3A, %and3A_191 : i1
          %add3A_193 = arith.constant 1 : i32
          %add3A_194 = arith.addi %while3A_143, %add3A_193 : i32
          %select_n3A_195 = arith.select %and3A_192, %add3A_194, %while3A_143 : i32
          %ne3A_196 = arith.cmpi ne, %add3A_155, %add3A_173 : i32
          %or3A_197 = arith.constant false
          %or3A_198 = arith.ori %or3A_197, %ne3A_196 : i1
          %or3A_199 = arith.constant false
          %or3A_200 = arith.ori %or3A_198, %or3A_199 : i1
          %sub3A_201 = arith.constant 2 : i32
          %sub3A_202 = arith.subi %mul3A_149, %sub3A_201 : i32
          %add3A_203 = arith.constant 1 : i32
          %add3A_204 = arith.addi %sub3A_202, %add3A_203 : i32
          %ge3A_205 = arith.cmpi sge, %while3A_142, %add3A_204 : i32
          %not3A_206 = arith.constant true
          %not3A_207 = arith.xori %ge3A_205, %not3A_206 : i1
          %and3A_208 = arith.andi %or3A_200, %not3A_207 : i1
          %ne3A_209 = arith.cmpi ne, %add3A_155, %add3A_165 : i32
          %or3A_210 = arith.constant false
          %or3A_211 = arith.ori %or3A_210, %ne3A_209 : i1
          %or3A_212 = arith.ori %or3A_211, %eq3A_151 : i1
          %convert_element_type3A_213 = arith.extui %or3A_212 : i1 to i32
          %cond3A_214 = arith.constant 0 : i32
          %cond3A_215 = arith.cmpi ne, %convert_element_type3A_213, %cond3A_214 : i32
          scf.if %cond3A_215 {
            "tpu.trace_start"() <{level = 10 : i32, message = "ep_wait_in"}> : () -> ()
            %mul3A_294 = arith.constant 128 : i32
            %mul3A_295 = arith.muli %mul3A_294, %add3A_155 : i32
            %rem3A_296 = arith.constant 2 : i32
            %rem3A_297 = arith.remui %while3A_144, %rem3A_296 : i32
            %dma_wait3A = arith.constant 0 : i32
            %dma_wait3A_298 = arith.constant 0 : i32
            %dma_wait3A_299 = tpu.memref_slice %run_scoped3A[%rem3A_297, %dma_wait3A, %dma_wait3A_298] : memref<2x1x128xi32, #tpu.memory_space<vmem>> -> memref<1x1x128xi32, #tpu.memory_space<vmem>>
            %dma_wait3A_300 = tpu.memref_squeeze %dma_wait3A_299 : memref<1x1x128xi32, #tpu.memory_space<vmem>> -> memref<1x128xi32, #tpu.memory_space<vmem>>
            %dma_wait3A_301 = arith.constant 0 : i32
            %dma_wait3A_302 = tpu.memref_slice %arg3[%dma_wait3A_301, %mul3A_295] : memref<1x4608xi32, #tpu.memory_space<hbm>> -> memref<1x128xi32, #tpu.memory_space<hbm>>
            %dma_wait3A_303 = tpu.memref_slice %run_scoped3A_17[%rem3A_297] : memref<2x!tpu.dma_semaphore, #tpu.memory_space<semaphore_mem>> -> memref<1x!tpu.dma_semaphore, #tpu.memory_space<semaphore_mem>>
            %dma_wait3A_304 = tpu.memref_squeeze %dma_wait3A_303 : memref<1x!tpu.dma_semaphore, #tpu.memory_space<semaphore_mem>> -> memref<!tpu.dma_semaphore, #tpu.memory_space<semaphore_mem>>
            %dma_wait3A_305 = arith.constant 0 : i32
            %dma_wait3A_306 = arith.constant 0 : i32
            %dma_wait3A_307 = tpu.memref_slice %run_scoped3A[%rem3A_297, %dma_wait3A_305, %dma_wait3A_306] : memref<2x1x128xi32, #tpu.memory_space<vmem>> -> memref<1x1x128xi32, #tpu.memory_space<vmem>>
            %dma_wait3A_308 = tpu.memref_squeeze %dma_wait3A_307 : memref<1x1x128xi32, #tpu.memory_space<vmem>> -> memref<1x128xi32, #tpu.memory_space<vmem>>
            %dma_wait3A_309 = arith.constant 0 : i32
            %dma_wait3A_310 = tpu.memref_slice %arg3[%dma_wait3A_309, %mul3A_295] : memref<1x4608xi32, #tpu.memory_space<hbm>> -> memref<1x128xi32, #tpu.memory_space<hbm>>
            tpu.wait_dma2 semaphore(%dma_wait3A_304 : memref<!tpu.dma_semaphore, #tpu.memory_space<semaphore_mem>>) src(%dma_wait3A_310 : memref<1x128xi32, #tpu.memory_space<hbm>>) dst(%dma_wait3A_308 : memref<1x128xi32, #tpu.memory_space<vmem>>)
            "tpu.trace_stop"() : () -> ()
          } else {
          }
          %ne3A_216 = arith.cmpi ne, %add3A_155, %add3A_165 : i32
          %or3A_217 = arith.constant false
          %or3A_218 = arith.ori %or3A_217, %ne3A_216 : i1
          %or3A_219 = arith.constant false
          %or3A_220 = arith.ori %or3A_218, %or3A_219 : i1
          %or3A_221 = arith.ori %or3A_220, %eq3A_151 : i1
          %convert_element_type3A_222 = arith.extui %or3A_221 : i1 to i32
          %cond3A_223 = arith.constant 0 : i32
          %cond3A_224 = arith.cmpi ne, %convert_element_type3A_222, %cond3A_223 : i32
          scf.if %cond3A_224 {
          } else {
          }
          %rem3A_225 = arith.constant 2 : i32
          %rem3A_226 = arith.remui %while3A_144, %rem3A_225 : i32
          %rem3A_227 = arith.constant 2 : i32
          %rem3A_228 = arith.remui %while3A_145, %rem3A_227 : i32
          %run_scoped3A_229 = arith.constant 0 : i32
          "tpu.trace_start"() <{level = 10 : i32, message = "ep_run_kernel"}> : () -> ()
          "tpu.region"() ({
            %run_scoped3A_294 = tpu.sem_alloc : memref<!tpu.dma_semaphore, #tpu.memory_space<semaphore_mem>>
            %dma_start3A_295 = arith.constant 0 : i32
            %dma_start3A_296 = arith.constant 0 : i32
            %dma_start3A_297 = tpu.memref_slice %run_scoped3A_18[%rem3A_228, %dma_start3A_295, %dma_start3A_296] : memref<2x128x256xf32, #tpu.memory_space<vmem>> -> memref<1x128x256xf32, #tpu.memory_space<vmem>>
            %dma_start3A_298 = tpu.memref_squeeze %dma_start3A_297 : memref<1x128x256xf32, #tpu.memory_space<vmem>> -> memref<128x256xf32, #tpu.memory_space<vmem>>
            %dma_start3A_299 = arith.constant 0 : i32
            %dma_start3A_300 = arith.constant 0 : i32
            %dma_start3A_301 = tpu.memref_slice %run_scoped3A[%rem3A_226, %dma_start3A_299, %dma_start3A_300] : memref<2x1x128xi32, #tpu.memory_space<vmem>> -> memref<1x1x128xi32, #tpu.memory_space<vmem>>
            %dma_start3A_302 = tpu.memref_squeeze %dma_start3A_301 : memref<1x1x128xi32, #tpu.memory_space<vmem>> -> memref<1x128xi32, #tpu.memory_space<vmem>>
            %dma_start3A_303 = arith.constant 0 : i32
            %dma_start3A_304 = tpu.memref_slice %dma_start3A_302[%run_scoped3A_229, %dma_start3A_303] : memref<1x128xi32, #tpu.memory_space<vmem>> -> memref<1x128xi32, #tpu.memory_space<vmem>>
            %dma_start3A_305 = tpu.memref_squeeze %dma_start3A_304 : memref<1x128xi32, #tpu.memory_space<vmem>> -> memref<128xi32, #tpu.memory_space<vmem>>
            %dma_start3A_306 = arith.constant 0 : i32
            %dma_start3A_307 = arith.constant 0 : i32
            %dma_start3A_308 = tpu.memref_slice %arg2[%dma_start3A_306, %dma_start3A_307] : memref<8192x256xf32, #tpu.memory_space<hbm>> -> memref<8192x256xf32, #tpu.memory_space<hbm>>
            tpu.enqueue_indirect_dma source(%dma_start3A_308 : memref<8192x256xf32, #tpu.memory_space<hbm>>) target(%dma_start3A_298 : memref<128x256xf32, #tpu.memory_space<vmem>>) offsets(%dma_start3A_305 : memref<128xi32, #tpu.memory_space<vmem>>) semaphore(%run_scoped3A_294 : memref<!tpu.dma_semaphore, #tpu.memory_space<semaphore_mem>>)
            %dma_wait3A = arith.constant 0 : i32
            %dma_wait3A_309 = arith.constant 0 : i32
            %dma_wait3A_310 = tpu.memref_slice %run_scoped3A_18[%rem3A_228, %dma_wait3A, %dma_wait3A_309] : memref<2x128x256xf32, #tpu.memory_space<vmem>> -> memref<1x128x256xf32, #tpu.memory_space<vmem>>
            %dma_wait3A_311 = tpu.memref_squeeze %dma_wait3A_310 : memref<1x128x256xf32, #tpu.memory_space<vmem>> -> memref<128x256xf32, #tpu.memory_space<vmem>>
            %dma_wait3A_312 = arith.constant 0 : i32
            %dma_wait3A_313 = arith.constant 0 : i32
            %dma_wait3A_314 = tpu.memref_slice %run_scoped3A[%rem3A_226, %dma_wait3A_312, %dma_wait3A_313] : memref<2x1x128xi32, #tpu.memory_space<vmem>> -> memref<1x1x128xi32, #tpu.memory_space<vmem>>
            %dma_wait3A_315 = tpu.memref_squeeze %dma_wait3A_314 : memref<1x1x128xi32, #tpu.memory_space<vmem>> -> memref<1x128xi32, #tpu.memory_space<vmem>>
            %dma_wait3A_316 = arith.constant 0 : i32
            %dma_wait3A_317 = tpu.memref_slice %dma_wait3A_315[%run_scoped3A_229, %dma_wait3A_316] : memref<1x128xi32, #tpu.memory_space<vmem>> -> memref<1x128xi32, #tpu.memory_space<vmem>>
            %dma_wait3A_318 = tpu.memref_squeeze %dma_wait3A_317 : memref<1x128xi32, #tpu.memory_space<vmem>> -> memref<128xi32, #tpu.memory_space<vmem>>
            %dma_wait3A_319 = arith.constant 0 : i32
            %dma_wait3A_320 = arith.constant 0 : i32
            %dma_wait3A_321 = tpu.memref_slice %arg2[%dma_wait3A_319, %dma_wait3A_320] : memref<8192x256xf32, #tpu.memory_space<hbm>> -> memref<8192x256xf32, #tpu.memory_space<hbm>>
            tpu.wait_indirect_dma semaphore(%run_scoped3A_294 : memref<!tpu.dma_semaphore, #tpu.memory_space<semaphore_mem>>) src(%dma_wait3A_321 : memref<8192x256xf32, #tpu.memory_space<hbm>>) dst(%dma_wait3A_311 : memref<128x256xf32, #tpu.memory_space<vmem>>)
            tpu.yield
          }) : () -> ()
          "tpu.trace_stop"() : () -> ()
          %ne3A_230 = arith.cmpi ne, %add3A_155, %add3A_173 : i32
          %or3A_231 = arith.constant false
          %or3A_232 = arith.ori %or3A_231, %ne3A_230 : i1
          %or3A_233 = arith.ori %or3A_232, %eq3A_154 : i1
          %convert_element_type3A_234 = arith.extui %or3A_233 : i1 to i32
          %cond3A_235 = arith.constant 0 : i32
          %cond3A_236 = arith.cmpi ne, %convert_element_type3A_234, %cond3A_235 : i32
          scf.if %cond3A_236 {
          } else {
          }
          %and3A_237 = arith.constant false
          %and3A_238 = arith.andi %or3A_233, %and3A_237 : i1
          %ne3A_239 = arith.cmpi ne, %add3A_155, %add3A_173 : i32
          %or3A_240 = arith.constant false
          %or3A_241 = arith.ori %or3A_240, %ne3A_239 : i1
          %or3A_242 = arith.constant false
          %or3A_243 = arith.ori %or3A_241, %or3A_242 : i1
          %or3A_244 = arith.ori %or3A_243, %eq3A_154 : i1
          %convert_element_type3A_245 = arith.extui %or3A_244 : i1 to i32
          %cond3A_246 = arith.constant 0 : i32
          %cond3A_247 = arith.cmpi ne, %convert_element_type3A_245, %cond3A_246 : i32
          scf.if %cond3A_247 {
            "tpu.trace_start"() <{level = 10 : i32, message = "ep_copy_out"}> : () -> ()
            %rem3A_294 = arith.constant 2 : i32
            %rem3A_295 = arith.remui %while3A_145, %rem3A_294 : i32
            %mul3A_296 = arith.constant 128 : i32
            %mul3A_297 = arith.muli %mul3A_296, %add3A_155 : i32
            %dma_start3A_298 = arith.constant 0 : i32
            %dma_start3A_299 = arith.constant 0 : i32
            %dma_start3A_300 = tpu.memref_slice %run_scoped3A_18[%rem3A_295, %dma_start3A_298, %dma_start3A_299] : memref<2x128x256xf32, #tpu.memory_space<vmem>> -> memref<1x128x256xf32, #tpu.memory_space<vmem>>
            %dma_start3A_301 = tpu.memref_squeeze %dma_start3A_300 : memref<1x128x256xf32, #tpu.memory_space<vmem>> -> memref<128x256xf32, #tpu.memory_space<vmem>>
            %dma_start3A_302 = arith.constant 0 : i32
            %dma_start3A_303 = tpu.memref_slice %arg4[%mul3A_297, %dma_start3A_302] : memref<4608x256xf32, #tpu.memory_space<hbm>> -> memref<128x256xf32, #tpu.memory_space<hbm>>
            %dma_start3A_304 = tpu.memref_slice %run_scoped3A_19[%rem3A_295] : memref<2x!tpu.dma_semaphore, #tpu.memory_space<semaphore_mem>> -> memref<1x!tpu.dma_semaphore, #tpu.memory_space<semaphore_mem>>
            %dma_start3A_305 = tpu.memref_squeeze %dma_start3A_304 : memref<1x!tpu.dma_semaphore, #tpu.memory_space<semaphore_mem>> -> memref<!tpu.dma_semaphore, #tpu.memory_space<semaphore_mem>>
            %dma_start3A_306 = arith.constant 0 : i32
            %dma_start3A_307 = tpu.memref_slice %arg4[%mul3A_297, %dma_start3A_306] : memref<4608x256xf32, #tpu.memory_space<hbm>> -> memref<128x256xf32, #tpu.memory_space<hbm>>
            %dma_start3A_308 = arith.constant 0 : i32
            %dma_start3A_309 = arith.constant 0 : i32
            %dma_start3A_310 = tpu.memref_slice %run_scoped3A_18[%rem3A_295, %dma_start3A_308, %dma_start3A_309] : memref<2x128x256xf32, #tpu.memory_space<vmem>> -> memref<1x128x256xf32, #tpu.memory_space<vmem>>
            %dma_start3A_311 = tpu.memref_squeeze %dma_start3A_310 : memref<1x128x256xf32, #tpu.memory_space<vmem>> -> memref<128x256xf32, #tpu.memory_space<vmem>>
            tpu.enqueue_dma source(%dma_start3A_311 : memref<128x256xf32, #tpu.memory_space<vmem>>) target(%dma_start3A_307 : memref<128x256xf32, #tpu.memory_space<hbm>>) target_semaphore(%dma_start3A_305 : memref<!tpu.dma_semaphore, #tpu.memory_space<semaphore_mem>>)
            "tpu.trace_stop"() : () -> ()
          } else {
          }
          %and3A_248 = arith.constant true
          %and3A_249 = arith.andi %or3A_244, %and3A_248 : i1
          %add3A_250 = arith.constant 1 : i32
          %add3A_251 = arith.addi %while3A_145, %add3A_250 : i32
          %select_n3A_252 = arith.select %and3A_249, %add3A_251, %while3A_145 : i32
          %ne3A_253 = arith.cmpi ne, %add3A_155, %add3A_165 : i32
          %or3A_254 = arith.constant false
          %or3A_255 = arith.ori %or3A_254, %ne3A_253 : i1
          %not3A_256 = arith.constant true
          %not3A_257 = arith.xori %eq3A_151, %not3A_256 : i1
          %and3A_258 = arith.andi %or3A_255, %not3A_257 : i1
          %convert_element_type3A_259 = arith.extui %and3A_258 : i1 to i32
          %cond3A_260 = arith.constant 0 : i32
          %cond3A_261 = arith.cmpi ne, %convert_element_type3A_259, %cond3A_260 : i32
          scf.if %cond3A_261 {
          } else {
          }
          %and3A_262 = arith.constant false
          %and3A_263 = arith.andi %and3A_258, %and3A_262 : i1
          %ne3A_264 = arith.cmpi ne, %add3A_155, %add3A_165 : i32
          %or3A_265 = arith.constant false
          %or3A_266 = arith.ori %or3A_265, %ne3A_264 : i1
          %or3A_267 = arith.constant false
          %or3A_268 = arith.ori %or3A_266, %or3A_267 : i1
          %not3A_269 = arith.constant true
          %not3A_270 = arith.xori %eq3A_151, %not3A_269 : i1
          %and3A_271 = arith.andi %or3A_268, %not3A_270 : i1
          %convert_element_type3A_272 = arith.extui %and3A_271 : i1 to i32
          %cond3A_273 = arith.constant 0 : i32
          %cond3A_274 = arith.cmpi ne, %convert_element_type3A_272, %cond3A_273 : i32
          scf.if %cond3A_274 {
            "tpu.trace_start"() <{level = 10 : i32, message = "ep_wait_out"}> : () -> ()
            %rem3A_294 = arith.constant 2 : i32
            %rem3A_295 = arith.remui %while3A_146, %rem3A_294 : i32
            %mul3A_296 = arith.constant 128 : i32
            %mul3A_297 = arith.muli %mul3A_296, %add3A_165 : i32
            %dma_wait3A = arith.constant 0 : i32
            %dma_wait3A_298 = arith.constant 0 : i32
            %dma_wait3A_299 = tpu.memref_slice %run_scoped3A_18[%rem3A_295, %dma_wait3A, %dma_wait3A_298] : memref<2x128x256xf32, #tpu.memory_space<vmem>> -> memref<1x128x256xf32, #tpu.memory_space<vmem>>
            %dma_wait3A_300 = tpu.memref_squeeze %dma_wait3A_299 : memref<1x128x256xf32, #tpu.memory_space<vmem>> -> memref<128x256xf32, #tpu.memory_space<vmem>>
            %dma_wait3A_301 = arith.constant 0 : i32
            %dma_wait3A_302 = tpu.memref_slice %arg4[%mul3A_297, %dma_wait3A_301] : memref<4608x256xf32, #tpu.memory_space<hbm>> -> memref<128x256xf32, #tpu.memory_space<hbm>>
            %dma_wait3A_303 = tpu.memref_slice %run_scoped3A_19[%rem3A_295] : memref<2x!tpu.dma_semaphore, #tpu.memory_space<semaphore_mem>> -> memref<1x!tpu.dma_semaphore, #tpu.memory_space<semaphore_mem>>
            %dma_wait3A_304 = tpu.memref_squeeze %dma_wait3A_303 : memref<1x!tpu.dma_semaphore, #tpu.memory_space<semaphore_mem>> -> memref<!tpu.dma_semaphore, #tpu.memory_space<semaphore_mem>>
            %dma_wait3A_305 = arith.constant 0 : i32
            %dma_wait3A_306 = tpu.memref_slice %arg4[%mul3A_297, %dma_wait3A_305] : memref<4608x256xf32, #tpu.memory_space<hbm>> -> memref<128x256xf32, #tpu.memory_space<hbm>>
            %dma_wait3A_307 = arith.constant 0 : i32
            %dma_wait3A_308 = arith.constant 0 : i32
            %dma_wait3A_309 = tpu.memref_slice %run_scoped3A_18[%rem3A_295, %dma_wait3A_307, %dma_wait3A_308] : memref<2x128x256xf32, #tpu.memory_space<vmem>> -> memref<1x128x256xf32, #tpu.memory_space<vmem>>
            %dma_wait3A_310 = tpu.memref_squeeze %dma_wait3A_309 : memref<1x128x256xf32, #tpu.memory_space<vmem>> -> memref<128x256xf32, #tpu.memory_space<vmem>>
            tpu.wait_dma2 semaphore(%dma_wait3A_304 : memref<!tpu.dma_semaphore, #tpu.memory_space<semaphore_mem>>) src(%dma_wait3A_310 : memref<128x256xf32, #tpu.memory_space<vmem>>) dst(%dma_wait3A_306 : memref<128x256xf32, #tpu.memory_space<hbm>>)
            "tpu.trace_stop"() : () -> ()
          } else {
          }
          %and3A_275 = arith.constant true
          %and3A_276 = arith.andi %and3A_271, %and3A_275 : i1
          %add3A_277 = arith.constant 1 : i32
          %add3A_278 = arith.addi %while3A_146, %add3A_277 : i32
          %select_n3A_279 = arith.select %and3A_276, %add3A_278, %while3A_146 : i32
          %ne3A_280 = arith.cmpi ne, %add3A_155, %add3A_173 : i32
          %or3A_281 = arith.constant false
          %or3A_282 = arith.ori %or3A_281, %ne3A_280 : i1
          %or3A_283 = arith.ori %or3A_282, %eq3A_154 : i1
          %add3A_284 = arith.constant 1 : i32
          %add3A_285 = arith.addi %while3A_144, %add3A_284 : i32
          %select_n3A_286 = arith.select %or3A_283, %add3A_285, %while3A_144 : i32
          %add3A_287 = arith.constant 1 : i32
          %add3A_288 = arith.addi %while3A_147, %add3A_287 : i32
          %select_n3A_289 = arith.constant true
          %select_n3A_290 = arith.select %select_n3A_289, %add3A_288, %while3A_147 : i32
          %eq3A_291 = arith.cmpi eq, %select_n3A_290, %select_n3A : i32
          %select_n3A_292 = arith.constant 0 : i32
          %select_n3A_293 = arith.select %eq3A_291, %select_n3A_292, %select_n3A_290 : i32
          scf.yield %select_n3A_195, %select_n3A_286, %select_n3A_252, %select_n3A_279, %select_n3A_293 : i32, i32, i32, i32, i32
        }
        %sub3A_91 = arith.constant 1 : i32
        %sub3A_92 = arith.subi %while3A_90#4, %sub3A_91 : i32
        %select_n3A_93 = arith.constant true
        %select_n3A_94 = arith.select %select_n3A_93, %sub3A_92, %while3A_90#4 : i32
        %eq3A_95 = arith.constant -1 : i32
        %eq3A_96 = arith.cmpi eq, %select_n3A_94, %eq3A_95 : i32
        %sub3A_97 = arith.constant 1 : i32
        %sub3A_98 = arith.subi %select_n3A, %sub3A_97 : i32
        %select_n3A_99 = arith.select %eq3A_96, %sub3A_98, %select_n3A_94 : i32
        %sub3A_100 = arith.constant 1 : i32
        %sub3A_101 = arith.subi %mul3A_16, %sub3A_100 : i32
        %mul3A_102 = arith.constant 1 : i32
        %mul3A_103 = arith.muli %mul3A_102, %select_n3A : i32
        %eq3A_104 = arith.constant 0 : i32
        %eq3A_105 = arith.cmpi eq, %sub3A_101, %eq3A_104 : i32
        %sub3A_106 = arith.constant 1 : i32
        %sub3A_107 = arith.subi %mul3A_103, %sub3A_106 : i32
        %eq3A_108 = arith.cmpi eq, %sub3A_101, %sub3A_107 : i32
        %add3A_109 = arith.addi %select_n3A_99, %select_n3A_14 : i32
        %sub3A_110 = arith.constant 1 : i32
        %sub3A_111 = arith.subi %select_n3A_99, %sub3A_110 : i32
        %select_n3A_112 = arith.constant true
        %select_n3A_113 = arith.select %select_n3A_112, %sub3A_111, %select_n3A_99 : i32
        %eq3A_114 = arith.constant -1 : i32
        %eq3A_115 = arith.cmpi eq, %select_n3A_113, %eq3A_114 : i32
        %sub3A_116 = arith.constant 1 : i32
        %sub3A_117 = arith.subi %select_n3A, %sub3A_116 : i32
        %select_n3A_118 = arith.select %eq3A_115, %sub3A_117, %select_n3A_113 : i32
        %add3A_119 = arith.addi %select_n3A_118, %select_n3A_14 : i32
        %add3A_120 = arith.constant 1 : i32
        %add3A_121 = arith.addi %select_n3A_99, %add3A_120 : i32
        %select_n3A_122 = arith.constant true
        %select_n3A_123 = arith.select %select_n3A_122, %add3A_121, %select_n3A_99 : i32
        %eq3A_124 = arith.cmpi eq, %select_n3A_123, %select_n3A : i32
        %select_n3A_125 = arith.constant 0 : i32
        %select_n3A_126 = arith.select %eq3A_124, %select_n3A_125, %select_n3A_123 : i32
        %add3A_127 = arith.addi %select_n3A_126, %select_n3A_14 : i32
        %add3A_128 = arith.constant 1 : i32
        %add3A_129 = arith.addi %select_n3A_126, %add3A_128 : i32
        %select_n3A_130 = arith.constant true
        %select_n3A_131 = arith.select %select_n3A_130, %add3A_129, %select_n3A_126 : i32
        %eq3A_132 = arith.cmpi eq, %select_n3A_131, %select_n3A : i32
        %select_n3A_133 = arith.constant 0 : i32
        %select_n3A_134 = arith.select %eq3A_132, %select_n3A_133, %select_n3A_131 : i32
        %add3A_135 = arith.addi %select_n3A_134, %select_n3A_14 : i32
        %convert_element_type3A_136 = arith.extui %eq3A_108 : i1 to i32
        %cond3A_137 = arith.constant 0 : i32
        %cond3A_138 = arith.cmpi ne, %convert_element_type3A_136, %cond3A_137 : i32
        scf.if %cond3A_138 {
        } else {
        }
        %convert_element_type3A_139 = arith.extui %eq3A_108 : i1 to i32
        %cond3A_140 = arith.constant 0 : i32
        %cond3A_141 = arith.cmpi ne, %convert_element_type3A_139, %cond3A_140 : i32
        scf.if %cond3A_141 {
          "tpu.trace_start"() <{level = 10 : i32, message = "ep_finalize"}> : () -> ()
          %rem3A_142 = arith.constant 2 : i32
          %rem3A_143 = arith.remui %while3A_90#3, %rem3A_142 : i32
          %mul3A_144 = arith.constant 128 : i32
          %mul3A_145 = arith.muli %mul3A_144, %add3A_109 : i32
          %dma_wait3A = arith.constant 0 : i32
          %dma_wait3A_146 = arith.constant 0 : i32
          %dma_wait3A_147 = tpu.memref_slice %run_scoped3A_18[%rem3A_143, %dma_wait3A, %dma_wait3A_146] : memref<2x128x256xf32, #tpu.memory_space<vmem>> -> memref<1x128x256xf32, #tpu.memory_space<vmem>>
          %dma_wait3A_148 = tpu.memref_squeeze %dma_wait3A_147 : memref<1x128x256xf32, #tpu.memory_space<vmem>> -> memref<128x256xf32, #tpu.memory_space<vmem>>
          %dma_wait3A_149 = arith.constant 0 : i32
          %dma_wait3A_150 = tpu.memref_slice %arg4[%mul3A_145, %dma_wait3A_149] : memref<4608x256xf32, #tpu.memory_space<hbm>> -> memref<128x256xf32, #tpu.memory_space<hbm>>
          %dma_wait3A_151 = tpu.memref_slice %run_scoped3A_19[%rem3A_143] : memref<2x!tpu.dma_semaphore, #tpu.memory_space<semaphore_mem>> -> memref<1x!tpu.dma_semaphore, #tpu.memory_space<semaphore_mem>>
          %dma_wait3A_152 = tpu.memref_squeeze %dma_wait3A_151 : memref<1x!tpu.dma_semaphore, #tpu.memory_space<semaphore_mem>> -> memref<!tpu.dma_semaphore, #tpu.memory_space<semaphore_mem>>
          %dma_wait3A_153 = arith.constant 0 : i32
          %dma_wait3A_154 = tpu.memref_slice %arg4[%mul3A_145, %dma_wait3A_153] : memref<4608x256xf32, #tpu.memory_space<hbm>> -> memref<128x256xf32, #tpu.memory_space<hbm>>
          %dma_wait3A_155 = arith.constant 0 : i32
          %dma_wait3A_156 = arith.constant 0 : i32
          %dma_wait3A_157 = tpu.memref_slice %run_scoped3A_18[%rem3A_143, %dma_wait3A_155, %dma_wait3A_156] : memref<2x128x256xf32, #tpu.memory_space<vmem>> -> memref<1x128x256xf32, #tpu.memory_space<vmem>>
          %dma_wait3A_158 = tpu.memref_squeeze %dma_wait3A_157 : memref<1x128x256xf32, #tpu.memory_space<vmem>> -> memref<128x256xf32, #tpu.memory_space<vmem>>
          tpu.wait_dma2 semaphore(%dma_wait3A_152 : memref<!tpu.dma_semaphore, #tpu.memory_space<semaphore_mem>>) src(%dma_wait3A_158 : memref<128x256xf32, #tpu.memory_space<vmem>>) dst(%dma_wait3A_154 : memref<128x256xf32, #tpu.memory_space<hbm>>)
          "tpu.trace_stop"() : () -> ()
        } else {
        }
      } else {
      }
      tpu.yield
    }) : () -> ()
    return
  }
}

module attributes {stable_mosaic.version = 14 : i64} {
  func.func @_argmin_body(%arg0: i32, %arg1: memref<512x256xf32, #tpu.memory_space<vmem>>, %arg2: memref<8192x256xf32, #tpu.memory_space<vmem>>, %arg3: memref<1x8192xf32, #tpu.memory_space<vmem>>, %arg4: memref<1x1x512xi32, #tpu.memory_space<vmem>>, %arg5: memref<1x1xf32, #tpu.memory_space<vmem>>, %arg6: memref<8x256x1024xbf16, #tpu.memory_space<vmem>>) attributes {dimension_semantics = [#tpu.dimension_semantics<arbitrary>], iteration_bounds = array<i64: 9>, scalar_prefetch = 0 : i64, scratch_operands = 1 : i64, tpu.core_type = #tpu.core_type<tc>, window_params = [{transform_indices = @transform_0, window_bounds = array<i64: 512, 256>}, {pipeline_mode = #tpu.pipeline_mode<synchronous>, transform_indices = @transform_1, window_bounds = array<i64: 8192, 256>}, {pipeline_mode = #tpu.pipeline_mode<synchronous>, transform_indices = @transform_2, window_bounds = array<i64: 1, 8192>}, {transform_indices = @transform_3, window_bounds = array<i64: 1, 1, 512>}, {pipeline_mode = #tpu.pipeline_mode<synchronous>, transform_indices = @transform_4, window_bounds = array<i64: 1, 1>}]} {
    %eq3A = arith.constant 0 : i32
    %eq3A_0 = arith.cmpi eq, %arg0, %eq3A : i32
    %convert_element_type3A = arith.extui %eq3A_0 : i1 to i32
    %cond3A = arith.constant 0 : i32
    %cond3A_1 = arith.cmpi ne, %convert_element_type3A, %cond3A : i32
    scf.if %cond3A_1 {
      %get3A_1671 = arith.constant 0 : index
      %get3A_1672 = arith.constant 0 : index
      %get3A_1673 = vector.load %arg2[%get3A_1671, %get3A_1672] : memref<8192x256xf32, #tpu.memory_space<vmem>>, vector<1024x256xf32>
      %transpose3A_1674 = tpu.transpose %get3A_1673, [1, 0] : vector<1024x256xf32> -> vector<256x1024xf32>
      %convert_element_type3A_1675 = arith.truncf %transpose3A_1674 : vector<256x1024xf32> to vector<256x1024xbf16>
      %swap3A_1676 = arith.constant 0 : index
      %swap3A_1677 = arith.constant 0 : index
      %swap3A_1678 = arith.constant 0 : index
      %swap3A_1679 = vector.load %arg6[%swap3A_1676, %swap3A_1677, %swap3A_1678] : memref<8x256x1024xbf16, #tpu.memory_space<vmem>>, vector<1x256x1024xbf16>
      %swap3A_1680 = vector.shape_cast %swap3A_1679 : vector<1x256x1024xbf16> to vector<256x1024xbf16>
      %swap3A_1681 = vector.shape_cast %convert_element_type3A_1675 : vector<256x1024xbf16> to vector<1x256x1024xbf16>
      tpu.vector_store %arg6[%swap3A_1676, %swap3A_1677, %swap3A_1678], %swap3A_1681 {strides = array<i32>} : memref<8x256x1024xbf16, #tpu.memory_space<vmem>>, vector<1x256x1024xbf16>,
      %get3A_1682 = arith.constant 1024 : index
      %get3A_1683 = arith.constant 0 : index
      %get3A_1684 = vector.load %arg2[%get3A_1682, %get3A_1683] : memref<8192x256xf32, #tpu.memory_space<vmem>>, vector<1024x256xf32>
      %transpose3A_1685 = tpu.transpose %get3A_1684, [1, 0] : vector<1024x256xf32> -> vector<256x1024xf32>
      %convert_element_type3A_1686 = arith.truncf %transpose3A_1685 : vector<256x1024xf32> to vector<256x1024xbf16>
      %swap3A_1687 = arith.constant 1 : index
      %swap3A_1688 = arith.constant 0 : index
      %swap3A_1689 = arith.constant 0 : index
      %swap3A_1690 = vector.load %arg6[%swap3A_1687, %swap3A_1688, %swap3A_1689] : memref<8x256x1024xbf16, #tpu.memory_space<vmem>>, vector<1x256x1024xbf16>
      %swap3A_1691 = vector.shape_cast %swap3A_1690 : vector<1x256x1024xbf16> to vector<256x1024xbf16>
      %swap3A_1692 = vector.shape_cast %convert_element_type3A_1686 : vector<256x1024xbf16> to vector<1x256x1024xbf16>
      tpu.vector_store %arg6[%swap3A_1687, %swap3A_1688, %swap3A_1689], %swap3A_1692 {strides = array<i32>} : memref<8x256x1024xbf16, #tpu.memory_space<vmem>>, vector<1x256x1024xbf16>,
      %get3A_1693 = arith.constant 2048 : index
      %get3A_1694 = arith.constant 0 : index
      %get3A_1695 = vector.load %arg2[%get3A_1693, %get3A_1694] : memref<8192x256xf32, #tpu.memory_space<vmem>>, vector<1024x256xf32>
      %transpose3A_1696 = tpu.transpose %get3A_1695, [1, 0] : vector<1024x256xf32> -> vector<256x1024xf32>
      %convert_element_type3A_1697 = arith.truncf %transpose3A_1696 : vector<256x1024xf32> to vector<256x1024xbf16>
      %swap3A_1698 = arith.constant 2 : index
      %swap3A_1699 = arith.constant 0 : index
      %swap3A_1700 = arith.constant 0 : index
      %swap3A_1701 = vector.load %arg6[%swap3A_1698, %swap3A_1699, %swap3A_1700] : memref<8x256x1024xbf16, #tpu.memory_space<vmem>>, vector<1x256x1024xbf16>
      %swap3A_1702 = vector.shape_cast %swap3A_1701 : vector<1x256x1024xbf16> to vector<256x1024xbf16>
      %swap3A_1703 = vector.shape_cast %convert_element_type3A_1697 : vector<256x1024xbf16> to vector<1x256x1024xbf16>
      tpu.vector_store %arg6[%swap3A_1698, %swap3A_1699, %swap3A_1700], %swap3A_1703 {strides = array<i32>} : memref<8x256x1024xbf16, #tpu.memory_space<vmem>>, vector<1x256x1024xbf16>,
      %get3A_1704 = arith.constant 3072 : index
      %get3A_1705 = arith.constant 0 : index
      %get3A_1706 = vector.load %arg2[%get3A_1704, %get3A_1705] : memref<8192x256xf32, #tpu.memory_space<vmem>>, vector<1024x256xf32>
      %transpose3A_1707 = tpu.transpose %get3A_1706, [1, 0] : vector<1024x256xf32> -> vector<256x1024xf32>
      %convert_element_type3A_1708 = arith.truncf %transpose3A_1707 : vector<256x1024xf32> to vector<256x1024xbf16>
      %swap3A_1709 = arith.constant 3 : index
      %swap3A_1710 = arith.constant 0 : index
      %swap3A_1711 = arith.constant 0 : index
      %swap3A_1712 = vector.load %arg6[%swap3A_1709, %swap3A_1710, %swap3A_1711] : memref<8x256x1024xbf16, #tpu.memory_space<vmem>>, vector<1x256x1024xbf16>
      %swap3A_1713 = vector.shape_cast %swap3A_1712 : vector<1x256x1024xbf16> to vector<256x1024xbf16>
      %swap3A_1714 = vector.shape_cast %convert_element_type3A_1708 : vector<256x1024xbf16> to vector<1x256x1024xbf16>
      tpu.vector_store %arg6[%swap3A_1709, %swap3A_1710, %swap3A_1711], %swap3A_1714 {strides = array<i32>} : memref<8x256x1024xbf16, #tpu.memory_space<vmem>>, vector<1x256x1024xbf16>,
      %get3A_1715 = arith.constant 4096 : index
      %get3A_1716 = arith.constant 0 : index
      %get3A_1717 = vector.load %arg2[%get3A_1715, %get3A_1716] : memref<8192x256xf32, #tpu.memory_space<vmem>>, vector<1024x256xf32>
      %transpose3A_1718 = tpu.transpose %get3A_1717, [1, 0] : vector<1024x256xf32> -> vector<256x1024xf32>
      %convert_element_type3A_1719 = arith.truncf %transpose3A_1718 : vector<256x1024xf32> to vector<256x1024xbf16>
      %swap3A_1720 = arith.constant 4 : index
      %swap3A_1721 = arith.constant 0 : index
      %swap3A_1722 = arith.constant 0 : index
      %swap3A_1723 = vector.load %arg6[%swap3A_1720, %swap3A_1721, %swap3A_1722] : memref<8x256x1024xbf16, #tpu.memory_space<vmem>>, vector<1x256x1024xbf16>
      %swap3A_1724 = vector.shape_cast %swap3A_1723 : vector<1x256x1024xbf16> to vector<256x1024xbf16>
      %swap3A_1725 = vector.shape_cast %convert_element_type3A_1719 : vector<256x1024xbf16> to vector<1x256x1024xbf16>
      tpu.vector_store %arg6[%swap3A_1720, %swap3A_1721, %swap3A_1722], %swap3A_1725 {strides = array<i32>} : memref<8x256x1024xbf16, #tpu.memory_space<vmem>>, vector<1x256x1024xbf16>,
      %get3A_1726 = arith.constant 5120 : index
      %get3A_1727 = arith.constant 0 : index
      %get3A_1728 = vector.load %arg2[%get3A_1726, %get3A_1727] : memref<8192x256xf32, #tpu.memory_space<vmem>>, vector<1024x256xf32>
      %transpose3A_1729 = tpu.transpose %get3A_1728, [1, 0] : vector<1024x256xf32> -> vector<256x1024xf32>
      %convert_element_type3A_1730 = arith.truncf %transpose3A_1729 : vector<256x1024xf32> to vector<256x1024xbf16>
      %swap3A_1731 = arith.constant 5 : index
      %swap3A_1732 = arith.constant 0 : index
      %swap3A_1733 = arith.constant 0 : index
      %swap3A_1734 = vector.load %arg6[%swap3A_1731, %swap3A_1732, %swap3A_1733] : memref<8x256x1024xbf16, #tpu.memory_space<vmem>>, vector<1x256x1024xbf16>
      %swap3A_1735 = vector.shape_cast %swap3A_1734 : vector<1x256x1024xbf16> to vector<256x1024xbf16>
      %swap3A_1736 = vector.shape_cast %convert_element_type3A_1730 : vector<256x1024xbf16> to vector<1x256x1024xbf16>
      tpu.vector_store %arg6[%swap3A_1731, %swap3A_1732, %swap3A_1733], %swap3A_1736 {strides = array<i32>} : memref<8x256x1024xbf16, #tpu.memory_space<vmem>>, vector<1x256x1024xbf16>,
      %get3A_1737 = arith.constant 6144 : index
      %get3A_1738 = arith.constant 0 : index
      %get3A_1739 = vector.load %arg2[%get3A_1737, %get3A_1738] : memref<8192x256xf32, #tpu.memory_space<vmem>>, vector<1024x256xf32>
      %transpose3A_1740 = tpu.transpose %get3A_1739, [1, 0] : vector<1024x256xf32> -> vector<256x1024xf32>
      %convert_element_type3A_1741 = arith.truncf %transpose3A_1740 : vector<256x1024xf32> to vector<256x1024xbf16>
      %swap3A_1742 = arith.constant 6 : index
      %swap3A_1743 = arith.constant 0 : index
      %swap3A_1744 = arith.constant 0 : index
      %swap3A_1745 = vector.load %arg6[%swap3A_1742, %swap3A_1743, %swap3A_1744] : memref<8x256x1024xbf16, #tpu.memory_space<vmem>>, vector<1x256x1024xbf16>
      %swap3A_1746 = vector.shape_cast %swap3A_1745 : vector<1x256x1024xbf16> to vector<256x1024xbf16>
      %swap3A_1747 = vector.shape_cast %convert_element_type3A_1741 : vector<256x1024xbf16> to vector<1x256x1024xbf16>
      tpu.vector_store %arg6[%swap3A_1742, %swap3A_1743, %swap3A_1744], %swap3A_1747 {strides = array<i32>} : memref<8x256x1024xbf16, #tpu.memory_space<vmem>>, vector<1x256x1024xbf16>,
      %get3A_1748 = arith.constant 7168 : index
      %get3A_1749 = arith.constant 0 : index
      %get3A_1750 = vector.load %arg2[%get3A_1748, %get3A_1749] : memref<8192x256xf32, #tpu.memory_space<vmem>>, vector<1024x256xf32>
      %transpose3A_1751 = tpu.transpose %get3A_1750, [1, 0] : vector<1024x256xf32> -> vector<256x1024xf32>
      %convert_element_type3A_1752 = arith.truncf %transpose3A_1751 : vector<256x1024xf32> to vector<256x1024xbf16>
      %swap3A_1753 = arith.constant 7 : index
      %swap3A_1754 = arith.constant 0 : index
      %swap3A_1755 = arith.constant 0 : index
      %swap3A_1756 = vector.load %arg6[%swap3A_1753, %swap3A_1754, %swap3A_1755] : memref<8x256x1024xbf16, #tpu.memory_space<vmem>>, vector<1x256x1024xbf16>
      %swap3A_1757 = vector.shape_cast %swap3A_1756 : vector<1x256x1024xbf16> to vector<256x1024xbf16>
      %swap3A_1758 = vector.shape_cast %convert_element_type3A_1752 : vector<256x1024xbf16> to vector<1x256x1024xbf16>
      tpu.vector_store %arg6[%swap3A_1753, %swap3A_1754, %swap3A_1755], %swap3A_1758 {strides = array<i32>} : memref<8x256x1024xbf16, #tpu.memory_space<vmem>>, vector<1x256x1024xbf16>,
    } else {
    }
    %get3A = arith.constant 0 : index
    %get3A_2 = arith.constant 0 : index
    %get3A_3 = vector.load %arg1[%get3A, %get3A_2] : memref<512x256xf32, #tpu.memory_space<vmem>>, vector<512x256xf32>
    %mul3A = arith.mulf %get3A_3, %get3A_3 : vector<512x256xf32>
    %reduce_sum3A = vector.shape_cast %mul3A : vector<512x256xf32> to vector<1x512x256xf32>
    %reduce_sum3A_4 = arith.constant dense<0.000000e+00> : vector<1xf32>
    %reduce_sum3A_5 = vector.multi_reduction <add>, %reduce_sum3A, %reduce_sum3A_4 [1, 2] : vector<1x512x256xf32> to vector<1xf32>
    %reduce_sum3A_6 = vector.shape_cast %reduce_sum3A_5 : vector<1xf32> to vector<1x1x1xf32>
    %reduce_sum3A_7 = vector.extract %reduce_sum3A_6[0, 0, 0] : f32 from vector<1x1x1xf32>
    %broadcast_in_dim3A = vector.broadcast %reduce_sum3A_7 : f32 to vector<1x1xf32>
    %mul3A_8 = arith.constant -2.000000e+00 : f32
    %mul3A_9 = vector.broadcast %mul3A_8 : f32 to vector<512x256xf32>
    %mul3A_10 = arith.mulf %mul3A_9, %get3A_3 : vector<512x256xf32>
    %convert_element_type3A_11 = arith.truncf %mul3A_10 : vector<512x256xf32> to vector<512x256xbf16>
    %get3A_12 = arith.constant 0 : index
    %get3A_13 = arith.constant 0 : index
    %get3A_14 = arith.constant 0 : index
    %get3A_15 = vector.load %arg6[%get3A_12, %get3A_13, %get3A_14] : memref<8x256x1024xbf16, #tpu.memory_space<vmem>>, vector<1x256x1024xbf16>
    %get3A_16 = vector.shape_cast %get3A_15 : vector<1x256x1024xbf16> to vector<256x1024xbf16>
    %dot_general3A = arith.constant dense<0.000000e+00> : vector<512x1024xf32>
    %dot_general3A_17 = tpu.matmul %convert_element_type3A_11, %get3A_16, %dot_general3A {dimension_numbers = #tpu.dot_dimension_numbers<[1], [0], [0], [1], [0, 0, 1, 1], [], []>, transpose_lhs_hint = false} : vector<512x256xbf16>, vector<256x1024xbf16>, vector<512x1024xf32> -> vector<512x1024xf32>
    %get3A_18 = arith.constant 0 : index
    %get3A_19 = arith.constant 0 : index
    %get3A_20 = vector.load %arg3[%get3A_18, %get3A_19] : memref<1x8192xf32, #tpu.memory_space<vmem>>, vector<1x1024xf32>
    %add3A = vector.broadcast %get3A_20 : vector<1x1024xf32> to vector<512x1024xf32>
    %add3A_21 = arith.addf %dot_general3A_17, %add3A : vector<512x1024xf32>
    %slice3A = vector.extract_strided_slice %add3A_21 {offsets = [0, 0], sizes = [128, 128], strides = [1, 1]} : vector<512x1024xf32> to vector<128x128xf32>
    %broadcast_in_dim3A_22 = arith.constant 0 : i32
    %broadcast_in_dim3A_23 = vector.broadcast %broadcast_in_dim3A_22 : i32 to vector<128x128xi32>
    %slice3A_24 = vector.extract_strided_slice %add3A_21 {offsets = [0, 128], sizes = [128, 128], strides = [1, 1]} : vector<512x1024xf32> to vector<128x128xf32>
    %lt3A = arith.cmpf olt, %slice3A_24, %slice3A : vector<128x128xf32>
    %select_n3A = arith.select %lt3A, %slice3A_24, %slice3A : vector<128x128xi1>, vector<128x128xf32>
    %broadcast_in_dim3A_25 = arith.constant 1 : i32
    %broadcast_in_dim3A_26 = vector.broadcast %broadcast_in_dim3A_25 : i32 to vector<128x128xi32>
    %select_n3A_27 = arith.select %lt3A, %broadcast_in_dim3A_26, %broadcast_in_dim3A_23 : vector<128x128xi1>, vector<128x128xi32>
    %slice3A_28 = vector.extract_strided_slice %add3A_21 {offsets = [0, 256], sizes = [128, 128], strides = [1, 1]} : vector<512x1024xf32> to vector<128x128xf32>
    %lt3A_29 = arith.cmpf olt, %slice3A_28, %select_n3A : vector<128x128xf32>
    %select_n3A_30 = arith.select %lt3A_29, %slice3A_28, %select_n3A : vector<128x128xi1>, vector<128x128xf32>
    %broadcast_in_dim3A_31 = arith.constant 2 : i32
    %broadcast_in_dim3A_32 = vector.broadcast %broadcast_in_dim3A_31 : i32 to vector<128x128xi32>
    %select_n3A_33 = arith.select %lt3A_29, %broadcast_in_dim3A_32, %select_n3A_27 : vector<128x128xi1>, vector<128x128xi32>
    %slice3A_34 = vector.extract_strided_slice %add3A_21 {offsets = [0, 384], sizes = [128, 128], strides = [1, 1]} : vector<512x1024xf32> to vector<128x128xf32>
    %lt3A_35 = arith.cmpf olt, %slice3A_34, %select_n3A_30 : vector<128x128xf32>
    %select_n3A_36 = arith.select %lt3A_35, %slice3A_34, %select_n3A_30 : vector<128x128xi1>, vector<128x128xf32>
    %broadcast_in_dim3A_37 = arith.constant 3 : i32
    %broadcast_in_dim3A_38 = vector.broadcast %broadcast_in_dim3A_37 : i32 to vector<128x128xi32>
    %select_n3A_39 = arith.select %lt3A_35, %broadcast_in_dim3A_38, %select_n3A_33 : vector<128x128xi1>, vector<128x128xi32>
    %slice3A_40 = vector.extract_strided_slice %add3A_21 {offsets = [0, 512], sizes = [128, 128], strides = [1, 1]} : vector<512x1024xf32> to vector<128x128xf32>
    %lt3A_41 = arith.cmpf olt, %slice3A_40, %select_n3A_36 : vector<128x128xf32>
    %select_n3A_42 = arith.select %lt3A_41, %slice3A_40, %select_n3A_36 : vector<128x128xi1>, vector<128x128xf32>
    %broadcast_in_dim3A_43 = arith.constant 4 : i32
    %broadcast_in_dim3A_44 = vector.broadcast %broadcast_in_dim3A_43 : i32 to vector<128x128xi32>
    %select_n3A_45 = arith.select %lt3A_41, %broadcast_in_dim3A_44, %select_n3A_39 : vector<128x128xi1>, vector<128x128xi32>
    %slice3A_46 = vector.extract_strided_slice %add3A_21 {offsets = [0, 640], sizes = [128, 128], strides = [1, 1]} : vector<512x1024xf32> to vector<128x128xf32>
    %lt3A_47 = arith.cmpf olt, %slice3A_46, %select_n3A_42 : vector<128x128xf32>
    %select_n3A_48 = arith.select %lt3A_47, %slice3A_46, %select_n3A_42 : vector<128x128xi1>, vector<128x128xf32>
    %broadcast_in_dim3A_49 = arith.constant 5 : i32
    %broadcast_in_dim3A_50 = vector.broadcast %broadcast_in_dim3A_49 : i32 to vector<128x128xi32>
    %select_n3A_51 = arith.select %lt3A_47, %broadcast_in_dim3A_50, %select_n3A_45 : vector<128x128xi1>, vector<128x128xi32>
    %slice3A_52 = vector.extract_strided_slice %add3A_21 {offsets = [0, 768], sizes = [128, 128], strides = [1, 1]} : vector<512x1024xf32> to vector<128x128xf32>
    %lt3A_53 = arith.cmpf olt, %slice3A_52, %select_n3A_48 : vector<128x128xf32>
    %select_n3A_54 = arith.select %lt3A_53, %slice3A_52, %select_n3A_48 : vector<128x128xi1>, vector<128x128xf32>
    %broadcast_in_dim3A_55 = arith.constant 6 : i32
    %broadcast_in_dim3A_56 = vector.broadcast %broadcast_in_dim3A_55 : i32 to vector<128x128xi32>
    %select_n3A_57 = arith.select %lt3A_53, %broadcast_in_dim3A_56, %select_n3A_51 : vector<128x128xi1>, vector<128x128xi32>
    %slice3A_58 = vector.extract_strided_slice %add3A_21 {offsets = [0, 896], sizes = [128, 128], strides = [1, 1]} : vector<512x1024xf32> to vector<128x128xf32>
    %lt3A_59 = arith.cmpf olt, %slice3A_58, %select_n3A_54 : vector<128x128xf32>
    %select_n3A_60 = arith.select %lt3A_59, %slice3A_58, %select_n3A_54 : vector<128x128xi1>, vector<128x128xf32>
    %broadcast_in_dim3A_61 = arith.constant 7 : i32
    %broadcast_in_dim3A_62 = vector.broadcast %broadcast_in_dim3A_61 : i32 to vector<128x128xi32>
    %select_n3A_63 = arith.select %lt3A_59, %broadcast_in_dim3A_62, %select_n3A_57 : vector<128x128xi1>, vector<128x128xi32>
    %slice3A_64 = vector.extract_strided_slice %add3A_21 {offsets = [128, 0], sizes = [128, 128], strides = [1, 1]} : vector<512x1024xf32> to vector<128x128xf32>
    %broadcast_in_dim3A_65 = arith.constant 0 : i32
    %broadcast_in_dim3A_66 = vector.broadcast %broadcast_in_dim3A_65 : i32 to vector<128x128xi32>
    %slice3A_67 = vector.extract_strided_slice %add3A_21 {offsets = [128, 128], sizes = [128, 128], strides = [1, 1]} : vector<512x1024xf32> to vector<128x128xf32>
    %lt3A_68 = arith.cmpf olt, %slice3A_67, %slice3A_64 : vector<128x128xf32>
    %select_n3A_69 = arith.select %lt3A_68, %slice3A_67, %slice3A_64 : vector<128x128xi1>, vector<128x128xf32>
    %broadcast_in_dim3A_70 = arith.constant 1 : i32
    %broadcast_in_dim3A_71 = vector.broadcast %broadcast_in_dim3A_70 : i32 to vector<128x128xi32>
    %select_n3A_72 = arith.select %lt3A_68, %broadcast_in_dim3A_71, %broadcast_in_dim3A_66 : vector<128x128xi1>, vector<128x128xi32>
    %slice3A_73 = vector.extract_strided_slice %add3A_21 {offsets = [128, 256], sizes = [128, 128], strides = [1, 1]} : vector<512x1024xf32> to vector<128x128xf32>
    %lt3A_74 = arith.cmpf olt, %slice3A_73, %select_n3A_69 : vector<128x128xf32>
    %select_n3A_75 = arith.select %lt3A_74, %slice3A_73, %select_n3A_69 : vector<128x128xi1>, vector<128x128xf32>
    %broadcast_in_dim3A_76 = arith.constant 2 : i32
    %broadcast_in_dim3A_77 = vector.broadcast %broadcast_in_dim3A_76 : i32 to vector<128x128xi32>
    %select_n3A_78 = arith.select %lt3A_74, %broadcast_in_dim3A_77, %select_n3A_72 : vector<128x128xi1>, vector<128x128xi32>
    %slice3A_79 = vector.extract_strided_slice %add3A_21 {offsets = [128, 384], sizes = [128, 128], strides = [1, 1]} : vector<512x1024xf32> to vector<128x128xf32>
    %lt3A_80 = arith.cmpf olt, %slice3A_79, %select_n3A_75 : vector<128x128xf32>
    %select_n3A_81 = arith.select %lt3A_80, %slice3A_79, %select_n3A_75 : vector<128x128xi1>, vector<128x128xf32>
    %broadcast_in_dim3A_82 = arith.constant 3 : i32
    %broadcast_in_dim3A_83 = vector.broadcast %broadcast_in_dim3A_82 : i32 to vector<128x128xi32>
    %select_n3A_84 = arith.select %lt3A_80, %broadcast_in_dim3A_83, %select_n3A_78 : vector<128x128xi1>, vector<128x128xi32>
    %slice3A_85 = vector.extract_strided_slice %add3A_21 {offsets = [128, 512], sizes = [128, 128], strides = [1, 1]} : vector<512x1024xf32> to vector<128x128xf32>
    %lt3A_86 = arith.cmpf olt, %slice3A_85, %select_n3A_81 : vector<128x128xf32>
    %select_n3A_87 = arith.select %lt3A_86, %slice3A_85, %select_n3A_81 : vector<128x128xi1>, vector<128x128xf32>
    %broadcast_in_dim3A_88 = arith.constant 4 : i32
    %broadcast_in_dim3A_89 = vector.broadcast %broadcast_in_dim3A_88 : i32 to vector<128x128xi32>
    %select_n3A_90 = arith.select %lt3A_86, %broadcast_in_dim3A_89, %select_n3A_84 : vector<128x128xi1>, vector<128x128xi32>
    %slice3A_91 = vector.extract_strided_slice %add3A_21 {offsets = [128, 640], sizes = [128, 128], strides = [1, 1]} : vector<512x1024xf32> to vector<128x128xf32>
    %lt3A_92 = arith.cmpf olt, %slice3A_91, %select_n3A_87 : vector<128x128xf32>
    %select_n3A_93 = arith.select %lt3A_92, %slice3A_91, %select_n3A_87 : vector<128x128xi1>, vector<128x128xf32>
    %broadcast_in_dim3A_94 = arith.constant 5 : i32
    %broadcast_in_dim3A_95 = vector.broadcast %broadcast_in_dim3A_94 : i32 to vector<128x128xi32>
    %select_n3A_96 = arith.select %lt3A_92, %broadcast_in_dim3A_95, %select_n3A_90 : vector<128x128xi1>, vector<128x128xi32>
    %slice3A_97 = vector.extract_strided_slice %add3A_21 {offsets = [128, 768], sizes = [128, 128], strides = [1, 1]} : vector<512x1024xf32> to vector<128x128xf32>
    %lt3A_98 = arith.cmpf olt, %slice3A_97, %select_n3A_93 : vector<128x128xf32>
    %select_n3A_99 = arith.select %lt3A_98, %slice3A_97, %select_n3A_93 : vector<128x128xi1>, vector<128x128xf32>
    %broadcast_in_dim3A_100 = arith.constant 6 : i32
    %broadcast_in_dim3A_101 = vector.broadcast %broadcast_in_dim3A_100 : i32 to vector<128x128xi32>
    %select_n3A_102 = arith.select %lt3A_98, %broadcast_in_dim3A_101, %select_n3A_96 : vector<128x128xi1>, vector<128x128xi32>
    %slice3A_103 = vector.extract_strided_slice %add3A_21 {offsets = [128, 896], sizes = [128, 128], strides = [1, 1]} : vector<512x1024xf32> to vector<128x128xf32>
    %lt3A_104 = arith.cmpf olt, %slice3A_103, %select_n3A_99 : vector<128x128xf32>
    %select_n3A_105 = arith.select %lt3A_104, %slice3A_103, %select_n3A_99 : vector<128x128xi1>, vector<128x128xf32>
    %broadcast_in_dim3A_106 = arith.constant 7 : i32
    %broadcast_in_dim3A_107 = vector.broadcast %broadcast_in_dim3A_106 : i32 to vector<128x128xi32>
    %select_n3A_108 = arith.select %lt3A_104, %broadcast_in_dim3A_107, %select_n3A_102 : vector<128x128xi1>, vector<128x128xi32>
    %slice3A_109 = vector.extract_strided_slice %add3A_21 {offsets = [256, 0], sizes = [128, 128], strides = [1, 1]} : vector<512x1024xf32> to vector<128x128xf32>
    %broadcast_in_dim3A_110 = arith.constant 0 : i32
    %broadcast_in_dim3A_111 = vector.broadcast %broadcast_in_dim3A_110 : i32 to vector<128x128xi32>
    %slice3A_112 = vector.extract_strided_slice %add3A_21 {offsets = [256, 128], sizes = [128, 128], strides = [1, 1]} : vector<512x1024xf32> to vector<128x128xf32>
    %lt3A_113 = arith.cmpf olt, %slice3A_112, %slice3A_109 : vector<128x128xf32>
    %select_n3A_114 = arith.select %lt3A_113, %slice3A_112, %slice3A_109 : vector<128x128xi1>, vector<128x128xf32>
    %broadcast_in_dim3A_115 = arith.constant 1 : i32
    %broadcast_in_dim3A_116 = vector.broadcast %broadcast_in_dim3A_115 : i32 to vector<128x128xi32>
    %select_n3A_117 = arith.select %lt3A_113, %broadcast_in_dim3A_116, %broadcast_in_dim3A_111 : vector<128x128xi1>, vector<128x128xi32>
    %slice3A_118 = vector.extract_strided_slice %add3A_21 {offsets = [256, 256], sizes = [128, 128], strides = [1, 1]} : vector<512x1024xf32> to vector<128x128xf32>
    %lt3A_119 = arith.cmpf olt, %slice3A_118, %select_n3A_114 : vector<128x128xf32>
    %select_n3A_120 = arith.select %lt3A_119, %slice3A_118, %select_n3A_114 : vector<128x128xi1>, vector<128x128xf32>
    %broadcast_in_dim3A_121 = arith.constant 2 : i32
    %broadcast_in_dim3A_122 = vector.broadcast %broadcast_in_dim3A_121 : i32 to vector<128x128xi32>
    %select_n3A_123 = arith.select %lt3A_119, %broadcast_in_dim3A_122, %select_n3A_117 : vector<128x128xi1>, vector<128x128xi32>
    %slice3A_124 = vector.extract_strided_slice %add3A_21 {offsets = [256, 384], sizes = [128, 128], strides = [1, 1]} : vector<512x1024xf32> to vector<128x128xf32>
    %lt3A_125 = arith.cmpf olt, %slice3A_124, %select_n3A_120 : vector<128x128xf32>
    %select_n3A_126 = arith.select %lt3A_125, %slice3A_124, %select_n3A_120 : vector<128x128xi1>, vector<128x128xf32>
    %broadcast_in_dim3A_127 = arith.constant 3 : i32
    %broadcast_in_dim3A_128 = vector.broadcast %broadcast_in_dim3A_127 : i32 to vector<128x128xi32>
    %select_n3A_129 = arith.select %lt3A_125, %broadcast_in_dim3A_128, %select_n3A_123 : vector<128x128xi1>, vector<128x128xi32>
    %slice3A_130 = vector.extract_strided_slice %add3A_21 {offsets = [256, 512], sizes = [128, 128], strides = [1, 1]} : vector<512x1024xf32> to vector<128x128xf32>
    %lt3A_131 = arith.cmpf olt, %slice3A_130, %select_n3A_126 : vector<128x128xf32>
    %select_n3A_132 = arith.select %lt3A_131, %slice3A_130, %select_n3A_126 : vector<128x128xi1>, vector<128x128xf32>
    %broadcast_in_dim3A_133 = arith.constant 4 : i32
    %broadcast_in_dim3A_134 = vector.broadcast %broadcast_in_dim3A_133 : i32 to vector<128x128xi32>
    %select_n3A_135 = arith.select %lt3A_131, %broadcast_in_dim3A_134, %select_n3A_129 : vector<128x128xi1>, vector<128x128xi32>
    %slice3A_136 = vector.extract_strided_slice %add3A_21 {offsets = [256, 640], sizes = [128, 128], strides = [1, 1]} : vector<512x1024xf32> to vector<128x128xf32>
    %lt3A_137 = arith.cmpf olt, %slice3A_136, %select_n3A_132 : vector<128x128xf32>
    %select_n3A_138 = arith.select %lt3A_137, %slice3A_136, %select_n3A_132 : vector<128x128xi1>, vector<128x128xf32>
    %broadcast_in_dim3A_139 = arith.constant 5 : i32
    %broadcast_in_dim3A_140 = vector.broadcast %broadcast_in_dim3A_139 : i32 to vector<128x128xi32>
    %select_n3A_141 = arith.select %lt3A_137, %broadcast_in_dim3A_140, %select_n3A_135 : vector<128x128xi1>, vector<128x128xi32>
    %slice3A_142 = vector.extract_strided_slice %add3A_21 {offsets = [256, 768], sizes = [128, 128], strides = [1, 1]} : vector<512x1024xf32> to vector<128x128xf32>
    %lt3A_143 = arith.cmpf olt, %slice3A_142, %select_n3A_138 : vector<128x128xf32>
    %select_n3A_144 = arith.select %lt3A_143, %slice3A_142, %select_n3A_138 : vector<128x128xi1>, vector<128x128xf32>
    %broadcast_in_dim3A_145 = arith.constant 6 : i32
    %broadcast_in_dim3A_146 = vector.broadcast %broadcast_in_dim3A_145 : i32 to vector<128x128xi32>
    %select_n3A_147 = arith.select %lt3A_143, %broadcast_in_dim3A_146, %select_n3A_141 : vector<128x128xi1>, vector<128x128xi32>
    %slice3A_148 = vector.extract_strided_slice %add3A_21 {offsets = [256, 896], sizes = [128, 128], strides = [1, 1]} : vector<512x1024xf32> to vector<128x128xf32>
    %lt3A_149 = arith.cmpf olt, %slice3A_148, %select_n3A_144 : vector<128x128xf32>
    %select_n3A_150 = arith.select %lt3A_149, %slice3A_148, %select_n3A_144 : vector<128x128xi1>, vector<128x128xf32>
    %broadcast_in_dim3A_151 = arith.constant 7 : i32
    %broadcast_in_dim3A_152 = vector.broadcast %broadcast_in_dim3A_151 : i32 to vector<128x128xi32>
    %select_n3A_153 = arith.select %lt3A_149, %broadcast_in_dim3A_152, %select_n3A_147 : vector<128x128xi1>, vector<128x128xi32>
    %slice3A_154 = vector.extract_strided_slice %add3A_21 {offsets = [384, 0], sizes = [128, 128], strides = [1, 1]} : vector<512x1024xf32> to vector<128x128xf32>
    %broadcast_in_dim3A_155 = arith.constant 0 : i32
    %broadcast_in_dim3A_156 = vector.broadcast %broadcast_in_dim3A_155 : i32 to vector<128x128xi32>
    %slice3A_157 = vector.extract_strided_slice %add3A_21 {offsets = [384, 128], sizes = [128, 128], strides = [1, 1]} : vector<512x1024xf32> to vector<128x128xf32>
    %lt3A_158 = arith.cmpf olt, %slice3A_157, %slice3A_154 : vector<128x128xf32>
    %select_n3A_159 = arith.select %lt3A_158, %slice3A_157, %slice3A_154 : vector<128x128xi1>, vector<128x128xf32>
    %broadcast_in_dim3A_160 = arith.constant 1 : i32
    %broadcast_in_dim3A_161 = vector.broadcast %broadcast_in_dim3A_160 : i32 to vector<128x128xi32>
    %select_n3A_162 = arith.select %lt3A_158, %broadcast_in_dim3A_161, %broadcast_in_dim3A_156 : vector<128x128xi1>, vector<128x128xi32>
    %slice3A_163 = vector.extract_strided_slice %add3A_21 {offsets = [384, 256], sizes = [128, 128], strides = [1, 1]} : vector<512x1024xf32> to vector<128x128xf32>
    %lt3A_164 = arith.cmpf olt, %slice3A_163, %select_n3A_159 : vector<128x128xf32>
    %select_n3A_165 = arith.select %lt3A_164, %slice3A_163, %select_n3A_159 : vector<128x128xi1>, vector<128x128xf32>
    %broadcast_in_dim3A_166 = arith.constant 2 : i32
    %broadcast_in_dim3A_167 = vector.broadcast %broadcast_in_dim3A_166 : i32 to vector<128x128xi32>
    %select_n3A_168 = arith.select %lt3A_164, %broadcast_in_dim3A_167, %select_n3A_162 : vector<128x128xi1>, vector<128x128xi32>
    %slice3A_169 = vector.extract_strided_slice %add3A_21 {offsets = [384, 384], sizes = [128, 128], strides = [1, 1]} : vector<512x1024xf32> to vector<128x128xf32>
    %lt3A_170 = arith.cmpf olt, %slice3A_169, %select_n3A_165 : vector<128x128xf32>
    %select_n3A_171 = arith.select %lt3A_170, %slice3A_169, %select_n3A_165 : vector<128x128xi1>, vector<128x128xf32>
    %broadcast_in_dim3A_172 = arith.constant 3 : i32
    %broadcast_in_dim3A_173 = vector.broadcast %broadcast_in_dim3A_172 : i32 to vector<128x128xi32>
    %select_n3A_174 = arith.select %lt3A_170, %broadcast_in_dim3A_173, %select_n3A_168 : vector<128x128xi1>, vector<128x128xi32>
    %slice3A_175 = vector.extract_strided_slice %add3A_21 {offsets = [384, 512], sizes = [128, 128], strides = [1, 1]} : vector<512x1024xf32> to vector<128x128xf32>
    %lt3A_176 = arith.cmpf olt, %slice3A_175, %select_n3A_171 : vector<128x128xf32>
    %select_n3A_177 = arith.select %lt3A_176, %slice3A_175, %select_n3A_171 : vector<128x128xi1>, vector<128x128xf32>
    %broadcast_in_dim3A_178 = arith.constant 4 : i32
    %broadcast_in_dim3A_179 = vector.broadcast %broadcast_in_dim3A_178 : i32 to vector<128x128xi32>
    %select_n3A_180 = arith.select %lt3A_176, %broadcast_in_dim3A_179, %select_n3A_174 : vector<128x128xi1>, vector<128x128xi32>
    %slice3A_181 = vector.extract_strided_slice %add3A_21 {offsets = [384, 640], sizes = [128, 128], strides = [1, 1]} : vector<512x1024xf32> to vector<128x128xf32>
    %lt3A_182 = arith.cmpf olt, %slice3A_181, %select_n3A_177 : vector<128x128xf32>
    %select_n3A_183 = arith.select %lt3A_182, %slice3A_181, %select_n3A_177 : vector<128x128xi1>, vector<128x128xf32>
    %broadcast_in_dim3A_184 = arith.constant 5 : i32
    %broadcast_in_dim3A_185 = vector.broadcast %broadcast_in_dim3A_184 : i32 to vector<128x128xi32>
    %select_n3A_186 = arith.select %lt3A_182, %broadcast_in_dim3A_185, %select_n3A_180 : vector<128x128xi1>, vector<128x128xi32>
    %slice3A_187 = vector.extract_strided_slice %add3A_21 {offsets = [384, 768], sizes = [128, 128], strides = [1, 1]} : vector<512x1024xf32> to vector<128x128xf32>
    %lt3A_188 = arith.cmpf olt, %slice3A_187, %select_n3A_183 : vector<128x128xf32>
    %select_n3A_189 = arith.select %lt3A_188, %slice3A_187, %select_n3A_183 : vector<128x128xi1>, vector<128x128xf32>
    %broadcast_in_dim3A_190 = arith.constant 6 : i32
    %broadcast_in_dim3A_191 = vector.broadcast %broadcast_in_dim3A_190 : i32 to vector<128x128xi32>
    %select_n3A_192 = arith.select %lt3A_188, %broadcast_in_dim3A_191, %select_n3A_186 : vector<128x128xi1>, vector<128x128xi32>
    %slice3A_193 = vector.extract_strided_slice %add3A_21 {offsets = [384, 896], sizes = [128, 128], strides = [1, 1]} : vector<512x1024xf32> to vector<128x128xf32>
    %lt3A_194 = arith.cmpf olt, %slice3A_193, %select_n3A_189 : vector<128x128xf32>
    %select_n3A_195 = arith.select %lt3A_194, %slice3A_193, %select_n3A_189 : vector<128x128xi1>, vector<128x128xf32>
    %broadcast_in_dim3A_196 = arith.constant 7 : i32
    %broadcast_in_dim3A_197 = vector.broadcast %broadcast_in_dim3A_196 : i32 to vector<128x128xi32>
    %select_n3A_198 = arith.select %lt3A_194, %broadcast_in_dim3A_197, %select_n3A_192 : vector<128x128xi1>, vector<128x128xi32>
    %get3A_199 = arith.constant 1 : index
    %get3A_200 = arith.constant 0 : index
    %get3A_201 = arith.constant 0 : index
    %get3A_202 = vector.load %arg6[%get3A_199, %get3A_200, %get3A_201] : memref<8x256x1024xbf16, #tpu.memory_space<vmem>>, vector<1x256x1024xbf16>
    %get3A_203 = vector.shape_cast %get3A_202 : vector<1x256x1024xbf16> to vector<256x1024xbf16>
    %dot_general3A_204 = arith.constant dense<0.000000e+00> : vector<512x1024xf32>
    %dot_general3A_205 = tpu.matmul %convert_element_type3A_11, %get3A_203, %dot_general3A_204 {dimension_numbers = #tpu.dot_dimension_numbers<[1], [0], [0], [1], [0, 0, 1, 1], [], []>, transpose_lhs_hint = false} : vector<512x256xbf16>, vector<256x1024xbf16>, vector<512x1024xf32> -> vector<512x1024xf32>
    %get3A_206 = arith.constant 0 : index
    %get3A_207 = arith.constant 1024 : index
    %get3A_208 = vector.load %arg3[%get3A_206, %get3A_207] : memref<1x8192xf32, #tpu.memory_space<vmem>>, vector<1x1024xf32>
    %add3A_209 = vector.broadcast %get3A_208 : vector<1x1024xf32> to vector<512x1024xf32>
    %add3A_210 = arith.addf %dot_general3A_205, %add3A_209 : vector<512x1024xf32>
    %slice3A_211 = vector.extract_strided_slice %add3A_210 {offsets = [0, 0], sizes = [128, 128], strides = [1, 1]} : vector<512x1024xf32> to vector<128x128xf32>
    %lt3A_212 = arith.cmpf olt, %slice3A_211, %select_n3A_60 : vector<128x128xf32>
    %select_n3A_213 = arith.select %lt3A_212, %slice3A_211, %select_n3A_60 : vector<128x128xi1>, vector<128x128xf32>
    %broadcast_in_dim3A_214 = arith.constant 8 : i32
    %broadcast_in_dim3A_215 = vector.broadcast %broadcast_in_dim3A_214 : i32 to vector<128x128xi32>
    %select_n3A_216 = arith.select %lt3A_212, %broadcast_in_dim3A_215, %select_n3A_63 : vector<128x128xi1>, vector<128x128xi32>
    %slice3A_217 = vector.extract_strided_slice %add3A_210 {offsets = [0, 128], sizes = [128, 128], strides = [1, 1]} : vector<512x1024xf32> to vector<128x128xf32>
    %lt3A_218 = arith.cmpf olt, %slice3A_217, %select_n3A_213 : vector<128x128xf32>
    %select_n3A_219 = arith.select %lt3A_218, %slice3A_217, %select_n3A_213 : vector<128x128xi1>, vector<128x128xf32>
    %broadcast_in_dim3A_220 = arith.constant 9 : i32
    %broadcast_in_dim3A_221 = vector.broadcast %broadcast_in_dim3A_220 : i32 to vector<128x128xi32>
    %select_n3A_222 = arith.select %lt3A_218, %broadcast_in_dim3A_221, %select_n3A_216 : vector<128x128xi1>, vector<128x128xi32>
    %slice3A_223 = vector.extract_strided_slice %add3A_210 {offsets = [0, 256], sizes = [128, 128], strides = [1, 1]} : vector<512x1024xf32> to vector<128x128xf32>
    %lt3A_224 = arith.cmpf olt, %slice3A_223, %select_n3A_219 : vector<128x128xf32>
    %select_n3A_225 = arith.select %lt3A_224, %slice3A_223, %select_n3A_219 : vector<128x128xi1>, vector<128x128xf32>
    %broadcast_in_dim3A_226 = arith.constant 10 : i32
    %broadcast_in_dim3A_227 = vector.broadcast %broadcast_in_dim3A_226 : i32 to vector<128x128xi32>
    %select_n3A_228 = arith.select %lt3A_224, %broadcast_in_dim3A_227, %select_n3A_222 : vector<128x128xi1>, vector<128x128xi32>
    %slice3A_229 = vector.extract_strided_slice %add3A_210 {offsets = [0, 384], sizes = [128, 128], strides = [1, 1]} : vector<512x1024xf32> to vector<128x128xf32>
    %lt3A_230 = arith.cmpf olt, %slice3A_229, %select_n3A_225 : vector<128x128xf32>
    %select_n3A_231 = arith.select %lt3A_230, %slice3A_229, %select_n3A_225 : vector<128x128xi1>, vector<128x128xf32>
    %broadcast_in_dim3A_232 = arith.constant 11 : i32
    %broadcast_in_dim3A_233 = vector.broadcast %broadcast_in_dim3A_232 : i32 to vector<128x128xi32>
    %select_n3A_234 = arith.select %lt3A_230, %broadcast_in_dim3A_233, %select_n3A_228 : vector<128x128xi1>, vector<128x128xi32>
    %slice3A_235 = vector.extract_strided_slice %add3A_210 {offsets = [0, 512], sizes = [128, 128], strides = [1, 1]} : vector<512x1024xf32> to vector<128x128xf32>
    %lt3A_236 = arith.cmpf olt, %slice3A_235, %select_n3A_231 : vector<128x128xf32>
    %select_n3A_237 = arith.select %lt3A_236, %slice3A_235, %select_n3A_231 : vector<128x128xi1>, vector<128x128xf32>
    %broadcast_in_dim3A_238 = arith.constant 12 : i32
    %broadcast_in_dim3A_239 = vector.broadcast %broadcast_in_dim3A_238 : i32 to vector<128x128xi32>
    %select_n3A_240 = arith.select %lt3A_236, %broadcast_in_dim3A_239, %select_n3A_234 : vector<128x128xi1>, vector<128x128xi32>
    %slice3A_241 = vector.extract_strided_slice %add3A_210 {offsets = [0, 640], sizes = [128, 128], strides = [1, 1]} : vector<512x1024xf32> to vector<128x128xf32>
    %lt3A_242 = arith.cmpf olt, %slice3A_241, %select_n3A_237 : vector<128x128xf32>
    %select_n3A_243 = arith.select %lt3A_242, %slice3A_241, %select_n3A_237 : vector<128x128xi1>, vector<128x128xf32>
    %broadcast_in_dim3A_244 = arith.constant 13 : i32
    %broadcast_in_dim3A_245 = vector.broadcast %broadcast_in_dim3A_244 : i32 to vector<128x128xi32>
    %select_n3A_246 = arith.select %lt3A_242, %broadcast_in_dim3A_245, %select_n3A_240 : vector<128x128xi1>, vector<128x128xi32>
    %slice3A_247 = vector.extract_strided_slice %add3A_210 {offsets = [0, 768], sizes = [128, 128], strides = [1, 1]} : vector<512x1024xf32> to vector<128x128xf32>
    %lt3A_248 = arith.cmpf olt, %slice3A_247, %select_n3A_243 : vector<128x128xf32>
    %select_n3A_249 = arith.select %lt3A_248, %slice3A_247, %select_n3A_243 : vector<128x128xi1>, vector<128x128xf32>
    %broadcast_in_dim3A_250 = arith.constant 14 : i32
    %broadcast_in_dim3A_251 = vector.broadcast %broadcast_in_dim3A_250 : i32 to vector<128x128xi32>
    %select_n3A_252 = arith.select %lt3A_248, %broadcast_in_dim3A_251, %select_n3A_246 : vector<128x128xi1>, vector<128x128xi32>
    %slice3A_253 = vector.extract_strided_slice %add3A_210 {offsets = [0, 896], sizes = [128, 128], strides = [1, 1]} : vector<512x1024xf32> to vector<128x128xf32>
    %lt3A_254 = arith.cmpf olt, %slice3A_253, %select_n3A_249 : vector<128x128xf32>
    %select_n3A_255 = arith.select %lt3A_254, %slice3A_253, %select_n3A_249 : vector<128x128xi1>, vector<128x128xf32>
    %broadcast_in_dim3A_256 = arith.constant 15 : i32
    %broadcast_in_dim3A_257 = vector.broadcast %broadcast_in_dim3A_256 : i32 to vector<128x128xi32>
    %select_n3A_258 = arith.select %lt3A_254, %broadcast_in_dim3A_257, %select_n3A_252 : vector<128x128xi1>, vector<128x128xi32>
    %slice3A_259 = vector.extract_strided_slice %add3A_210 {offsets = [128, 0], sizes = [128, 128], strides = [1, 1]} : vector<512x1024xf32> to vector<128x128xf32>
    %lt3A_260 = arith.cmpf olt, %slice3A_259, %select_n3A_105 : vector<128x128xf32>
    %select_n3A_261 = arith.select %lt3A_260, %slice3A_259, %select_n3A_105 : vector<128x128xi1>, vector<128x128xf32>
    %broadcast_in_dim3A_262 = arith.constant 8 : i32
    %broadcast_in_dim3A_263 = vector.broadcast %broadcast_in_dim3A_262 : i32 to vector<128x128xi32>
    %select_n3A_264 = arith.select %lt3A_260, %broadcast_in_dim3A_263, %select_n3A_108 : vector<128x128xi1>, vector<128x128xi32>
    %slice3A_265 = vector.extract_strided_slice %add3A_210 {offsets = [128, 128], sizes = [128, 128], strides = [1, 1]} : vector<512x1024xf32> to vector<128x128xf32>
    %lt3A_266 = arith.cmpf olt, %slice3A_265, %select_n3A_261 : vector<128x128xf32>
    %select_n3A_267 = arith.select %lt3A_266, %slice3A_265, %select_n3A_261 : vector<128x128xi1>, vector<128x128xf32>
    %broadcast_in_dim3A_268 = arith.constant 9 : i32
    %broadcast_in_dim3A_269 = vector.broadcast %broadcast_in_dim3A_268 : i32 to vector<128x128xi32>
    %select_n3A_270 = arith.select %lt3A_266, %broadcast_in_dim3A_269, %select_n3A_264 : vector<128x128xi1>, vector<128x128xi32>
    %slice3A_271 = vector.extract_strided_slice %add3A_210 {offsets = [128, 256], sizes = [128, 128], strides = [1, 1]} : vector<512x1024xf32> to vector<128x128xf32>
    %lt3A_272 = arith.cmpf olt, %slice3A_271, %select_n3A_267 : vector<128x128xf32>
    %select_n3A_273 = arith.select %lt3A_272, %slice3A_271, %select_n3A_267 : vector<128x128xi1>, vector<128x128xf32>
    %broadcast_in_dim3A_274 = arith.constant 10 : i32
    %broadcast_in_dim3A_275 = vector.broadcast %broadcast_in_dim3A_274 : i32 to vector<128x128xi32>
    %select_n3A_276 = arith.select %lt3A_272, %broadcast_in_dim3A_275, %select_n3A_270 : vector<128x128xi1>, vector<128x128xi32>
    %slice3A_277 = vector.extract_strided_slice %add3A_210 {offsets = [128, 384], sizes = [128, 128], strides = [1, 1]} : vector<512x1024xf32> to vector<128x128xf32>
    %lt3A_278 = arith.cmpf olt, %slice3A_277, %select_n3A_273 : vector<128x128xf32>
    %select_n3A_279 = arith.select %lt3A_278, %slice3A_277, %select_n3A_273 : vector<128x128xi1>, vector<128x128xf32>
    %broadcast_in_dim3A_280 = arith.constant 11 : i32
    %broadcast_in_dim3A_281 = vector.broadcast %broadcast_in_dim3A_280 : i32 to vector<128x128xi32>
    %select_n3A_282 = arith.select %lt3A_278, %broadcast_in_dim3A_281, %select_n3A_276 : vector<128x128xi1>, vector<128x128xi32>
    %slice3A_283 = vector.extract_strided_slice %add3A_210 {offsets = [128, 512], sizes = [128, 128], strides = [1, 1]} : vector<512x1024xf32> to vector<128x128xf32>
    %lt3A_284 = arith.cmpf olt, %slice3A_283, %select_n3A_279 : vector<128x128xf32>
    %select_n3A_285 = arith.select %lt3A_284, %slice3A_283, %select_n3A_279 : vector<128x128xi1>, vector<128x128xf32>
    %broadcast_in_dim3A_286 = arith.constant 12 : i32
    %broadcast_in_dim3A_287 = vector.broadcast %broadcast_in_dim3A_286 : i32 to vector<128x128xi32>
    %select_n3A_288 = arith.select %lt3A_284, %broadcast_in_dim3A_287, %select_n3A_282 : vector<128x128xi1>, vector<128x128xi32>
    %slice3A_289 = vector.extract_strided_slice %add3A_210 {offsets = [128, 640], sizes = [128, 128], strides = [1, 1]} : vector<512x1024xf32> to vector<128x128xf32>
    %lt3A_290 = arith.cmpf olt, %slice3A_289, %select_n3A_285 : vector<128x128xf32>
    %select_n3A_291 = arith.select %lt3A_290, %slice3A_289, %select_n3A_285 : vector<128x128xi1>, vector<128x128xf32>
    %broadcast_in_dim3A_292 = arith.constant 13 : i32
    %broadcast_in_dim3A_293 = vector.broadcast %broadcast_in_dim3A_292 : i32 to vector<128x128xi32>
    %select_n3A_294 = arith.select %lt3A_290, %broadcast_in_dim3A_293, %select_n3A_288 : vector<128x128xi1>, vector<128x128xi32>
    %slice3A_295 = vector.extract_strided_slice %add3A_210 {offsets = [128, 768], sizes = [128, 128], strides = [1, 1]} : vector<512x1024xf32> to vector<128x128xf32>
    %lt3A_296 = arith.cmpf olt, %slice3A_295, %select_n3A_291 : vector<128x128xf32>
    %select_n3A_297 = arith.select %lt3A_296, %slice3A_295, %select_n3A_291 : vector<128x128xi1>, vector<128x128xf32>
    %broadcast_in_dim3A_298 = arith.constant 14 : i32
    %broadcast_in_dim3A_299 = vector.broadcast %broadcast_in_dim3A_298 : i32 to vector<128x128xi32>
    %select_n3A_300 = arith.select %lt3A_296, %broadcast_in_dim3A_299, %select_n3A_294 : vector<128x128xi1>, vector<128x128xi32>
    %slice3A_301 = vector.extract_strided_slice %add3A_210 {offsets = [128, 896], sizes = [128, 128], strides = [1, 1]} : vector<512x1024xf32> to vector<128x128xf32>
    %lt3A_302 = arith.cmpf olt, %slice3A_301, %select_n3A_297 : vector<128x128xf32>
    %select_n3A_303 = arith.select %lt3A_302, %slice3A_301, %select_n3A_297 : vector<128x128xi1>, vector<128x128xf32>
    %broadcast_in_dim3A_304 = arith.constant 15 : i32
    %broadcast_in_dim3A_305 = vector.broadcast %broadcast_in_dim3A_304 : i32 to vector<128x128xi32>
    %select_n3A_306 = arith.select %lt3A_302, %broadcast_in_dim3A_305, %select_n3A_300 : vector<128x128xi1>, vector<128x128xi32>
    %slice3A_307 = vector.extract_strided_slice %add3A_210 {offsets = [256, 0], sizes = [128, 128], strides = [1, 1]} : vector<512x1024xf32> to vector<128x128xf32>
    %lt3A_308 = arith.cmpf olt, %slice3A_307, %select_n3A_150 : vector<128x128xf32>
    %select_n3A_309 = arith.select %lt3A_308, %slice3A_307, %select_n3A_150 : vector<128x128xi1>, vector<128x128xf32>
    %broadcast_in_dim3A_310 = arith.constant 8 : i32
    %broadcast_in_dim3A_311 = vector.broadcast %broadcast_in_dim3A_310 : i32 to vector<128x128xi32>
    %select_n3A_312 = arith.select %lt3A_308, %broadcast_in_dim3A_311, %select_n3A_153 : vector<128x128xi1>, vector<128x128xi32>
    %slice3A_313 = vector.extract_strided_slice %add3A_210 {offsets = [256, 128], sizes = [128, 128], strides = [1, 1]} : vector<512x1024xf32> to vector<128x128xf32>
    %lt3A_314 = arith.cmpf olt, %slice3A_313, %select_n3A_309 : vector<128x128xf32>
    %select_n3A_315 = arith.select %lt3A_314, %slice3A_313, %select_n3A_309 : vector<128x128xi1>, vector<128x128xf32>
    %broadcast_in_dim3A_316 = arith.constant 9 : i32
    %broadcast_in_dim3A_317 = vector.broadcast %broadcast_in_dim3A_316 : i32 to vector<128x128xi32>
    %select_n3A_318 = arith.select %lt3A_314, %broadcast_in_dim3A_317, %select_n3A_312 : vector<128x128xi1>, vector<128x128xi32>
    %slice3A_319 = vector.extract_strided_slice %add3A_210 {offsets = [256, 256], sizes = [128, 128], strides = [1, 1]} : vector<512x1024xf32> to vector<128x128xf32>
    %lt3A_320 = arith.cmpf olt, %slice3A_319, %select_n3A_315 : vector<128x128xf32>
    %select_n3A_321 = arith.select %lt3A_320, %slice3A_319, %select_n3A_315 : vector<128x128xi1>, vector<128x128xf32>
    %broadcast_in_dim3A_322 = arith.constant 10 : i32
    %broadcast_in_dim3A_323 = vector.broadcast %broadcast_in_dim3A_322 : i32 to vector<128x128xi32>
    %select_n3A_324 = arith.select %lt3A_320, %broadcast_in_dim3A_323, %select_n3A_318 : vector<128x128xi1>, vector<128x128xi32>
    %slice3A_325 = vector.extract_strided_slice %add3A_210 {offsets = [256, 384], sizes = [128, 128], strides = [1, 1]} : vector<512x1024xf32> to vector<128x128xf32>
    %lt3A_326 = arith.cmpf olt, %slice3A_325, %select_n3A_321 : vector<128x128xf32>
    %select_n3A_327 = arith.select %lt3A_326, %slice3A_325, %select_n3A_321 : vector<128x128xi1>, vector<128x128xf32>
    %broadcast_in_dim3A_328 = arith.constant 11 : i32
    %broadcast_in_dim3A_329 = vector.broadcast %broadcast_in_dim3A_328 : i32 to vector<128x128xi32>
    %select_n3A_330 = arith.select %lt3A_326, %broadcast_in_dim3A_329, %select_n3A_324 : vector<128x128xi1>, vector<128x128xi32>
    %slice3A_331 = vector.extract_strided_slice %add3A_210 {offsets = [256, 512], sizes = [128, 128], strides = [1, 1]} : vector<512x1024xf32> to vector<128x128xf32>
    %lt3A_332 = arith.cmpf olt, %slice3A_331, %select_n3A_327 : vector<128x128xf32>
    %select_n3A_333 = arith.select %lt3A_332, %slice3A_331, %select_n3A_327 : vector<128x128xi1>, vector<128x128xf32>
    %broadcast_in_dim3A_334 = arith.constant 12 : i32
    %broadcast_in_dim3A_335 = vector.broadcast %broadcast_in_dim3A_334 : i32 to vector<128x128xi32>
    %select_n3A_336 = arith.select %lt3A_332, %broadcast_in_dim3A_335, %select_n3A_330 : vector<128x128xi1>, vector<128x128xi32>
    %slice3A_337 = vector.extract_strided_slice %add3A_210 {offsets = [256, 640], sizes = [128, 128], strides = [1, 1]} : vector<512x1024xf32> to vector<128x128xf32>
    %lt3A_338 = arith.cmpf olt, %slice3A_337, %select_n3A_333 : vector<128x128xf32>
    %select_n3A_339 = arith.select %lt3A_338, %slice3A_337, %select_n3A_333 : vector<128x128xi1>, vector<128x128xf32>
    %broadcast_in_dim3A_340 = arith.constant 13 : i32
    %broadcast_in_dim3A_341 = vector.broadcast %broadcast_in_dim3A_340 : i32 to vector<128x128xi32>
    %select_n3A_342 = arith.select %lt3A_338, %broadcast_in_dim3A_341, %select_n3A_336 : vector<128x128xi1>, vector<128x128xi32>
    %slice3A_343 = vector.extract_strided_slice %add3A_210 {offsets = [256, 768], sizes = [128, 128], strides = [1, 1]} : vector<512x1024xf32> to vector<128x128xf32>
    %lt3A_344 = arith.cmpf olt, %slice3A_343, %select_n3A_339 : vector<128x128xf32>
    %select_n3A_345 = arith.select %lt3A_344, %slice3A_343, %select_n3A_339 : vector<128x128xi1>, vector<128x128xf32>
    %broadcast_in_dim3A_346 = arith.constant 14 : i32
    %broadcast_in_dim3A_347 = vector.broadcast %broadcast_in_dim3A_346 : i32 to vector<128x128xi32>
    %select_n3A_348 = arith.select %lt3A_344, %broadcast_in_dim3A_347, %select_n3A_342 : vector<128x128xi1>, vector<128x128xi32>
    %slice3A_349 = vector.extract_strided_slice %add3A_210 {offsets = [256, 896], sizes = [128, 128], strides = [1, 1]} : vector<512x1024xf32> to vector<128x128xf32>
    %lt3A_350 = arith.cmpf olt, %slice3A_349, %select_n3A_345 : vector<128x128xf32>
    %select_n3A_351 = arith.select %lt3A_350, %slice3A_349, %select_n3A_345 : vector<128x128xi1>, vector<128x128xf32>
    %broadcast_in_dim3A_352 = arith.constant 15 : i32
    %broadcast_in_dim3A_353 = vector.broadcast %broadcast_in_dim3A_352 : i32 to vector<128x128xi32>
    %select_n3A_354 = arith.select %lt3A_350, %broadcast_in_dim3A_353, %select_n3A_348 : vector<128x128xi1>, vector<128x128xi32>
    %slice3A_355 = vector.extract_strided_slice %add3A_210 {offsets = [384, 0], sizes = [128, 128], strides = [1, 1]} : vector<512x1024xf32> to vector<128x128xf32>
    %lt3A_356 = arith.cmpf olt, %slice3A_355, %select_n3A_195 : vector<128x128xf32>
    %select_n3A_357 = arith.select %lt3A_356, %slice3A_355, %select_n3A_195 : vector<128x128xi1>, vector<128x128xf32>
    %broadcast_in_dim3A_358 = arith.constant 8 : i32
    %broadcast_in_dim3A_359 = vector.broadcast %broadcast_in_dim3A_358 : i32 to vector<128x128xi32>
    %select_n3A_360 = arith.select %lt3A_356, %broadcast_in_dim3A_359, %select_n3A_198 : vector<128x128xi1>, vector<128x128xi32>
    %slice3A_361 = vector.extract_strided_slice %add3A_210 {offsets = [384, 128], sizes = [128, 128], strides = [1, 1]} : vector<512x1024xf32> to vector<128x128xf32>
    %lt3A_362 = arith.cmpf olt, %slice3A_361, %select_n3A_357 : vector<128x128xf32>
    %select_n3A_363 = arith.select %lt3A_362, %slice3A_361, %select_n3A_357 : vector<128x128xi1>, vector<128x128xf32>
    %broadcast_in_dim3A_364 = arith.constant 9 : i32
    %broadcast_in_dim3A_365 = vector.broadcast %broadcast_in_dim3A_364 : i32 to vector<128x128xi32>
    %select_n3A_366 = arith.select %lt3A_362, %broadcast_in_dim3A_365, %select_n3A_360 : vector<128x128xi1>, vector<128x128xi32>
    %slice3A_367 = vector.extract_strided_slice %add3A_210 {offsets = [384, 256], sizes = [128, 128], strides = [1, 1]} : vector<512x1024xf32> to vector<128x128xf32>
    %lt3A_368 = arith.cmpf olt, %slice3A_367, %select_n3A_363 : vector<128x128xf32>
    %select_n3A_369 = arith.select %lt3A_368, %slice3A_367, %select_n3A_363 : vector<128x128xi1>, vector<128x128xf32>
    %broadcast_in_dim3A_370 = arith.constant 10 : i32
    %broadcast_in_dim3A_371 = vector.broadcast %broadcast_in_dim3A_370 : i32 to vector<128x128xi32>
    %select_n3A_372 = arith.select %lt3A_368, %broadcast_in_dim3A_371, %select_n3A_366 : vector<128x128xi1>, vector<128x128xi32>
    %slice3A_373 = vector.extract_strided_slice %add3A_210 {offsets = [384, 384], sizes = [128, 128], strides = [1, 1]} : vector<512x1024xf32> to vector<128x128xf32>
    %lt3A_374 = arith.cmpf olt, %slice3A_373, %select_n3A_369 : vector<128x128xf32>
    %select_n3A_375 = arith.select %lt3A_374, %slice3A_373, %select_n3A_369 : vector<128x128xi1>, vector<128x128xf32>
    %broadcast_in_dim3A_376 = arith.constant 11 : i32
    %broadcast_in_dim3A_377 = vector.broadcast %broadcast_in_dim3A_376 : i32 to vector<128x128xi32>
    %select_n3A_378 = arith.select %lt3A_374, %broadcast_in_dim3A_377, %select_n3A_372 : vector<128x128xi1>, vector<128x128xi32>
    %slice3A_379 = vector.extract_strided_slice %add3A_210 {offsets = [384, 512], sizes = [128, 128], strides = [1, 1]} : vector<512x1024xf32> to vector<128x128xf32>
    %lt3A_380 = arith.cmpf olt, %slice3A_379, %select_n3A_375 : vector<128x128xf32>
    %select_n3A_381 = arith.select %lt3A_380, %slice3A_379, %select_n3A_375 : vector<128x128xi1>, vector<128x128xf32>
    %broadcast_in_dim3A_382 = arith.constant 12 : i32
    %broadcast_in_dim3A_383 = vector.broadcast %broadcast_in_dim3A_382 : i32 to vector<128x128xi32>
    %select_n3A_384 = arith.select %lt3A_380, %broadcast_in_dim3A_383, %select_n3A_378 : vector<128x128xi1>, vector<128x128xi32>
    %slice3A_385 = vector.extract_strided_slice %add3A_210 {offsets = [384, 640], sizes = [128, 128], strides = [1, 1]} : vector<512x1024xf32> to vector<128x128xf32>
    %lt3A_386 = arith.cmpf olt, %slice3A_385, %select_n3A_381 : vector<128x128xf32>
    %select_n3A_387 = arith.select %lt3A_386, %slice3A_385, %select_n3A_381 : vector<128x128xi1>, vector<128x128xf32>
    %broadcast_in_dim3A_388 = arith.constant 13 : i32
    %broadcast_in_dim3A_389 = vector.broadcast %broadcast_in_dim3A_388 : i32 to vector<128x128xi32>
    %select_n3A_390 = arith.select %lt3A_386, %broadcast_in_dim3A_389, %select_n3A_384 : vector<128x128xi1>, vector<128x128xi32>
    %slice3A_391 = vector.extract_strided_slice %add3A_210 {offsets = [384, 768], sizes = [128, 128], strides = [1, 1]} : vector<512x1024xf32> to vector<128x128xf32>
    %lt3A_392 = arith.cmpf olt, %slice3A_391, %select_n3A_387 : vector<128x128xf32>
    %select_n3A_393 = arith.select %lt3A_392, %slice3A_391, %select_n3A_387 : vector<128x128xi1>, vector<128x128xf32>
    %broadcast_in_dim3A_394 = arith.constant 14 : i32
    %broadcast_in_dim3A_395 = vector.broadcast %broadcast_in_dim3A_394 : i32 to vector<128x128xi32>
    %select_n3A_396 = arith.select %lt3A_392, %broadcast_in_dim3A_395, %select_n3A_390 : vector<128x128xi1>, vector<128x128xi32>
    %slice3A_397 = vector.extract_strided_slice %add3A_210 {offsets = [384, 896], sizes = [128, 128], strides = [1, 1]} : vector<512x1024xf32> to vector<128x128xf32>
    %lt3A_398 = arith.cmpf olt, %slice3A_397, %select_n3A_393 : vector<128x128xf32>
    %select_n3A_399 = arith.select %lt3A_398, %slice3A_397, %select_n3A_393 : vector<128x128xi1>, vector<128x128xf32>
    %broadcast_in_dim3A_400 = arith.constant 15 : i32
    %broadcast_in_dim3A_401 = vector.broadcast %broadcast_in_dim3A_400 : i32 to vector<128x128xi32>
    %select_n3A_402 = arith.select %lt3A_398, %broadcast_in_dim3A_401, %select_n3A_396 : vector<128x128xi1>, vector<128x128xi32>
    %get3A_403 = arith.constant 2 : index
    %get3A_404 = arith.constant 0 : index
    %get3A_405 = arith.constant 0 : index
    %get3A_406 = vector.load %arg6[%get3A_403, %get3A_404, %get3A_405] : memref<8x256x1024xbf16, #tpu.memory_space<vmem>>, vector<1x256x1024xbf16>
    %get3A_407 = vector.shape_cast %get3A_406 : vector<1x256x1024xbf16> to vector<256x1024xbf16>
    %dot_general3A_408 = arith.constant dense<0.000000e+00> : vector<512x1024xf32>
    %dot_general3A_409 = tpu.matmul %convert_element_type3A_11, %get3A_407, %dot_general3A_408 {dimension_numbers = #tpu.dot_dimension_numbers<[1], [0], [0], [1], [0, 0, 1, 1], [], []>, transpose_lhs_hint = false} : vector<512x256xbf16>, vector<256x1024xbf16>, vector<512x1024xf32> -> vector<512x1024xf32>
    %get3A_410 = arith.constant 0 : index
    %get3A_411 = arith.constant 2048 : index
    %get3A_412 = vector.load %arg3[%get3A_410, %get3A_411] : memref<1x8192xf32, #tpu.memory_space<vmem>>, vector<1x1024xf32>
    %add3A_413 = vector.broadcast %get3A_412 : vector<1x1024xf32> to vector<512x1024xf32>
    %add3A_414 = arith.addf %dot_general3A_409, %add3A_413 : vector<512x1024xf32>
    %slice3A_415 = vector.extract_strided_slice %add3A_414 {offsets = [0, 0], sizes = [128, 128], strides = [1, 1]} : vector<512x1024xf32> to vector<128x128xf32>
    %lt3A_416 = arith.cmpf olt, %slice3A_415, %select_n3A_255 : vector<128x128xf32>
    %select_n3A_417 = arith.select %lt3A_416, %slice3A_415, %select_n3A_255 : vector<128x128xi1>, vector<128x128xf32>
    %broadcast_in_dim3A_418 = arith.constant 16 : i32
    %broadcast_in_dim3A_419 = vector.broadcast %broadcast_in_dim3A_418 : i32 to vector<128x128xi32>
    %select_n3A_420 = arith.select %lt3A_416, %broadcast_in_dim3A_419, %select_n3A_258 : vector<128x128xi1>, vector<128x128xi32>
    %slice3A_421 = vector.extract_strided_slice %add3A_414 {offsets = [0, 128], sizes = [128, 128], strides = [1, 1]} : vector<512x1024xf32> to vector<128x128xf32>
    %lt3A_422 = arith.cmpf olt, %slice3A_421, %select_n3A_417 : vector<128x128xf32>
    %select_n3A_423 = arith.select %lt3A_422, %slice3A_421, %select_n3A_417 : vector<128x128xi1>, vector<128x128xf32>
    %broadcast_in_dim3A_424 = arith.constant 17 : i32
    %broadcast_in_dim3A_425 = vector.broadcast %broadcast_in_dim3A_424 : i32 to vector<128x128xi32>
    %select_n3A_426 = arith.select %lt3A_422, %broadcast_in_dim3A_425, %select_n3A_420 : vector<128x128xi1>, vector<128x128xi32>
    %slice3A_427 = vector.extract_strided_slice %add3A_414 {offsets = [0, 256], sizes = [128, 128], strides = [1, 1]} : vector<512x1024xf32> to vector<128x128xf32>
    %lt3A_428 = arith.cmpf olt, %slice3A_427, %select_n3A_423 : vector<128x128xf32>
    %select_n3A_429 = arith.select %lt3A_428, %slice3A_427, %select_n3A_423 : vector<128x128xi1>, vector<128x128xf32>
    %broadcast_in_dim3A_430 = arith.constant 18 : i32
    %broadcast_in_dim3A_431 = vector.broadcast %broadcast_in_dim3A_430 : i32 to vector<128x128xi32>
    %select_n3A_432 = arith.select %lt3A_428, %broadcast_in_dim3A_431, %select_n3A_426 : vector<128x128xi1>, vector<128x128xi32>
    %slice3A_433 = vector.extract_strided_slice %add3A_414 {offsets = [0, 384], sizes = [128, 128], strides = [1, 1]} : vector<512x1024xf32> to vector<128x128xf32>
    %lt3A_434 = arith.cmpf olt, %slice3A_433, %select_n3A_429 : vector<128x128xf32>
    %select_n3A_435 = arith.select %lt3A_434, %slice3A_433, %select_n3A_429 : vector<128x128xi1>, vector<128x128xf32>
    %broadcast_in_dim3A_436 = arith.constant 19 : i32
    %broadcast_in_dim3A_437 = vector.broadcast %broadcast_in_dim3A_436 : i32 to vector<128x128xi32>
    %select_n3A_438 = arith.select %lt3A_434, %broadcast_in_dim3A_437, %select_n3A_432 : vector<128x128xi1>, vector<128x128xi32>
    %slice3A_439 = vector.extract_strided_slice %add3A_414 {offsets = [0, 512], sizes = [128, 128], strides = [1, 1]} : vector<512x1024xf32> to vector<128x128xf32>
    %lt3A_440 = arith.cmpf olt, %slice3A_439, %select_n3A_435 : vector<128x128xf32>
    %select_n3A_441 = arith.select %lt3A_440, %slice3A_439, %select_n3A_435 : vector<128x128xi1>, vector<128x128xf32>
    %broadcast_in_dim3A_442 = arith.constant 20 : i32
    %broadcast_in_dim3A_443 = vector.broadcast %broadcast_in_dim3A_442 : i32 to vector<128x128xi32>
    %select_n3A_444 = arith.select %lt3A_440, %broadcast_in_dim3A_443, %select_n3A_438 : vector<128x128xi1>, vector<128x128xi32>
    %slice3A_445 = vector.extract_strided_slice %add3A_414 {offsets = [0, 640], sizes = [128, 128], strides = [1, 1]} : vector<512x1024xf32> to vector<128x128xf32>
    %lt3A_446 = arith.cmpf olt, %slice3A_445, %select_n3A_441 : vector<128x128xf32>
    %select_n3A_447 = arith.select %lt3A_446, %slice3A_445, %select_n3A_441 : vector<128x128xi1>, vector<128x128xf32>
    %broadcast_in_dim3A_448 = arith.constant 21 : i32
    %broadcast_in_dim3A_449 = vector.broadcast %broadcast_in_dim3A_448 : i32 to vector<128x128xi32>
    %select_n3A_450 = arith.select %lt3A_446, %broadcast_in_dim3A_449, %select_n3A_444 : vector<128x128xi1>, vector<128x128xi32>
    %slice3A_451 = vector.extract_strided_slice %add3A_414 {offsets = [0, 768], sizes = [128, 128], strides = [1, 1]} : vector<512x1024xf32> to vector<128x128xf32>
    %lt3A_452 = arith.cmpf olt, %slice3A_451, %select_n3A_447 : vector<128x128xf32>
    %select_n3A_453 = arith.select %lt3A_452, %slice3A_451, %select_n3A_447 : vector<128x128xi1>, vector<128x128xf32>
    %broadcast_in_dim3A_454 = arith.constant 22 : i32
    %broadcast_in_dim3A_455 = vector.broadcast %broadcast_in_dim3A_454 : i32 to vector<128x128xi32>
    %select_n3A_456 = arith.select %lt3A_452, %broadcast_in_dim3A_455, %select_n3A_450 : vector<128x128xi1>, vector<128x128xi32>
    %slice3A_457 = vector.extract_strided_slice %add3A_414 {offsets = [0, 896], sizes = [128, 128], strides = [1, 1]} : vector<512x1024xf32> to vector<128x128xf32>
    %lt3A_458 = arith.cmpf olt, %slice3A_457, %select_n3A_453 : vector<128x128xf32>
    %select_n3A_459 = arith.select %lt3A_458, %slice3A_457, %select_n3A_453 : vector<128x128xi1>, vector<128x128xf32>
    %broadcast_in_dim3A_460 = arith.constant 23 : i32
    %broadcast_in_dim3A_461 = vector.broadcast %broadcast_in_dim3A_460 : i32 to vector<128x128xi32>
    %select_n3A_462 = arith.select %lt3A_458, %broadcast_in_dim3A_461, %select_n3A_456 : vector<128x128xi1>, vector<128x128xi32>
    %slice3A_463 = vector.extract_strided_slice %add3A_414 {offsets = [128, 0], sizes = [128, 128], strides = [1, 1]} : vector<512x1024xf32> to vector<128x128xf32>
    %lt3A_464 = arith.cmpf olt, %slice3A_463, %select_n3A_303 : vector<128x128xf32>
    %select_n3A_465 = arith.select %lt3A_464, %slice3A_463, %select_n3A_303 : vector<128x128xi1>, vector<128x128xf32>
    %broadcast_in_dim3A_466 = arith.constant 16 : i32
    %broadcast_in_dim3A_467 = vector.broadcast %broadcast_in_dim3A_466 : i32 to vector<128x128xi32>
    %select_n3A_468 = arith.select %lt3A_464, %broadcast_in_dim3A_467, %select_n3A_306 : vector<128x128xi1>, vector<128x128xi32>
    %slice3A_469 = vector.extract_strided_slice %add3A_414 {offsets = [128, 128], sizes = [128, 128], strides = [1, 1]} : vector<512x1024xf32> to vector<128x128xf32>
    %lt3A_470 = arith.cmpf olt, %slice3A_469, %select_n3A_465 : vector<128x128xf32>
    %select_n3A_471 = arith.select %lt3A_470, %slice3A_469, %select_n3A_465 : vector<128x128xi1>, vector<128x128xf32>
    %broadcast_in_dim3A_472 = arith.constant 17 : i32
    %broadcast_in_dim3A_473 = vector.broadcast %broadcast_in_dim3A_472 : i32 to vector<128x128xi32>
    %select_n3A_474 = arith.select %lt3A_470, %broadcast_in_dim3A_473, %select_n3A_468 : vector<128x128xi1>, vector<128x128xi32>
    %slice3A_475 = vector.extract_strided_slice %add3A_414 {offsets = [128, 256], sizes = [128, 128], strides = [1, 1]} : vector<512x1024xf32> to vector<128x128xf32>
    %lt3A_476 = arith.cmpf olt, %slice3A_475, %select_n3A_471 : vector<128x128xf32>
    %select_n3A_477 = arith.select %lt3A_476, %slice3A_475, %select_n3A_471 : vector<128x128xi1>, vector<128x128xf32>
    %broadcast_in_dim3A_478 = arith.constant 18 : i32
    %broadcast_in_dim3A_479 = vector.broadcast %broadcast_in_dim3A_478 : i32 to vector<128x128xi32>
    %select_n3A_480 = arith.select %lt3A_476, %broadcast_in_dim3A_479, %select_n3A_474 : vector<128x128xi1>, vector<128x128xi32>
    %slice3A_481 = vector.extract_strided_slice %add3A_414 {offsets = [128, 384], sizes = [128, 128], strides = [1, 1]} : vector<512x1024xf32> to vector<128x128xf32>
    %lt3A_482 = arith.cmpf olt, %slice3A_481, %select_n3A_477 : vector<128x128xf32>
    %select_n3A_483 = arith.select %lt3A_482, %slice3A_481, %select_n3A_477 : vector<128x128xi1>, vector<128x128xf32>
    %broadcast_in_dim3A_484 = arith.constant 19 : i32
    %broadcast_in_dim3A_485 = vector.broadcast %broadcast_in_dim3A_484 : i32 to vector<128x128xi32>
    %select_n3A_486 = arith.select %lt3A_482, %broadcast_in_dim3A_485, %select_n3A_480 : vector<128x128xi1>, vector<128x128xi32>
    %slice3A_487 = vector.extract_strided_slice %add3A_414 {offsets = [128, 512], sizes = [128, 128], strides = [1, 1]} : vector<512x1024xf32> to vector<128x128xf32>
    %lt3A_488 = arith.cmpf olt, %slice3A_487, %select_n3A_483 : vector<128x128xf32>
    %select_n3A_489 = arith.select %lt3A_488, %slice3A_487, %select_n3A_483 : vector<128x128xi1>, vector<128x128xf32>
    %broadcast_in_dim3A_490 = arith.constant 20 : i32
    %broadcast_in_dim3A_491 = vector.broadcast %broadcast_in_dim3A_490 : i32 to vector<128x128xi32>
    %select_n3A_492 = arith.select %lt3A_488, %broadcast_in_dim3A_491, %select_n3A_486 : vector<128x128xi1>, vector<128x128xi32>
    %slice3A_493 = vector.extract_strided_slice %add3A_414 {offsets = [128, 640], sizes = [128, 128], strides = [1, 1]} : vector<512x1024xf32> to vector<128x128xf32>
    %lt3A_494 = arith.cmpf olt, %slice3A_493, %select_n3A_489 : vector<128x128xf32>
    %select_n3A_495 = arith.select %lt3A_494, %slice3A_493, %select_n3A_489 : vector<128x128xi1>, vector<128x128xf32>
    %broadcast_in_dim3A_496 = arith.constant 21 : i32
    %broadcast_in_dim3A_497 = vector.broadcast %broadcast_in_dim3A_496 : i32 to vector<128x128xi32>
    %select_n3A_498 = arith.select %lt3A_494, %broadcast_in_dim3A_497, %select_n3A_492 : vector<128x128xi1>, vector<128x128xi32>
    %slice3A_499 = vector.extract_strided_slice %add3A_414 {offsets = [128, 768], sizes = [128, 128], strides = [1, 1]} : vector<512x1024xf32> to vector<128x128xf32>
    %lt3A_500 = arith.cmpf olt, %slice3A_499, %select_n3A_495 : vector<128x128xf32>
    %select_n3A_501 = arith.select %lt3A_500, %slice3A_499, %select_n3A_495 : vector<128x128xi1>, vector<128x128xf32>
    %broadcast_in_dim3A_502 = arith.constant 22 : i32
    %broadcast_in_dim3A_503 = vector.broadcast %broadcast_in_dim3A_502 : i32 to vector<128x128xi32>
    %select_n3A_504 = arith.select %lt3A_500, %broadcast_in_dim3A_503, %select_n3A_498 : vector<128x128xi1>, vector<128x128xi32>
    %slice3A_505 = vector.extract_strided_slice %add3A_414 {offsets = [128, 896], sizes = [128, 128], strides = [1, 1]} : vector<512x1024xf32> to vector<128x128xf32>
    %lt3A_506 = arith.cmpf olt, %slice3A_505, %select_n3A_501 : vector<128x128xf32>
    %select_n3A_507 = arith.select %lt3A_506, %slice3A_505, %select_n3A_501 : vector<128x128xi1>, vector<128x128xf32>
    %broadcast_in_dim3A_508 = arith.constant 23 : i32
    %broadcast_in_dim3A_509 = vector.broadcast %broadcast_in_dim3A_508 : i32 to vector<128x128xi32>
    %select_n3A_510 = arith.select %lt3A_506, %broadcast_in_dim3A_509, %select_n3A_504 : vector<128x128xi1>, vector<128x128xi32>
    %slice3A_511 = vector.extract_strided_slice %add3A_414 {offsets = [256, 0], sizes = [128, 128], strides = [1, 1]} : vector<512x1024xf32> to vector<128x128xf32>
    %lt3A_512 = arith.cmpf olt, %slice3A_511, %select_n3A_351 : vector<128x128xf32>
    %select_n3A_513 = arith.select %lt3A_512, %slice3A_511, %select_n3A_351 : vector<128x128xi1>, vector<128x128xf32>
    %broadcast_in_dim3A_514 = arith.constant 16 : i32
    %broadcast_in_dim3A_515 = vector.broadcast %broadcast_in_dim3A_514 : i32 to vector<128x128xi32>
    %select_n3A_516 = arith.select %lt3A_512, %broadcast_in_dim3A_515, %select_n3A_354 : vector<128x128xi1>, vector<128x128xi32>
    %slice3A_517 = vector.extract_strided_slice %add3A_414 {offsets = [256, 128], sizes = [128, 128], strides = [1, 1]} : vector<512x1024xf32> to vector<128x128xf32>
    %lt3A_518 = arith.cmpf olt, %slice3A_517, %select_n3A_513 : vector<128x128xf32>
    %select_n3A_519 = arith.select %lt3A_518, %slice3A_517, %select_n3A_513 : vector<128x128xi1>, vector<128x128xf32>
    %broadcast_in_dim3A_520 = arith.constant 17 : i32
    %broadcast_in_dim3A_521 = vector.broadcast %broadcast_in_dim3A_520 : i32 to vector<128x128xi32>
    %select_n3A_522 = arith.select %lt3A_518, %broadcast_in_dim3A_521, %select_n3A_516 : vector<128x128xi1>, vector<128x128xi32>
    %slice3A_523 = vector.extract_strided_slice %add3A_414 {offsets = [256, 256], sizes = [128, 128], strides = [1, 1]} : vector<512x1024xf32> to vector<128x128xf32>
    %lt3A_524 = arith.cmpf olt, %slice3A_523, %select_n3A_519 : vector<128x128xf32>
    %select_n3A_525 = arith.select %lt3A_524, %slice3A_523, %select_n3A_519 : vector<128x128xi1>, vector<128x128xf32>
    %broadcast_in_dim3A_526 = arith.constant 18 : i32
    %broadcast_in_dim3A_527 = vector.broadcast %broadcast_in_dim3A_526 : i32 to vector<128x128xi32>
    %select_n3A_528 = arith.select %lt3A_524, %broadcast_in_dim3A_527, %select_n3A_522 : vector<128x128xi1>, vector<128x128xi32>
    %slice3A_529 = vector.extract_strided_slice %add3A_414 {offsets = [256, 384], sizes = [128, 128], strides = [1, 1]} : vector<512x1024xf32> to vector<128x128xf32>
    %lt3A_530 = arith.cmpf olt, %slice3A_529, %select_n3A_525 : vector<128x128xf32>
    %select_n3A_531 = arith.select %lt3A_530, %slice3A_529, %select_n3A_525 : vector<128x128xi1>, vector<128x128xf32>
    %broadcast_in_dim3A_532 = arith.constant 19 : i32
    %broadcast_in_dim3A_533 = vector.broadcast %broadcast_in_dim3A_532 : i32 to vector<128x128xi32>
    %select_n3A_534 = arith.select %lt3A_530, %broadcast_in_dim3A_533, %select_n3A_528 : vector<128x128xi1>, vector<128x128xi32>
    %slice3A_535 = vector.extract_strided_slice %add3A_414 {offsets = [256, 512], sizes = [128, 128], strides = [1, 1]} : vector<512x1024xf32> to vector<128x128xf32>
    %lt3A_536 = arith.cmpf olt, %slice3A_535, %select_n3A_531 : vector<128x128xf32>
    %select_n3A_537 = arith.select %lt3A_536, %slice3A_535, %select_n3A_531 : vector<128x128xi1>, vector<128x128xf32>
    %broadcast_in_dim3A_538 = arith.constant 20 : i32
    %broadcast_in_dim3A_539 = vector.broadcast %broadcast_in_dim3A_538 : i32 to vector<128x128xi32>
    %select_n3A_540 = arith.select %lt3A_536, %broadcast_in_dim3A_539, %select_n3A_534 : vector<128x128xi1>, vector<128x128xi32>
    %slice3A_541 = vector.extract_strided_slice %add3A_414 {offsets = [256, 640], sizes = [128, 128], strides = [1, 1]} : vector<512x1024xf32> to vector<128x128xf32>
    %lt3A_542 = arith.cmpf olt, %slice3A_541, %select_n3A_537 : vector<128x128xf32>
    %select_n3A_543 = arith.select %lt3A_542, %slice3A_541, %select_n3A_537 : vector<128x128xi1>, vector<128x128xf32>
    %broadcast_in_dim3A_544 = arith.constant 21 : i32
    %broadcast_in_dim3A_545 = vector.broadcast %broadcast_in_dim3A_544 : i32 to vector<128x128xi32>
    %select_n3A_546 = arith.select %lt3A_542, %broadcast_in_dim3A_545, %select_n3A_540 : vector<128x128xi1>, vector<128x128xi32>
    %slice3A_547 = vector.extract_strided_slice %add3A_414 {offsets = [256, 768], sizes = [128, 128], strides = [1, 1]} : vector<512x1024xf32> to vector<128x128xf32>
    %lt3A_548 = arith.cmpf olt, %slice3A_547, %select_n3A_543 : vector<128x128xf32>
    %select_n3A_549 = arith.select %lt3A_548, %slice3A_547, %select_n3A_543 : vector<128x128xi1>, vector<128x128xf32>
    %broadcast_in_dim3A_550 = arith.constant 22 : i32
    %broadcast_in_dim3A_551 = vector.broadcast %broadcast_in_dim3A_550 : i32 to vector<128x128xi32>
    %select_n3A_552 = arith.select %lt3A_548, %broadcast_in_dim3A_551, %select_n3A_546 : vector<128x128xi1>, vector<128x128xi32>
    %slice3A_553 = vector.extract_strided_slice %add3A_414 {offsets = [256, 896], sizes = [128, 128], strides = [1, 1]} : vector<512x1024xf32> to vector<128x128xf32>
    %lt3A_554 = arith.cmpf olt, %slice3A_553, %select_n3A_549 : vector<128x128xf32>
    %select_n3A_555 = arith.select %lt3A_554, %slice3A_553, %select_n3A_549 : vector<128x128xi1>, vector<128x128xf32>
    %broadcast_in_dim3A_556 = arith.constant 23 : i32
    %broadcast_in_dim3A_557 = vector.broadcast %broadcast_in_dim3A_556 : i32 to vector<128x128xi32>
    %select_n3A_558 = arith.select %lt3A_554, %broadcast_in_dim3A_557, %select_n3A_552 : vector<128x128xi1>, vector<128x128xi32>
    %slice3A_559 = vector.extract_strided_slice %add3A_414 {offsets = [384, 0], sizes = [128, 128], strides = [1, 1]} : vector<512x1024xf32> to vector<128x128xf32>
    %lt3A_560 = arith.cmpf olt, %slice3A_559, %select_n3A_399 : vector<128x128xf32>
    %select_n3A_561 = arith.select %lt3A_560, %slice3A_559, %select_n3A_399 : vector<128x128xi1>, vector<128x128xf32>
    %broadcast_in_dim3A_562 = arith.constant 16 : i32
    %broadcast_in_dim3A_563 = vector.broadcast %broadcast_in_dim3A_562 : i32 to vector<128x128xi32>
    %select_n3A_564 = arith.select %lt3A_560, %broadcast_in_dim3A_563, %select_n3A_402 : vector<128x128xi1>, vector<128x128xi32>
    %slice3A_565 = vector.extract_strided_slice %add3A_414 {offsets = [384, 128], sizes = [128, 128], strides = [1, 1]} : vector<512x1024xf32> to vector<128x128xf32>
    %lt3A_566 = arith.cmpf olt, %slice3A_565, %select_n3A_561 : vector<128x128xf32>
    %select_n3A_567 = arith.select %lt3A_566, %slice3A_565, %select_n3A_561 : vector<128x128xi1>, vector<128x128xf32>
    %broadcast_in_dim3A_568 = arith.constant 17 : i32
    %broadcast_in_dim3A_569 = vector.broadcast %broadcast_in_dim3A_568 : i32 to vector<128x128xi32>
    %select_n3A_570 = arith.select %lt3A_566, %broadcast_in_dim3A_569, %select_n3A_564 : vector<128x128xi1>, vector<128x128xi32>
    %slice3A_571 = vector.extract_strided_slice %add3A_414 {offsets = [384, 256], sizes = [128, 128], strides = [1, 1]} : vector<512x1024xf32> to vector<128x128xf32>
    %lt3A_572 = arith.cmpf olt, %slice3A_571, %select_n3A_567 : vector<128x128xf32>
    %select_n3A_573 = arith.select %lt3A_572, %slice3A_571, %select_n3A_567 : vector<128x128xi1>, vector<128x128xf32>
    %broadcast_in_dim3A_574 = arith.constant 18 : i32
    %broadcast_in_dim3A_575 = vector.broadcast %broadcast_in_dim3A_574 : i32 to vector<128x128xi32>
    %select_n3A_576 = arith.select %lt3A_572, %broadcast_in_dim3A_575, %select_n3A_570 : vector<128x128xi1>, vector<128x128xi32>
    %slice3A_577 = vector.extract_strided_slice %add3A_414 {offsets = [384, 384], sizes = [128, 128], strides = [1, 1]} : vector<512x1024xf32> to vector<128x128xf32>
    %lt3A_578 = arith.cmpf olt, %slice3A_577, %select_n3A_573 : vector<128x128xf32>
    %select_n3A_579 = arith.select %lt3A_578, %slice3A_577, %select_n3A_573 : vector<128x128xi1>, vector<128x128xf32>
    %broadcast_in_dim3A_580 = arith.constant 19 : i32
    %broadcast_in_dim3A_581 = vector.broadcast %broadcast_in_dim3A_580 : i32 to vector<128x128xi32>
    %select_n3A_582 = arith.select %lt3A_578, %broadcast_in_dim3A_581, %select_n3A_576 : vector<128x128xi1>, vector<128x128xi32>
    %slice3A_583 = vector.extract_strided_slice %add3A_414 {offsets = [384, 512], sizes = [128, 128], strides = [1, 1]} : vector<512x1024xf32> to vector<128x128xf32>
    %lt3A_584 = arith.cmpf olt, %slice3A_583, %select_n3A_579 : vector<128x128xf32>
    %select_n3A_585 = arith.select %lt3A_584, %slice3A_583, %select_n3A_579 : vector<128x128xi1>, vector<128x128xf32>
    %broadcast_in_dim3A_586 = arith.constant 20 : i32
    %broadcast_in_dim3A_587 = vector.broadcast %broadcast_in_dim3A_586 : i32 to vector<128x128xi32>
    %select_n3A_588 = arith.select %lt3A_584, %broadcast_in_dim3A_587, %select_n3A_582 : vector<128x128xi1>, vector<128x128xi32>
    %slice3A_589 = vector.extract_strided_slice %add3A_414 {offsets = [384, 640], sizes = [128, 128], strides = [1, 1]} : vector<512x1024xf32> to vector<128x128xf32>
    %lt3A_590 = arith.cmpf olt, %slice3A_589, %select_n3A_585 : vector<128x128xf32>
    %select_n3A_591 = arith.select %lt3A_590, %slice3A_589, %select_n3A_585 : vector<128x128xi1>, vector<128x128xf32>
    %broadcast_in_dim3A_592 = arith.constant 21 : i32
    %broadcast_in_dim3A_593 = vector.broadcast %broadcast_in_dim3A_592 : i32 to vector<128x128xi32>
    %select_n3A_594 = arith.select %lt3A_590, %broadcast_in_dim3A_593, %select_n3A_588 : vector<128x128xi1>, vector<128x128xi32>
    %slice3A_595 = vector.extract_strided_slice %add3A_414 {offsets = [384, 768], sizes = [128, 128], strides = [1, 1]} : vector<512x1024xf32> to vector<128x128xf32>
    %lt3A_596 = arith.cmpf olt, %slice3A_595, %select_n3A_591 : vector<128x128xf32>
    %select_n3A_597 = arith.select %lt3A_596, %slice3A_595, %select_n3A_591 : vector<128x128xi1>, vector<128x128xf32>
    %broadcast_in_dim3A_598 = arith.constant 22 : i32
    %broadcast_in_dim3A_599 = vector.broadcast %broadcast_in_dim3A_598 : i32 to vector<128x128xi32>
    %select_n3A_600 = arith.select %lt3A_596, %broadcast_in_dim3A_599, %select_n3A_594 : vector<128x128xi1>, vector<128x128xi32>
    %slice3A_601 = vector.extract_strided_slice %add3A_414 {offsets = [384, 896], sizes = [128, 128], strides = [1, 1]} : vector<512x1024xf32> to vector<128x128xf32>
    %lt3A_602 = arith.cmpf olt, %slice3A_601, %select_n3A_597 : vector<128x128xf32>
    %select_n3A_603 = arith.select %lt3A_602, %slice3A_601, %select_n3A_597 : vector<128x128xi1>, vector<128x128xf32>
    %broadcast_in_dim3A_604 = arith.constant 23 : i32
    %broadcast_in_dim3A_605 = vector.broadcast %broadcast_in_dim3A_604 : i32 to vector<128x128xi32>
    %select_n3A_606 = arith.select %lt3A_602, %broadcast_in_dim3A_605, %select_n3A_600 : vector<128x128xi1>, vector<128x128xi32>
    %get3A_607 = arith.constant 3 : index
    %get3A_608 = arith.constant 0 : index
    %get3A_609 = arith.constant 0 : index
    %get3A_610 = vector.load %arg6[%get3A_607, %get3A_608, %get3A_609] : memref<8x256x1024xbf16, #tpu.memory_space<vmem>>, vector<1x256x1024xbf16>
    %get3A_611 = vector.shape_cast %get3A_610 : vector<1x256x1024xbf16> to vector<256x1024xbf16>
    %dot_general3A_612 = arith.constant dense<0.000000e+00> : vector<512x1024xf32>
    %dot_general3A_613 = tpu.matmul %convert_element_type3A_11, %get3A_611, %dot_general3A_612 {dimension_numbers = #tpu.dot_dimension_numbers<[1], [0], [0], [1], [0, 0, 1, 1], [], []>, transpose_lhs_hint = false} : vector<512x256xbf16>, vector<256x1024xbf16>, vector<512x1024xf32> -> vector<512x1024xf32>
    %get3A_614 = arith.constant 0 : index
    %get3A_615 = arith.constant 3072 : index
    %get3A_616 = vector.load %arg3[%get3A_614, %get3A_615] : memref<1x8192xf32, #tpu.memory_space<vmem>>, vector<1x1024xf32>
    %add3A_617 = vector.broadcast %get3A_616 : vector<1x1024xf32> to vector<512x1024xf32>
    %add3A_618 = arith.addf %dot_general3A_613, %add3A_617 : vector<512x1024xf32>
    %slice3A_619 = vector.extract_strided_slice %add3A_618 {offsets = [0, 0], sizes = [128, 128], strides = [1, 1]} : vector<512x1024xf32> to vector<128x128xf32>
    %lt3A_620 = arith.cmpf olt, %slice3A_619, %select_n3A_459 : vector<128x128xf32>
    %select_n3A_621 = arith.select %lt3A_620, %slice3A_619, %select_n3A_459 : vector<128x128xi1>, vector<128x128xf32>
    %broadcast_in_dim3A_622 = arith.constant 24 : i32
    %broadcast_in_dim3A_623 = vector.broadcast %broadcast_in_dim3A_622 : i32 to vector<128x128xi32>
    %select_n3A_624 = arith.select %lt3A_620, %broadcast_in_dim3A_623, %select_n3A_462 : vector<128x128xi1>, vector<128x128xi32>
    %slice3A_625 = vector.extract_strided_slice %add3A_618 {offsets = [0, 128], sizes = [128, 128], strides = [1, 1]} : vector<512x1024xf32> to vector<128x128xf32>
    %lt3A_626 = arith.cmpf olt, %slice3A_625, %select_n3A_621 : vector<128x128xf32>
    %select_n3A_627 = arith.select %lt3A_626, %slice3A_625, %select_n3A_621 : vector<128x128xi1>, vector<128x128xf32>
    %broadcast_in_dim3A_628 = arith.constant 25 : i32
    %broadcast_in_dim3A_629 = vector.broadcast %broadcast_in_dim3A_628 : i32 to vector<128x128xi32>
    %select_n3A_630 = arith.select %lt3A_626, %broadcast_in_dim3A_629, %select_n3A_624 : vector<128x128xi1>, vector<128x128xi32>
    %slice3A_631 = vector.extract_strided_slice %add3A_618 {offsets = [0, 256], sizes = [128, 128], strides = [1, 1]} : vector<512x1024xf32> to vector<128x128xf32>
    %lt3A_632 = arith.cmpf olt, %slice3A_631, %select_n3A_627 : vector<128x128xf32>
    %select_n3A_633 = arith.select %lt3A_632, %slice3A_631, %select_n3A_627 : vector<128x128xi1>, vector<128x128xf32>
    %broadcast_in_dim3A_634 = arith.constant 26 : i32
    %broadcast_in_dim3A_635 = vector.broadcast %broadcast_in_dim3A_634 : i32 to vector<128x128xi32>
    %select_n3A_636 = arith.select %lt3A_632, %broadcast_in_dim3A_635, %select_n3A_630 : vector<128x128xi1>, vector<128x128xi32>
    %slice3A_637 = vector.extract_strided_slice %add3A_618 {offsets = [0, 384], sizes = [128, 128], strides = [1, 1]} : vector<512x1024xf32> to vector<128x128xf32>
    %lt3A_638 = arith.cmpf olt, %slice3A_637, %select_n3A_633 : vector<128x128xf32>
    %select_n3A_639 = arith.select %lt3A_638, %slice3A_637, %select_n3A_633 : vector<128x128xi1>, vector<128x128xf32>
    %broadcast_in_dim3A_640 = arith.constant 27 : i32
    %broadcast_in_dim3A_641 = vector.broadcast %broadcast_in_dim3A_640 : i32 to vector<128x128xi32>
    %select_n3A_642 = arith.select %lt3A_638, %broadcast_in_dim3A_641, %select_n3A_636 : vector<128x128xi1>, vector<128x128xi32>
    %slice3A_643 = vector.extract_strided_slice %add3A_618 {offsets = [0, 512], sizes = [128, 128], strides = [1, 1]} : vector<512x1024xf32> to vector<128x128xf32>
    %lt3A_644 = arith.cmpf olt, %slice3A_643, %select_n3A_639 : vector<128x128xf32>
    %select_n3A_645 = arith.select %lt3A_644, %slice3A_643, %select_n3A_639 : vector<128x128xi1>, vector<128x128xf32>
    %broadcast_in_dim3A_646 = arith.constant 28 : i32
    %broadcast_in_dim3A_647 = vector.broadcast %broadcast_in_dim3A_646 : i32 to vector<128x128xi32>
    %select_n3A_648 = arith.select %lt3A_644, %broadcast_in_dim3A_647, %select_n3A_642 : vector<128x128xi1>, vector<128x128xi32>
    %slice3A_649 = vector.extract_strided_slice %add3A_618 {offsets = [0, 640], sizes = [128, 128], strides = [1, 1]} : vector<512x1024xf32> to vector<128x128xf32>
    %lt3A_650 = arith.cmpf olt, %slice3A_649, %select_n3A_645 : vector<128x128xf32>
    %select_n3A_651 = arith.select %lt3A_650, %slice3A_649, %select_n3A_645 : vector<128x128xi1>, vector<128x128xf32>
    %broadcast_in_dim3A_652 = arith.constant 29 : i32
    %broadcast_in_dim3A_653 = vector.broadcast %broadcast_in_dim3A_652 : i32 to vector<128x128xi32>
    %select_n3A_654 = arith.select %lt3A_650, %broadcast_in_dim3A_653, %select_n3A_648 : vector<128x128xi1>, vector<128x128xi32>
    %slice3A_655 = vector.extract_strided_slice %add3A_618 {offsets = [0, 768], sizes = [128, 128], strides = [1, 1]} : vector<512x1024xf32> to vector<128x128xf32>
    %lt3A_656 = arith.cmpf olt, %slice3A_655, %select_n3A_651 : vector<128x128xf32>
    %select_n3A_657 = arith.select %lt3A_656, %slice3A_655, %select_n3A_651 : vector<128x128xi1>, vector<128x128xf32>
    %broadcast_in_dim3A_658 = arith.constant 30 : i32
    %broadcast_in_dim3A_659 = vector.broadcast %broadcast_in_dim3A_658 : i32 to vector<128x128xi32>
    %select_n3A_660 = arith.select %lt3A_656, %broadcast_in_dim3A_659, %select_n3A_654 : vector<128x128xi1>, vector<128x128xi32>
    %slice3A_661 = vector.extract_strided_slice %add3A_618 {offsets = [0, 896], sizes = [128, 128], strides = [1, 1]} : vector<512x1024xf32> to vector<128x128xf32>
    %lt3A_662 = arith.cmpf olt, %slice3A_661, %select_n3A_657 : vector<128x128xf32>
    %select_n3A_663 = arith.select %lt3A_662, %slice3A_661, %select_n3A_657 : vector<128x128xi1>, vector<128x128xf32>
    %broadcast_in_dim3A_664 = arith.constant 31 : i32
    %broadcast_in_dim3A_665 = vector.broadcast %broadcast_in_dim3A_664 : i32 to vector<128x128xi32>
    %select_n3A_666 = arith.select %lt3A_662, %broadcast_in_dim3A_665, %select_n3A_660 : vector<128x128xi1>, vector<128x128xi32>
    %slice3A_667 = vector.extract_strided_slice %add3A_618 {offsets = [128, 0], sizes = [128, 128], strides = [1, 1]} : vector<512x1024xf32> to vector<128x128xf32>
    %lt3A_668 = arith.cmpf olt, %slice3A_667, %select_n3A_507 : vector<128x128xf32>
    %select_n3A_669 = arith.select %lt3A_668, %slice3A_667, %select_n3A_507 : vector<128x128xi1>, vector<128x128xf32>
    %broadcast_in_dim3A_670 = arith.constant 24 : i32
    %broadcast_in_dim3A_671 = vector.broadcast %broadcast_in_dim3A_670 : i32 to vector<128x128xi32>
    %select_n3A_672 = arith.select %lt3A_668, %broadcast_in_dim3A_671, %select_n3A_510 : vector<128x128xi1>, vector<128x128xi32>
    %slice3A_673 = vector.extract_strided_slice %add3A_618 {offsets = [128, 128], sizes = [128, 128], strides = [1, 1]} : vector<512x1024xf32> to vector<128x128xf32>
    %lt3A_674 = arith.cmpf olt, %slice3A_673, %select_n3A_669 : vector<128x128xf32>
    %select_n3A_675 = arith.select %lt3A_674, %slice3A_673, %select_n3A_669 : vector<128x128xi1>, vector<128x128xf32>
    %broadcast_in_dim3A_676 = arith.constant 25 : i32
    %broadcast_in_dim3A_677 = vector.broadcast %broadcast_in_dim3A_676 : i32 to vector<128x128xi32>
    %select_n3A_678 = arith.select %lt3A_674, %broadcast_in_dim3A_677, %select_n3A_672 : vector<128x128xi1>, vector<128x128xi32>
    %slice3A_679 = vector.extract_strided_slice %add3A_618 {offsets = [128, 256], sizes = [128, 128], strides = [1, 1]} : vector<512x1024xf32> to vector<128x128xf32>
    %lt3A_680 = arith.cmpf olt, %slice3A_679, %select_n3A_675 : vector<128x128xf32>
    %select_n3A_681 = arith.select %lt3A_680, %slice3A_679, %select_n3A_675 : vector<128x128xi1>, vector<128x128xf32>
    %broadcast_in_dim3A_682 = arith.constant 26 : i32
    %broadcast_in_dim3A_683 = vector.broadcast %broadcast_in_dim3A_682 : i32 to vector<128x128xi32>
    %select_n3A_684 = arith.select %lt3A_680, %broadcast_in_dim3A_683, %select_n3A_678 : vector<128x128xi1>, vector<128x128xi32>
    %slice3A_685 = vector.extract_strided_slice %add3A_618 {offsets = [128, 384], sizes = [128, 128], strides = [1, 1]} : vector<512x1024xf32> to vector<128x128xf32>
    %lt3A_686 = arith.cmpf olt, %slice3A_685, %select_n3A_681 : vector<128x128xf32>
    %select_n3A_687 = arith.select %lt3A_686, %slice3A_685, %select_n3A_681 : vector<128x128xi1>, vector<128x128xf32>
    %broadcast_in_dim3A_688 = arith.constant 27 : i32
    %broadcast_in_dim3A_689 = vector.broadcast %broadcast_in_dim3A_688 : i32 to vector<128x128xi32>
    %select_n3A_690 = arith.select %lt3A_686, %broadcast_in_dim3A_689, %select_n3A_684 : vector<128x128xi1>, vector<128x128xi32>
    %slice3A_691 = vector.extract_strided_slice %add3A_618 {offsets = [128, 512], sizes = [128, 128], strides = [1, 1]} : vector<512x1024xf32> to vector<128x128xf32>
    %lt3A_692 = arith.cmpf olt, %slice3A_691, %select_n3A_687 : vector<128x128xf32>
    %select_n3A_693 = arith.select %lt3A_692, %slice3A_691, %select_n3A_687 : vector<128x128xi1>, vector<128x128xf32>
    %broadcast_in_dim3A_694 = arith.constant 28 : i32
    %broadcast_in_dim3A_695 = vector.broadcast %broadcast_in_dim3A_694 : i32 to vector<128x128xi32>
    %select_n3A_696 = arith.select %lt3A_692, %broadcast_in_dim3A_695, %select_n3A_690 : vector<128x128xi1>, vector<128x128xi32>
    %slice3A_697 = vector.extract_strided_slice %add3A_618 {offsets = [128, 640], sizes = [128, 128], strides = [1, 1]} : vector<512x1024xf32> to vector<128x128xf32>
    %lt3A_698 = arith.cmpf olt, %slice3A_697, %select_n3A_693 : vector<128x128xf32>
    %select_n3A_699 = arith.select %lt3A_698, %slice3A_697, %select_n3A_693 : vector<128x128xi1>, vector<128x128xf32>
    %broadcast_in_dim3A_700 = arith.constant 29 : i32
    %broadcast_in_dim3A_701 = vector.broadcast %broadcast_in_dim3A_700 : i32 to vector<128x128xi32>
    %select_n3A_702 = arith.select %lt3A_698, %broadcast_in_dim3A_701, %select_n3A_696 : vector<128x128xi1>, vector<128x128xi32>
    %slice3A_703 = vector.extract_strided_slice %add3A_618 {offsets = [128, 768], sizes = [128, 128], strides = [1, 1]} : vector<512x1024xf32> to vector<128x128xf32>
    %lt3A_704 = arith.cmpf olt, %slice3A_703, %select_n3A_699 : vector<128x128xf32>
    %select_n3A_705 = arith.select %lt3A_704, %slice3A_703, %select_n3A_699 : vector<128x128xi1>, vector<128x128xf32>
    %broadcast_in_dim3A_706 = arith.constant 30 : i32
    %broadcast_in_dim3A_707 = vector.broadcast %broadcast_in_dim3A_706 : i32 to vector<128x128xi32>
    %select_n3A_708 = arith.select %lt3A_704, %broadcast_in_dim3A_707, %select_n3A_702 : vector<128x128xi1>, vector<128x128xi32>
    %slice3A_709 = vector.extract_strided_slice %add3A_618 {offsets = [128, 896], sizes = [128, 128], strides = [1, 1]} : vector<512x1024xf32> to vector<128x128xf32>
    %lt3A_710 = arith.cmpf olt, %slice3A_709, %select_n3A_705 : vector<128x128xf32>
    %select_n3A_711 = arith.select %lt3A_710, %slice3A_709, %select_n3A_705 : vector<128x128xi1>, vector<128x128xf32>
    %broadcast_in_dim3A_712 = arith.constant 31 : i32
    %broadcast_in_dim3A_713 = vector.broadcast %broadcast_in_dim3A_712 : i32 to vector<128x128xi32>
    %select_n3A_714 = arith.select %lt3A_710, %broadcast_in_dim3A_713, %select_n3A_708 : vector<128x128xi1>, vector<128x128xi32>
    %slice3A_715 = vector.extract_strided_slice %add3A_618 {offsets = [256, 0], sizes = [128, 128], strides = [1, 1]} : vector<512x1024xf32> to vector<128x128xf32>
    %lt3A_716 = arith.cmpf olt, %slice3A_715, %select_n3A_555 : vector<128x128xf32>
    %select_n3A_717 = arith.select %lt3A_716, %slice3A_715, %select_n3A_555 : vector<128x128xi1>, vector<128x128xf32>
    %broadcast_in_dim3A_718 = arith.constant 24 : i32
    %broadcast_in_dim3A_719 = vector.broadcast %broadcast_in_dim3A_718 : i32 to vector<128x128xi32>
    %select_n3A_720 = arith.select %lt3A_716, %broadcast_in_dim3A_719, %select_n3A_558 : vector<128x128xi1>, vector<128x128xi32>
    %slice3A_721 = vector.extract_strided_slice %add3A_618 {offsets = [256, 128], sizes = [128, 128], strides = [1, 1]} : vector<512x1024xf32> to vector<128x128xf32>
    %lt3A_722 = arith.cmpf olt, %slice3A_721, %select_n3A_717 : vector<128x128xf32>
    %select_n3A_723 = arith.select %lt3A_722, %slice3A_721, %select_n3A_717 : vector<128x128xi1>, vector<128x128xf32>
    %broadcast_in_dim3A_724 = arith.constant 25 : i32
    %broadcast_in_dim3A_725 = vector.broadcast %broadcast_in_dim3A_724 : i32 to vector<128x128xi32>
    %select_n3A_726 = arith.select %lt3A_722, %broadcast_in_dim3A_725, %select_n3A_720 : vector<128x128xi1>, vector<128x128xi32>
    %slice3A_727 = vector.extract_strided_slice %add3A_618 {offsets = [256, 256], sizes = [128, 128], strides = [1, 1]} : vector<512x1024xf32> to vector<128x128xf32>
    %lt3A_728 = arith.cmpf olt, %slice3A_727, %select_n3A_723 : vector<128x128xf32>
    %select_n3A_729 = arith.select %lt3A_728, %slice3A_727, %select_n3A_723 : vector<128x128xi1>, vector<128x128xf32>
    %broadcast_in_dim3A_730 = arith.constant 26 : i32
    %broadcast_in_dim3A_731 = vector.broadcast %broadcast_in_dim3A_730 : i32 to vector<128x128xi32>
    %select_n3A_732 = arith.select %lt3A_728, %broadcast_in_dim3A_731, %select_n3A_726 : vector<128x128xi1>, vector<128x128xi32>
    %slice3A_733 = vector.extract_strided_slice %add3A_618 {offsets = [256, 384], sizes = [128, 128], strides = [1, 1]} : vector<512x1024xf32> to vector<128x128xf32>
    %lt3A_734 = arith.cmpf olt, %slice3A_733, %select_n3A_729 : vector<128x128xf32>
    %select_n3A_735 = arith.select %lt3A_734, %slice3A_733, %select_n3A_729 : vector<128x128xi1>, vector<128x128xf32>
    %broadcast_in_dim3A_736 = arith.constant 27 : i32
    %broadcast_in_dim3A_737 = vector.broadcast %broadcast_in_dim3A_736 : i32 to vector<128x128xi32>
    %select_n3A_738 = arith.select %lt3A_734, %broadcast_in_dim3A_737, %select_n3A_732 : vector<128x128xi1>, vector<128x128xi32>
    %slice3A_739 = vector.extract_strided_slice %add3A_618 {offsets = [256, 512], sizes = [128, 128], strides = [1, 1]} : vector<512x1024xf32> to vector<128x128xf32>
    %lt3A_740 = arith.cmpf olt, %slice3A_739, %select_n3A_735 : vector<128x128xf32>
    %select_n3A_741 = arith.select %lt3A_740, %slice3A_739, %select_n3A_735 : vector<128x128xi1>, vector<128x128xf32>
    %broadcast_in_dim3A_742 = arith.constant 28 : i32
    %broadcast_in_dim3A_743 = vector.broadcast %broadcast_in_dim3A_742 : i32 to vector<128x128xi32>
    %select_n3A_744 = arith.select %lt3A_740, %broadcast_in_dim3A_743, %select_n3A_738 : vector<128x128xi1>, vector<128x128xi32>
    %slice3A_745 = vector.extract_strided_slice %add3A_618 {offsets = [256, 640], sizes = [128, 128], strides = [1, 1]} : vector<512x1024xf32> to vector<128x128xf32>
    %lt3A_746 = arith.cmpf olt, %slice3A_745, %select_n3A_741 : vector<128x128xf32>
    %select_n3A_747 = arith.select %lt3A_746, %slice3A_745, %select_n3A_741 : vector<128x128xi1>, vector<128x128xf32>
    %broadcast_in_dim3A_748 = arith.constant 29 : i32
    %broadcast_in_dim3A_749 = vector.broadcast %broadcast_in_dim3A_748 : i32 to vector<128x128xi32>
    %select_n3A_750 = arith.select %lt3A_746, %broadcast_in_dim3A_749, %select_n3A_744 : vector<128x128xi1>, vector<128x128xi32>
    %slice3A_751 = vector.extract_strided_slice %add3A_618 {offsets = [256, 768], sizes = [128, 128], strides = [1, 1]} : vector<512x1024xf32> to vector<128x128xf32>
    %lt3A_752 = arith.cmpf olt, %slice3A_751, %select_n3A_747 : vector<128x128xf32>
    %select_n3A_753 = arith.select %lt3A_752, %slice3A_751, %select_n3A_747 : vector<128x128xi1>, vector<128x128xf32>
    %broadcast_in_dim3A_754 = arith.constant 30 : i32
    %broadcast_in_dim3A_755 = vector.broadcast %broadcast_in_dim3A_754 : i32 to vector<128x128xi32>
    %select_n3A_756 = arith.select %lt3A_752, %broadcast_in_dim3A_755, %select_n3A_750 : vector<128x128xi1>, vector<128x128xi32>
    %slice3A_757 = vector.extract_strided_slice %add3A_618 {offsets = [256, 896], sizes = [128, 128], strides = [1, 1]} : vector<512x1024xf32> to vector<128x128xf32>
    %lt3A_758 = arith.cmpf olt, %slice3A_757, %select_n3A_753 : vector<128x128xf32>
    %select_n3A_759 = arith.select %lt3A_758, %slice3A_757, %select_n3A_753 : vector<128x128xi1>, vector<128x128xf32>
    %broadcast_in_dim3A_760 = arith.constant 31 : i32
    %broadcast_in_dim3A_761 = vector.broadcast %broadcast_in_dim3A_760 : i32 to vector<128x128xi32>
    %select_n3A_762 = arith.select %lt3A_758, %broadcast_in_dim3A_761, %select_n3A_756 : vector<128x128xi1>, vector<128x128xi32>
    %slice3A_763 = vector.extract_strided_slice %add3A_618 {offsets = [384, 0], sizes = [128, 128], strides = [1, 1]} : vector<512x1024xf32> to vector<128x128xf32>
    %lt3A_764 = arith.cmpf olt, %slice3A_763, %select_n3A_603 : vector<128x128xf32>
    %select_n3A_765 = arith.select %lt3A_764, %slice3A_763, %select_n3A_603 : vector<128x128xi1>, vector<128x128xf32>
    %broadcast_in_dim3A_766 = arith.constant 24 : i32
    %broadcast_in_dim3A_767 = vector.broadcast %broadcast_in_dim3A_766 : i32 to vector<128x128xi32>
    %select_n3A_768 = arith.select %lt3A_764, %broadcast_in_dim3A_767, %select_n3A_606 : vector<128x128xi1>, vector<128x128xi32>
    %slice3A_769 = vector.extract_strided_slice %add3A_618 {offsets = [384, 128], sizes = [128, 128], strides = [1, 1]} : vector<512x1024xf32> to vector<128x128xf32>
    %lt3A_770 = arith.cmpf olt, %slice3A_769, %select_n3A_765 : vector<128x128xf32>
    %select_n3A_771 = arith.select %lt3A_770, %slice3A_769, %select_n3A_765 : vector<128x128xi1>, vector<128x128xf32>
    %broadcast_in_dim3A_772 = arith.constant 25 : i32
    %broadcast_in_dim3A_773 = vector.broadcast %broadcast_in_dim3A_772 : i32 to vector<128x128xi32>
    %select_n3A_774 = arith.select %lt3A_770, %broadcast_in_dim3A_773, %select_n3A_768 : vector<128x128xi1>, vector<128x128xi32>
    %slice3A_775 = vector.extract_strided_slice %add3A_618 {offsets = [384, 256], sizes = [128, 128], strides = [1, 1]} : vector<512x1024xf32> to vector<128x128xf32>
    %lt3A_776 = arith.cmpf olt, %slice3A_775, %select_n3A_771 : vector<128x128xf32>
    %select_n3A_777 = arith.select %lt3A_776, %slice3A_775, %select_n3A_771 : vector<128x128xi1>, vector<128x128xf32>
    %broadcast_in_dim3A_778 = arith.constant 26 : i32
    %broadcast_in_dim3A_779 = vector.broadcast %broadcast_in_dim3A_778 : i32 to vector<128x128xi32>
    %select_n3A_780 = arith.select %lt3A_776, %broadcast_in_dim3A_779, %select_n3A_774 : vector<128x128xi1>, vector<128x128xi32>
    %slice3A_781 = vector.extract_strided_slice %add3A_618 {offsets = [384, 384], sizes = [128, 128], strides = [1, 1]} : vector<512x1024xf32> to vector<128x128xf32>
    %lt3A_782 = arith.cmpf olt, %slice3A_781, %select_n3A_777 : vector<128x128xf32>
    %select_n3A_783 = arith.select %lt3A_782, %slice3A_781, %select_n3A_777 : vector<128x128xi1>, vector<128x128xf32>
    %broadcast_in_dim3A_784 = arith.constant 27 : i32
    %broadcast_in_dim3A_785 = vector.broadcast %broadcast_in_dim3A_784 : i32 to vector<128x128xi32>
    %select_n3A_786 = arith.select %lt3A_782, %broadcast_in_dim3A_785, %select_n3A_780 : vector<128x128xi1>, vector<128x128xi32>
    %slice3A_787 = vector.extract_strided_slice %add3A_618 {offsets = [384, 512], sizes = [128, 128], strides = [1, 1]} : vector<512x1024xf32> to vector<128x128xf32>
    %lt3A_788 = arith.cmpf olt, %slice3A_787, %select_n3A_783 : vector<128x128xf32>
    %select_n3A_789 = arith.select %lt3A_788, %slice3A_787, %select_n3A_783 : vector<128x128xi1>, vector<128x128xf32>
    %broadcast_in_dim3A_790 = arith.constant 28 : i32
    %broadcast_in_dim3A_791 = vector.broadcast %broadcast_in_dim3A_790 : i32 to vector<128x128xi32>
    %select_n3A_792 = arith.select %lt3A_788, %broadcast_in_dim3A_791, %select_n3A_786 : vector<128x128xi1>, vector<128x128xi32>
    %slice3A_793 = vector.extract_strided_slice %add3A_618 {offsets = [384, 640], sizes = [128, 128], strides = [1, 1]} : vector<512x1024xf32> to vector<128x128xf32>
    %lt3A_794 = arith.cmpf olt, %slice3A_793, %select_n3A_789 : vector<128x128xf32>
    %select_n3A_795 = arith.select %lt3A_794, %slice3A_793, %select_n3A_789 : vector<128x128xi1>, vector<128x128xf32>
    %broadcast_in_dim3A_796 = arith.constant 29 : i32
    %broadcast_in_dim3A_797 = vector.broadcast %broadcast_in_dim3A_796 : i32 to vector<128x128xi32>
    %select_n3A_798 = arith.select %lt3A_794, %broadcast_in_dim3A_797, %select_n3A_792 : vector<128x128xi1>, vector<128x128xi32>
    %slice3A_799 = vector.extract_strided_slice %add3A_618 {offsets = [384, 768], sizes = [128, 128], strides = [1, 1]} : vector<512x1024xf32> to vector<128x128xf32>
    %lt3A_800 = arith.cmpf olt, %slice3A_799, %select_n3A_795 : vector<128x128xf32>
    %select_n3A_801 = arith.select %lt3A_800, %slice3A_799, %select_n3A_795 : vector<128x128xi1>, vector<128x128xf32>
    %broadcast_in_dim3A_802 = arith.constant 30 : i32
    %broadcast_in_dim3A_803 = vector.broadcast %broadcast_in_dim3A_802 : i32 to vector<128x128xi32>
    %select_n3A_804 = arith.select %lt3A_800, %broadcast_in_dim3A_803, %select_n3A_798 : vector<128x128xi1>, vector<128x128xi32>
    %slice3A_805 = vector.extract_strided_slice %add3A_618 {offsets = [384, 896], sizes = [128, 128], strides = [1, 1]} : vector<512x1024xf32> to vector<128x128xf32>
    %lt3A_806 = arith.cmpf olt, %slice3A_805, %select_n3A_801 : vector<128x128xf32>
    %select_n3A_807 = arith.select %lt3A_806, %slice3A_805, %select_n3A_801 : vector<128x128xi1>, vector<128x128xf32>
    %broadcast_in_dim3A_808 = arith.constant 31 : i32
    %broadcast_in_dim3A_809 = vector.broadcast %broadcast_in_dim3A_808 : i32 to vector<128x128xi32>
    %select_n3A_810 = arith.select %lt3A_806, %broadcast_in_dim3A_809, %select_n3A_804 : vector<128x128xi1>, vector<128x128xi32>
    %get3A_811 = arith.constant 4 : index
    %get3A_812 = arith.constant 0 : index
    %get3A_813 = arith.constant 0 : index
    %get3A_814 = vector.load %arg6[%get3A_811, %get3A_812, %get3A_813] : memref<8x256x1024xbf16, #tpu.memory_space<vmem>>, vector<1x256x1024xbf16>
    %get3A_815 = vector.shape_cast %get3A_814 : vector<1x256x1024xbf16> to vector<256x1024xbf16>
    %dot_general3A_816 = arith.constant dense<0.000000e+00> : vector<512x1024xf32>
    %dot_general3A_817 = tpu.matmul %convert_element_type3A_11, %get3A_815, %dot_general3A_816 {dimension_numbers = #tpu.dot_dimension_numbers<[1], [0], [0], [1], [0, 0, 1, 1], [], []>, transpose_lhs_hint = false} : vector<512x256xbf16>, vector<256x1024xbf16>, vector<512x1024xf32> -> vector<512x1024xf32>
    %get3A_818 = arith.constant 0 : index
    %get3A_819 = arith.constant 4096 : index
    %get3A_820 = vector.load %arg3[%get3A_818, %get3A_819] : memref<1x8192xf32, #tpu.memory_space<vmem>>, vector<1x1024xf32>
    %add3A_821 = vector.broadcast %get3A_820 : vector<1x1024xf32> to vector<512x1024xf32>
    %add3A_822 = arith.addf %dot_general3A_817, %add3A_821 : vector<512x1024xf32>
    %slice3A_823 = vector.extract_strided_slice %add3A_822 {offsets = [0, 0], sizes = [128, 128], strides = [1, 1]} : vector<512x1024xf32> to vector<128x128xf32>
    %lt3A_824 = arith.cmpf olt, %slice3A_823, %select_n3A_663 : vector<128x128xf32>
    %select_n3A_825 = arith.select %lt3A_824, %slice3A_823, %select_n3A_663 : vector<128x128xi1>, vector<128x128xf32>
    %broadcast_in_dim3A_826 = arith.constant 32 : i32
    %broadcast_in_dim3A_827 = vector.broadcast %broadcast_in_dim3A_826 : i32 to vector<128x128xi32>
    %select_n3A_828 = arith.select %lt3A_824, %broadcast_in_dim3A_827, %select_n3A_666 : vector<128x128xi1>, vector<128x128xi32>
    %slice3A_829 = vector.extract_strided_slice %add3A_822 {offsets = [0, 128], sizes = [128, 128], strides = [1, 1]} : vector<512x1024xf32> to vector<128x128xf32>
    %lt3A_830 = arith.cmpf olt, %slice3A_829, %select_n3A_825 : vector<128x128xf32>
    %select_n3A_831 = arith.select %lt3A_830, %slice3A_829, %select_n3A_825 : vector<128x128xi1>, vector<128x128xf32>
    %broadcast_in_dim3A_832 = arith.constant 33 : i32
    %broadcast_in_dim3A_833 = vector.broadcast %broadcast_in_dim3A_832 : i32 to vector<128x128xi32>
    %select_n3A_834 = arith.select %lt3A_830, %broadcast_in_dim3A_833, %select_n3A_828 : vector<128x128xi1>, vector<128x128xi32>
    %slice3A_835 = vector.extract_strided_slice %add3A_822 {offsets = [0, 256], sizes = [128, 128], strides = [1, 1]} : vector<512x1024xf32> to vector<128x128xf32>
    %lt3A_836 = arith.cmpf olt, %slice3A_835, %select_n3A_831 : vector<128x128xf32>
    %select_n3A_837 = arith.select %lt3A_836, %slice3A_835, %select_n3A_831 : vector<128x128xi1>, vector<128x128xf32>
    %broadcast_in_dim3A_838 = arith.constant 34 : i32
    %broadcast_in_dim3A_839 = vector.broadcast %broadcast_in_dim3A_838 : i32 to vector<128x128xi32>
    %select_n3A_840 = arith.select %lt3A_836, %broadcast_in_dim3A_839, %select_n3A_834 : vector<128x128xi1>, vector<128x128xi32>
    %slice3A_841 = vector.extract_strided_slice %add3A_822 {offsets = [0, 384], sizes = [128, 128], strides = [1, 1]} : vector<512x1024xf32> to vector<128x128xf32>
    %lt3A_842 = arith.cmpf olt, %slice3A_841, %select_n3A_837 : vector<128x128xf32>
    %select_n3A_843 = arith.select %lt3A_842, %slice3A_841, %select_n3A_837 : vector<128x128xi1>, vector<128x128xf32>
    %broadcast_in_dim3A_844 = arith.constant 35 : i32
    %broadcast_in_dim3A_845 = vector.broadcast %broadcast_in_dim3A_844 : i32 to vector<128x128xi32>
    %select_n3A_846 = arith.select %lt3A_842, %broadcast_in_dim3A_845, %select_n3A_840 : vector<128x128xi1>, vector<128x128xi32>
    %slice3A_847 = vector.extract_strided_slice %add3A_822 {offsets = [0, 512], sizes = [128, 128], strides = [1, 1]} : vector<512x1024xf32> to vector<128x128xf32>
    %lt3A_848 = arith.cmpf olt, %slice3A_847, %select_n3A_843 : vector<128x128xf32>
    %select_n3A_849 = arith.select %lt3A_848, %slice3A_847, %select_n3A_843 : vector<128x128xi1>, vector<128x128xf32>
    %broadcast_in_dim3A_850 = arith.constant 36 : i32
    %broadcast_in_dim3A_851 = vector.broadcast %broadcast_in_dim3A_850 : i32 to vector<128x128xi32>
    %select_n3A_852 = arith.select %lt3A_848, %broadcast_in_dim3A_851, %select_n3A_846 : vector<128x128xi1>, vector<128x128xi32>
    %slice3A_853 = vector.extract_strided_slice %add3A_822 {offsets = [0, 640], sizes = [128, 128], strides = [1, 1]} : vector<512x1024xf32> to vector<128x128xf32>
    %lt3A_854 = arith.cmpf olt, %slice3A_853, %select_n3A_849 : vector<128x128xf32>
    %select_n3A_855 = arith.select %lt3A_854, %slice3A_853, %select_n3A_849 : vector<128x128xi1>, vector<128x128xf32>
    %broadcast_in_dim3A_856 = arith.constant 37 : i32
    %broadcast_in_dim3A_857 = vector.broadcast %broadcast_in_dim3A_856 : i32 to vector<128x128xi32>
    %select_n3A_858 = arith.select %lt3A_854, %broadcast_in_dim3A_857, %select_n3A_852 : vector<128x128xi1>, vector<128x128xi32>
    %slice3A_859 = vector.extract_strided_slice %add3A_822 {offsets = [0, 768], sizes = [128, 128], strides = [1, 1]} : vector<512x1024xf32> to vector<128x128xf32>
    %lt3A_860 = arith.cmpf olt, %slice3A_859, %select_n3A_855 : vector<128x128xf32>
    %select_n3A_861 = arith.select %lt3A_860, %slice3A_859, %select_n3A_855 : vector<128x128xi1>, vector<128x128xf32>
    %broadcast_in_dim3A_862 = arith.constant 38 : i32
    %broadcast_in_dim3A_863 = vector.broadcast %broadcast_in_dim3A_862 : i32 to vector<128x128xi32>
    %select_n3A_864 = arith.select %lt3A_860, %broadcast_in_dim3A_863, %select_n3A_858 : vector<128x128xi1>, vector<128x128xi32>
    %slice3A_865 = vector.extract_strided_slice %add3A_822 {offsets = [0, 896], sizes = [128, 128], strides = [1, 1]} : vector<512x1024xf32> to vector<128x128xf32>
    %lt3A_866 = arith.cmpf olt, %slice3A_865, %select_n3A_861 : vector<128x128xf32>
    %select_n3A_867 = arith.select %lt3A_866, %slice3A_865, %select_n3A_861 : vector<128x128xi1>, vector<128x128xf32>
    %broadcast_in_dim3A_868 = arith.constant 39 : i32
    %broadcast_in_dim3A_869 = vector.broadcast %broadcast_in_dim3A_868 : i32 to vector<128x128xi32>
    %select_n3A_870 = arith.select %lt3A_866, %broadcast_in_dim3A_869, %select_n3A_864 : vector<128x128xi1>, vector<128x128xi32>
    %slice3A_871 = vector.extract_strided_slice %add3A_822 {offsets = [128, 0], sizes = [128, 128], strides = [1, 1]} : vector<512x1024xf32> to vector<128x128xf32>
    %lt3A_872 = arith.cmpf olt, %slice3A_871, %select_n3A_711 : vector<128x128xf32>
    %select_n3A_873 = arith.select %lt3A_872, %slice3A_871, %select_n3A_711 : vector<128x128xi1>, vector<128x128xf32>
    %broadcast_in_dim3A_874 = arith.constant 32 : i32
    %broadcast_in_dim3A_875 = vector.broadcast %broadcast_in_dim3A_874 : i32 to vector<128x128xi32>
    %select_n3A_876 = arith.select %lt3A_872, %broadcast_in_dim3A_875, %select_n3A_714 : vector<128x128xi1>, vector<128x128xi32>
    %slice3A_877 = vector.extract_strided_slice %add3A_822 {offsets = [128, 128], sizes = [128, 128], strides = [1, 1]} : vector<512x1024xf32> to vector<128x128xf32>
    %lt3A_878 = arith.cmpf olt, %slice3A_877, %select_n3A_873 : vector<128x128xf32>
    %select_n3A_879 = arith.select %lt3A_878, %slice3A_877, %select_n3A_873 : vector<128x128xi1>, vector<128x128xf32>
    %broadcast_in_dim3A_880 = arith.constant 33 : i32
    %broadcast_in_dim3A_881 = vector.broadcast %broadcast_in_dim3A_880 : i32 to vector<128x128xi32>
    %select_n3A_882 = arith.select %lt3A_878, %broadcast_in_dim3A_881, %select_n3A_876 : vector<128x128xi1>, vector<128x128xi32>
    %slice3A_883 = vector.extract_strided_slice %add3A_822 {offsets = [128, 256], sizes = [128, 128], strides = [1, 1]} : vector<512x1024xf32> to vector<128x128xf32>
    %lt3A_884 = arith.cmpf olt, %slice3A_883, %select_n3A_879 : vector<128x128xf32>
    %select_n3A_885 = arith.select %lt3A_884, %slice3A_883, %select_n3A_879 : vector<128x128xi1>, vector<128x128xf32>
    %broadcast_in_dim3A_886 = arith.constant 34 : i32
    %broadcast_in_dim3A_887 = vector.broadcast %broadcast_in_dim3A_886 : i32 to vector<128x128xi32>
    %select_n3A_888 = arith.select %lt3A_884, %broadcast_in_dim3A_887, %select_n3A_882 : vector<128x128xi1>, vector<128x128xi32>
    %slice3A_889 = vector.extract_strided_slice %add3A_822 {offsets = [128, 384], sizes = [128, 128], strides = [1, 1]} : vector<512x1024xf32> to vector<128x128xf32>
    %lt3A_890 = arith.cmpf olt, %slice3A_889, %select_n3A_885 : vector<128x128xf32>
    %select_n3A_891 = arith.select %lt3A_890, %slice3A_889, %select_n3A_885 : vector<128x128xi1>, vector<128x128xf32>
    %broadcast_in_dim3A_892 = arith.constant 35 : i32
    %broadcast_in_dim3A_893 = vector.broadcast %broadcast_in_dim3A_892 : i32 to vector<128x128xi32>
    %select_n3A_894 = arith.select %lt3A_890, %broadcast_in_dim3A_893, %select_n3A_888 : vector<128x128xi1>, vector<128x128xi32>
    %slice3A_895 = vector.extract_strided_slice %add3A_822 {offsets = [128, 512], sizes = [128, 128], strides = [1, 1]} : vector<512x1024xf32> to vector<128x128xf32>
    %lt3A_896 = arith.cmpf olt, %slice3A_895, %select_n3A_891 : vector<128x128xf32>
    %select_n3A_897 = arith.select %lt3A_896, %slice3A_895, %select_n3A_891 : vector<128x128xi1>, vector<128x128xf32>
    %broadcast_in_dim3A_898 = arith.constant 36 : i32
    %broadcast_in_dim3A_899 = vector.broadcast %broadcast_in_dim3A_898 : i32 to vector<128x128xi32>
    %select_n3A_900 = arith.select %lt3A_896, %broadcast_in_dim3A_899, %select_n3A_894 : vector<128x128xi1>, vector<128x128xi32>
    %slice3A_901 = vector.extract_strided_slice %add3A_822 {offsets = [128, 640], sizes = [128, 128], strides = [1, 1]} : vector<512x1024xf32> to vector<128x128xf32>
    %lt3A_902 = arith.cmpf olt, %slice3A_901, %select_n3A_897 : vector<128x128xf32>
    %select_n3A_903 = arith.select %lt3A_902, %slice3A_901, %select_n3A_897 : vector<128x128xi1>, vector<128x128xf32>
    %broadcast_in_dim3A_904 = arith.constant 37 : i32
    %broadcast_in_dim3A_905 = vector.broadcast %broadcast_in_dim3A_904 : i32 to vector<128x128xi32>
    %select_n3A_906 = arith.select %lt3A_902, %broadcast_in_dim3A_905, %select_n3A_900 : vector<128x128xi1>, vector<128x128xi32>
    %slice3A_907 = vector.extract_strided_slice %add3A_822 {offsets = [128, 768], sizes = [128, 128], strides = [1, 1]} : vector<512x1024xf32> to vector<128x128xf32>
    %lt3A_908 = arith.cmpf olt, %slice3A_907, %select_n3A_903 : vector<128x128xf32>
    %select_n3A_909 = arith.select %lt3A_908, %slice3A_907, %select_n3A_903 : vector<128x128xi1>, vector<128x128xf32>
    %broadcast_in_dim3A_910 = arith.constant 38 : i32
    %broadcast_in_dim3A_911 = vector.broadcast %broadcast_in_dim3A_910 : i32 to vector<128x128xi32>
    %select_n3A_912 = arith.select %lt3A_908, %broadcast_in_dim3A_911, %select_n3A_906 : vector<128x128xi1>, vector<128x128xi32>
    %slice3A_913 = vector.extract_strided_slice %add3A_822 {offsets = [128, 896], sizes = [128, 128], strides = [1, 1]} : vector<512x1024xf32> to vector<128x128xf32>
    %lt3A_914 = arith.cmpf olt, %slice3A_913, %select_n3A_909 : vector<128x128xf32>
    %select_n3A_915 = arith.select %lt3A_914, %slice3A_913, %select_n3A_909 : vector<128x128xi1>, vector<128x128xf32>
    %broadcast_in_dim3A_916 = arith.constant 39 : i32
    %broadcast_in_dim3A_917 = vector.broadcast %broadcast_in_dim3A_916 : i32 to vector<128x128xi32>
    %select_n3A_918 = arith.select %lt3A_914, %broadcast_in_dim3A_917, %select_n3A_912 : vector<128x128xi1>, vector<128x128xi32>
    %slice3A_919 = vector.extract_strided_slice %add3A_822 {offsets = [256, 0], sizes = [128, 128], strides = [1, 1]} : vector<512x1024xf32> to vector<128x128xf32>
    %lt3A_920 = arith.cmpf olt, %slice3A_919, %select_n3A_759 : vector<128x128xf32>
    %select_n3A_921 = arith.select %lt3A_920, %slice3A_919, %select_n3A_759 : vector<128x128xi1>, vector<128x128xf32>
    %broadcast_in_dim3A_922 = arith.constant 32 : i32
    %broadcast_in_dim3A_923 = vector.broadcast %broadcast_in_dim3A_922 : i32 to vector<128x128xi32>
    %select_n3A_924 = arith.select %lt3A_920, %broadcast_in_dim3A_923, %select_n3A_762 : vector<128x128xi1>, vector<128x128xi32>
    %slice3A_925 = vector.extract_strided_slice %add3A_822 {offsets = [256, 128], sizes = [128, 128], strides = [1, 1]} : vector<512x1024xf32> to vector<128x128xf32>
    %lt3A_926 = arith.cmpf olt, %slice3A_925, %select_n3A_921 : vector<128x128xf32>
    %select_n3A_927 = arith.select %lt3A_926, %slice3A_925, %select_n3A_921 : vector<128x128xi1>, vector<128x128xf32>
    %broadcast_in_dim3A_928 = arith.constant 33 : i32
    %broadcast_in_dim3A_929 = vector.broadcast %broadcast_in_dim3A_928 : i32 to vector<128x128xi32>
    %select_n3A_930 = arith.select %lt3A_926, %broadcast_in_dim3A_929, %select_n3A_924 : vector<128x128xi1>, vector<128x128xi32>
    %slice3A_931 = vector.extract_strided_slice %add3A_822 {offsets = [256, 256], sizes = [128, 128], strides = [1, 1]} : vector<512x1024xf32> to vector<128x128xf32>
    %lt3A_932 = arith.cmpf olt, %slice3A_931, %select_n3A_927 : vector<128x128xf32>
    %select_n3A_933 = arith.select %lt3A_932, %slice3A_931, %select_n3A_927 : vector<128x128xi1>, vector<128x128xf32>
    %broadcast_in_dim3A_934 = arith.constant 34 : i32
    %broadcast_in_dim3A_935 = vector.broadcast %broadcast_in_dim3A_934 : i32 to vector<128x128xi32>
    %select_n3A_936 = arith.select %lt3A_932, %broadcast_in_dim3A_935, %select_n3A_930 : vector<128x128xi1>, vector<128x128xi32>
    %slice3A_937 = vector.extract_strided_slice %add3A_822 {offsets = [256, 384], sizes = [128, 128], strides = [1, 1]} : vector<512x1024xf32> to vector<128x128xf32>
    %lt3A_938 = arith.cmpf olt, %slice3A_937, %select_n3A_933 : vector<128x128xf32>
    %select_n3A_939 = arith.select %lt3A_938, %slice3A_937, %select_n3A_933 : vector<128x128xi1>, vector<128x128xf32>
    %broadcast_in_dim3A_940 = arith.constant 35 : i32
    %broadcast_in_dim3A_941 = vector.broadcast %broadcast_in_dim3A_940 : i32 to vector<128x128xi32>
    %select_n3A_942 = arith.select %lt3A_938, %broadcast_in_dim3A_941, %select_n3A_936 : vector<128x128xi1>, vector<128x128xi32>
    %slice3A_943 = vector.extract_strided_slice %add3A_822 {offsets = [256, 512], sizes = [128, 128], strides = [1, 1]} : vector<512x1024xf32> to vector<128x128xf32>
    %lt3A_944 = arith.cmpf olt, %slice3A_943, %select_n3A_939 : vector<128x128xf32>
    %select_n3A_945 = arith.select %lt3A_944, %slice3A_943, %select_n3A_939 : vector<128x128xi1>, vector<128x128xf32>
    %broadcast_in_dim3A_946 = arith.constant 36 : i32
    %broadcast_in_dim3A_947 = vector.broadcast %broadcast_in_dim3A_946 : i32 to vector<128x128xi32>
    %select_n3A_948 = arith.select %lt3A_944, %broadcast_in_dim3A_947, %select_n3A_942 : vector<128x128xi1>, vector<128x128xi32>
    %slice3A_949 = vector.extract_strided_slice %add3A_822 {offsets = [256, 640], sizes = [128, 128], strides = [1, 1]} : vector<512x1024xf32> to vector<128x128xf32>
    %lt3A_950 = arith.cmpf olt, %slice3A_949, %select_n3A_945 : vector<128x128xf32>
    %select_n3A_951 = arith.select %lt3A_950, %slice3A_949, %select_n3A_945 : vector<128x128xi1>, vector<128x128xf32>
    %broadcast_in_dim3A_952 = arith.constant 37 : i32
    %broadcast_in_dim3A_953 = vector.broadcast %broadcast_in_dim3A_952 : i32 to vector<128x128xi32>
    %select_n3A_954 = arith.select %lt3A_950, %broadcast_in_dim3A_953, %select_n3A_948 : vector<128x128xi1>, vector<128x128xi32>
    %slice3A_955 = vector.extract_strided_slice %add3A_822 {offsets = [256, 768], sizes = [128, 128], strides = [1, 1]} : vector<512x1024xf32> to vector<128x128xf32>
    %lt3A_956 = arith.cmpf olt, %slice3A_955, %select_n3A_951 : vector<128x128xf32>
    %select_n3A_957 = arith.select %lt3A_956, %slice3A_955, %select_n3A_951 : vector<128x128xi1>, vector<128x128xf32>
    %broadcast_in_dim3A_958 = arith.constant 38 : i32
    %broadcast_in_dim3A_959 = vector.broadcast %broadcast_in_dim3A_958 : i32 to vector<128x128xi32>
    %select_n3A_960 = arith.select %lt3A_956, %broadcast_in_dim3A_959, %select_n3A_954 : vector<128x128xi1>, vector<128x128xi32>
    %slice3A_961 = vector.extract_strided_slice %add3A_822 {offsets = [256, 896], sizes = [128, 128], strides = [1, 1]} : vector<512x1024xf32> to vector<128x128xf32>
    %lt3A_962 = arith.cmpf olt, %slice3A_961, %select_n3A_957 : vector<128x128xf32>
    %select_n3A_963 = arith.select %lt3A_962, %slice3A_961, %select_n3A_957 : vector<128x128xi1>, vector<128x128xf32>
    %broadcast_in_dim3A_964 = arith.constant 39 : i32
    %broadcast_in_dim3A_965 = vector.broadcast %broadcast_in_dim3A_964 : i32 to vector<128x128xi32>
    %select_n3A_966 = arith.select %lt3A_962, %broadcast_in_dim3A_965, %select_n3A_960 : vector<128x128xi1>, vector<128x128xi32>
    %slice3A_967 = vector.extract_strided_slice %add3A_822 {offsets = [384, 0], sizes = [128, 128], strides = [1, 1]} : vector<512x1024xf32> to vector<128x128xf32>
    %lt3A_968 = arith.cmpf olt, %slice3A_967, %select_n3A_807 : vector<128x128xf32>
    %select_n3A_969 = arith.select %lt3A_968, %slice3A_967, %select_n3A_807 : vector<128x128xi1>, vector<128x128xf32>
    %broadcast_in_dim3A_970 = arith.constant 32 : i32
    %broadcast_in_dim3A_971 = vector.broadcast %broadcast_in_dim3A_970 : i32 to vector<128x128xi32>
    %select_n3A_972 = arith.select %lt3A_968, %broadcast_in_dim3A_971, %select_n3A_810 : vector<128x128xi1>, vector<128x128xi32>
    %slice3A_973 = vector.extract_strided_slice %add3A_822 {offsets = [384, 128], sizes = [128, 128], strides = [1, 1]} : vector<512x1024xf32> to vector<128x128xf32>
    %lt3A_974 = arith.cmpf olt, %slice3A_973, %select_n3A_969 : vector<128x128xf32>
    %select_n3A_975 = arith.select %lt3A_974, %slice3A_973, %select_n3A_969 : vector<128x128xi1>, vector<128x128xf32>
    %broadcast_in_dim3A_976 = arith.constant 33 : i32
    %broadcast_in_dim3A_977 = vector.broadcast %broadcast_in_dim3A_976 : i32 to vector<128x128xi32>
    %select_n3A_978 = arith.select %lt3A_974, %broadcast_in_dim3A_977, %select_n3A_972 : vector<128x128xi1>, vector<128x128xi32>
    %slice3A_979 = vector.extract_strided_slice %add3A_822 {offsets = [384, 256], sizes = [128, 128], strides = [1, 1]} : vector<512x1024xf32> to vector<128x128xf32>
    %lt3A_980 = arith.cmpf olt, %slice3A_979, %select_n3A_975 : vector<128x128xf32>
    %select_n3A_981 = arith.select %lt3A_980, %slice3A_979, %select_n3A_975 : vector<128x128xi1>, vector<128x128xf32>
    %broadcast_in_dim3A_982 = arith.constant 34 : i32
    %broadcast_in_dim3A_983 = vector.broadcast %broadcast_in_dim3A_982 : i32 to vector<128x128xi32>
    %select_n3A_984 = arith.select %lt3A_980, %broadcast_in_dim3A_983, %select_n3A_978 : vector<128x128xi1>, vector<128x128xi32>
    %slice3A_985 = vector.extract_strided_slice %add3A_822 {offsets = [384, 384], sizes = [128, 128], strides = [1, 1]} : vector<512x1024xf32> to vector<128x128xf32>
    %lt3A_986 = arith.cmpf olt, %slice3A_985, %select_n3A_981 : vector<128x128xf32>
    %select_n3A_987 = arith.select %lt3A_986, %slice3A_985, %select_n3A_981 : vector<128x128xi1>, vector<128x128xf32>
    %broadcast_in_dim3A_988 = arith.constant 35 : i32
    %broadcast_in_dim3A_989 = vector.broadcast %broadcast_in_dim3A_988 : i32 to vector<128x128xi32>
    %select_n3A_990 = arith.select %lt3A_986, %broadcast_in_dim3A_989, %select_n3A_984 : vector<128x128xi1>, vector<128x128xi32>
    %slice3A_991 = vector.extract_strided_slice %add3A_822 {offsets = [384, 512], sizes = [128, 128], strides = [1, 1]} : vector<512x1024xf32> to vector<128x128xf32>
    %lt3A_992 = arith.cmpf olt, %slice3A_991, %select_n3A_987 : vector<128x128xf32>
    %select_n3A_993 = arith.select %lt3A_992, %slice3A_991, %select_n3A_987 : vector<128x128xi1>, vector<128x128xf32>
    %broadcast_in_dim3A_994 = arith.constant 36 : i32
    %broadcast_in_dim3A_995 = vector.broadcast %broadcast_in_dim3A_994 : i32 to vector<128x128xi32>
    %select_n3A_996 = arith.select %lt3A_992, %broadcast_in_dim3A_995, %select_n3A_990 : vector<128x128xi1>, vector<128x128xi32>
    %slice3A_997 = vector.extract_strided_slice %add3A_822 {offsets = [384, 640], sizes = [128, 128], strides = [1, 1]} : vector<512x1024xf32> to vector<128x128xf32>
    %lt3A_998 = arith.cmpf olt, %slice3A_997, %select_n3A_993 : vector<128x128xf32>
    %select_n3A_999 = arith.select %lt3A_998, %slice3A_997, %select_n3A_993 : vector<128x128xi1>, vector<128x128xf32>
    %broadcast_in_dim3A_1000 = arith.constant 37 : i32
    %broadcast_in_dim3A_1001 = vector.broadcast %broadcast_in_dim3A_1000 : i32 to vector<128x128xi32>
    %select_n3A_1002 = arith.select %lt3A_998, %broadcast_in_dim3A_1001, %select_n3A_996 : vector<128x128xi1>, vector<128x128xi32>
    %slice3A_1003 = vector.extract_strided_slice %add3A_822 {offsets = [384, 768], sizes = [128, 128], strides = [1, 1]} : vector<512x1024xf32> to vector<128x128xf32>
    %lt3A_1004 = arith.cmpf olt, %slice3A_1003, %select_n3A_999 : vector<128x128xf32>
    %select_n3A_1005 = arith.select %lt3A_1004, %slice3A_1003, %select_n3A_999 : vector<128x128xi1>, vector<128x128xf32>
    %broadcast_in_dim3A_1006 = arith.constant 38 : i32
    %broadcast_in_dim3A_1007 = vector.broadcast %broadcast_in_dim3A_1006 : i32 to vector<128x128xi32>
    %select_n3A_1008 = arith.select %lt3A_1004, %broadcast_in_dim3A_1007, %select_n3A_1002 : vector<128x128xi1>, vector<128x128xi32>
    %slice3A_1009 = vector.extract_strided_slice %add3A_822 {offsets = [384, 896], sizes = [128, 128], strides = [1, 1]} : vector<512x1024xf32> to vector<128x128xf32>
    %lt3A_1010 = arith.cmpf olt, %slice3A_1009, %select_n3A_1005 : vector<128x128xf32>
    %select_n3A_1011 = arith.select %lt3A_1010, %slice3A_1009, %select_n3A_1005 : vector<128x128xi1>, vector<128x128xf32>
    %broadcast_in_dim3A_1012 = arith.constant 39 : i32
    %broadcast_in_dim3A_1013 = vector.broadcast %broadcast_in_dim3A_1012 : i32 to vector<128x128xi32>
    %select_n3A_1014 = arith.select %lt3A_1010, %broadcast_in_dim3A_1013, %select_n3A_1008 : vector<128x128xi1>, vector<128x128xi32>
    %get3A_1015 = arith.constant 5 : index
    %get3A_1016 = arith.constant 0 : index
    %get3A_1017 = arith.constant 0 : index
    %get3A_1018 = vector.load %arg6[%get3A_1015, %get3A_1016, %get3A_1017] : memref<8x256x1024xbf16, #tpu.memory_space<vmem>>, vector<1x256x1024xbf16>
    %get3A_1019 = vector.shape_cast %get3A_1018 : vector<1x256x1024xbf16> to vector<256x1024xbf16>
    %dot_general3A_1020 = arith.constant dense<0.000000e+00> : vector<512x1024xf32>
    %dot_general3A_1021 = tpu.matmul %convert_element_type3A_11, %get3A_1019, %dot_general3A_1020 {dimension_numbers = #tpu.dot_dimension_numbers<[1], [0], [0], [1], [0, 0, 1, 1], [], []>, transpose_lhs_hint = false} : vector<512x256xbf16>, vector<256x1024xbf16>, vector<512x1024xf32> -> vector<512x1024xf32>
    %get3A_1022 = arith.constant 0 : index
    %get3A_1023 = arith.constant 5120 : index
    %get3A_1024 = vector.load %arg3[%get3A_1022, %get3A_1023] : memref<1x8192xf32, #tpu.memory_space<vmem>>, vector<1x1024xf32>
    %add3A_1025 = vector.broadcast %get3A_1024 : vector<1x1024xf32> to vector<512x1024xf32>
    %add3A_1026 = arith.addf %dot_general3A_1021, %add3A_1025 : vector<512x1024xf32>
    %slice3A_1027 = vector.extract_strided_slice %add3A_1026 {offsets = [0, 0], sizes = [128, 128], strides = [1, 1]} : vector<512x1024xf32> to vector<128x128xf32>
    %lt3A_1028 = arith.cmpf olt, %slice3A_1027, %select_n3A_867 : vector<128x128xf32>
    %select_n3A_1029 = arith.select %lt3A_1028, %slice3A_1027, %select_n3A_867 : vector<128x128xi1>, vector<128x128xf32>
    %broadcast_in_dim3A_1030 = arith.constant 40 : i32
    %broadcast_in_dim3A_1031 = vector.broadcast %broadcast_in_dim3A_1030 : i32 to vector<128x128xi32>
    %select_n3A_1032 = arith.select %lt3A_1028, %broadcast_in_dim3A_1031, %select_n3A_870 : vector<128x128xi1>, vector<128x128xi32>
    %slice3A_1033 = vector.extract_strided_slice %add3A_1026 {offsets = [0, 128], sizes = [128, 128], strides = [1, 1]} : vector<512x1024xf32> to vector<128x128xf32>
    %lt3A_1034 = arith.cmpf olt, %slice3A_1033, %select_n3A_1029 : vector<128x128xf32>
    %select_n3A_1035 = arith.select %lt3A_1034, %slice3A_1033, %select_n3A_1029 : vector<128x128xi1>, vector<128x128xf32>
    %broadcast_in_dim3A_1036 = arith.constant 41 : i32
    %broadcast_in_dim3A_1037 = vector.broadcast %broadcast_in_dim3A_1036 : i32 to vector<128x128xi32>
    %select_n3A_1038 = arith.select %lt3A_1034, %broadcast_in_dim3A_1037, %select_n3A_1032 : vector<128x128xi1>, vector<128x128xi32>
    %slice3A_1039 = vector.extract_strided_slice %add3A_1026 {offsets = [0, 256], sizes = [128, 128], strides = [1, 1]} : vector<512x1024xf32> to vector<128x128xf32>
    %lt3A_1040 = arith.cmpf olt, %slice3A_1039, %select_n3A_1035 : vector<128x128xf32>
    %select_n3A_1041 = arith.select %lt3A_1040, %slice3A_1039, %select_n3A_1035 : vector<128x128xi1>, vector<128x128xf32>
    %broadcast_in_dim3A_1042 = arith.constant 42 : i32
    %broadcast_in_dim3A_1043 = vector.broadcast %broadcast_in_dim3A_1042 : i32 to vector<128x128xi32>
    %select_n3A_1044 = arith.select %lt3A_1040, %broadcast_in_dim3A_1043, %select_n3A_1038 : vector<128x128xi1>, vector<128x128xi32>
    %slice3A_1045 = vector.extract_strided_slice %add3A_1026 {offsets = [0, 384], sizes = [128, 128], strides = [1, 1]} : vector<512x1024xf32> to vector<128x128xf32>
    %lt3A_1046 = arith.cmpf olt, %slice3A_1045, %select_n3A_1041 : vector<128x128xf32>
    %select_n3A_1047 = arith.select %lt3A_1046, %slice3A_1045, %select_n3A_1041 : vector<128x128xi1>, vector<128x128xf32>
    %broadcast_in_dim3A_1048 = arith.constant 43 : i32
    %broadcast_in_dim3A_1049 = vector.broadcast %broadcast_in_dim3A_1048 : i32 to vector<128x128xi32>
    %select_n3A_1050 = arith.select %lt3A_1046, %broadcast_in_dim3A_1049, %select_n3A_1044 : vector<128x128xi1>, vector<128x128xi32>
    %slice3A_1051 = vector.extract_strided_slice %add3A_1026 {offsets = [0, 512], sizes = [128, 128], strides = [1, 1]} : vector<512x1024xf32> to vector<128x128xf32>
    %lt3A_1052 = arith.cmpf olt, %slice3A_1051, %select_n3A_1047 : vector<128x128xf32>
    %select_n3A_1053 = arith.select %lt3A_1052, %slice3A_1051, %select_n3A_1047 : vector<128x128xi1>, vector<128x128xf32>
    %broadcast_in_dim3A_1054 = arith.constant 44 : i32
    %broadcast_in_dim3A_1055 = vector.broadcast %broadcast_in_dim3A_1054 : i32 to vector<128x128xi32>
    %select_n3A_1056 = arith.select %lt3A_1052, %broadcast_in_dim3A_1055, %select_n3A_1050 : vector<128x128xi1>, vector<128x128xi32>
    %slice3A_1057 = vector.extract_strided_slice %add3A_1026 {offsets = [0, 640], sizes = [128, 128], strides = [1, 1]} : vector<512x1024xf32> to vector<128x128xf32>
    %lt3A_1058 = arith.cmpf olt, %slice3A_1057, %select_n3A_1053 : vector<128x128xf32>
    %select_n3A_1059 = arith.select %lt3A_1058, %slice3A_1057, %select_n3A_1053 : vector<128x128xi1>, vector<128x128xf32>
    %broadcast_in_dim3A_1060 = arith.constant 45 : i32
    %broadcast_in_dim3A_1061 = vector.broadcast %broadcast_in_dim3A_1060 : i32 to vector<128x128xi32>
    %select_n3A_1062 = arith.select %lt3A_1058, %broadcast_in_dim3A_1061, %select_n3A_1056 : vector<128x128xi1>, vector<128x128xi32>
    %slice3A_1063 = vector.extract_strided_slice %add3A_1026 {offsets = [0, 768], sizes = [128, 128], strides = [1, 1]} : vector<512x1024xf32> to vector<128x128xf32>
    %lt3A_1064 = arith.cmpf olt, %slice3A_1063, %select_n3A_1059 : vector<128x128xf32>
    %select_n3A_1065 = arith.select %lt3A_1064, %slice3A_1063, %select_n3A_1059 : vector<128x128xi1>, vector<128x128xf32>
    %broadcast_in_dim3A_1066 = arith.constant 46 : i32
    %broadcast_in_dim3A_1067 = vector.broadcast %broadcast_in_dim3A_1066 : i32 to vector<128x128xi32>
    %select_n3A_1068 = arith.select %lt3A_1064, %broadcast_in_dim3A_1067, %select_n3A_1062 : vector<128x128xi1>, vector<128x128xi32>
    %slice3A_1069 = vector.extract_strided_slice %add3A_1026 {offsets = [0, 896], sizes = [128, 128], strides = [1, 1]} : vector<512x1024xf32> to vector<128x128xf32>
    %lt3A_1070 = arith.cmpf olt, %slice3A_1069, %select_n3A_1065 : vector<128x128xf32>
    %select_n3A_1071 = arith.select %lt3A_1070, %slice3A_1069, %select_n3A_1065 : vector<128x128xi1>, vector<128x128xf32>
    %broadcast_in_dim3A_1072 = arith.constant 47 : i32
    %broadcast_in_dim3A_1073 = vector.broadcast %broadcast_in_dim3A_1072 : i32 to vector<128x128xi32>
    %select_n3A_1074 = arith.select %lt3A_1070, %broadcast_in_dim3A_1073, %select_n3A_1068 : vector<128x128xi1>, vector<128x128xi32>
    %slice3A_1075 = vector.extract_strided_slice %add3A_1026 {offsets = [128, 0], sizes = [128, 128], strides = [1, 1]} : vector<512x1024xf32> to vector<128x128xf32>
    %lt3A_1076 = arith.cmpf olt, %slice3A_1075, %select_n3A_915 : vector<128x128xf32>
    %select_n3A_1077 = arith.select %lt3A_1076, %slice3A_1075, %select_n3A_915 : vector<128x128xi1>, vector<128x128xf32>
    %broadcast_in_dim3A_1078 = arith.constant 40 : i32
    %broadcast_in_dim3A_1079 = vector.broadcast %broadcast_in_dim3A_1078 : i32 to vector<128x128xi32>
    %select_n3A_1080 = arith.select %lt3A_1076, %broadcast_in_dim3A_1079, %select_n3A_918 : vector<128x128xi1>, vector<128x128xi32>
    %slice3A_1081 = vector.extract_strided_slice %add3A_1026 {offsets = [128, 128], sizes = [128, 128], strides = [1, 1]} : vector<512x1024xf32> to vector<128x128xf32>
    %lt3A_1082 = arith.cmpf olt, %slice3A_1081, %select_n3A_1077 : vector<128x128xf32>
    %select_n3A_1083 = arith.select %lt3A_1082, %slice3A_1081, %select_n3A_1077 : vector<128x128xi1>, vector<128x128xf32>
    %broadcast_in_dim3A_1084 = arith.constant 41 : i32
    %broadcast_in_dim3A_1085 = vector.broadcast %broadcast_in_dim3A_1084 : i32 to vector<128x128xi32>
    %select_n3A_1086 = arith.select %lt3A_1082, %broadcast_in_dim3A_1085, %select_n3A_1080 : vector<128x128xi1>, vector<128x128xi32>
    %slice3A_1087 = vector.extract_strided_slice %add3A_1026 {offsets = [128, 256], sizes = [128, 128], strides = [1, 1]} : vector<512x1024xf32> to vector<128x128xf32>
    %lt3A_1088 = arith.cmpf olt, %slice3A_1087, %select_n3A_1083 : vector<128x128xf32>
    %select_n3A_1089 = arith.select %lt3A_1088, %slice3A_1087, %select_n3A_1083 : vector<128x128xi1>, vector<128x128xf32>
    %broadcast_in_dim3A_1090 = arith.constant 42 : i32
    %broadcast_in_dim3A_1091 = vector.broadcast %broadcast_in_dim3A_1090 : i32 to vector<128x128xi32>
    %select_n3A_1092 = arith.select %lt3A_1088, %broadcast_in_dim3A_1091, %select_n3A_1086 : vector<128x128xi1>, vector<128x128xi32>
    %slice3A_1093 = vector.extract_strided_slice %add3A_1026 {offsets = [128, 384], sizes = [128, 128], strides = [1, 1]} : vector<512x1024xf32> to vector<128x128xf32>
    %lt3A_1094 = arith.cmpf olt, %slice3A_1093, %select_n3A_1089 : vector<128x128xf32>
    %select_n3A_1095 = arith.select %lt3A_1094, %slice3A_1093, %select_n3A_1089 : vector<128x128xi1>, vector<128x128xf32>
    %broadcast_in_dim3A_1096 = arith.constant 43 : i32
    %broadcast_in_dim3A_1097 = vector.broadcast %broadcast_in_dim3A_1096 : i32 to vector<128x128xi32>
    %select_n3A_1098 = arith.select %lt3A_1094, %broadcast_in_dim3A_1097, %select_n3A_1092 : vector<128x128xi1>, vector<128x128xi32>
    %slice3A_1099 = vector.extract_strided_slice %add3A_1026 {offsets = [128, 512], sizes = [128, 128], strides = [1, 1]} : vector<512x1024xf32> to vector<128x128xf32>
    %lt3A_1100 = arith.cmpf olt, %slice3A_1099, %select_n3A_1095 : vector<128x128xf32>
    %select_n3A_1101 = arith.select %lt3A_1100, %slice3A_1099, %select_n3A_1095 : vector<128x128xi1>, vector<128x128xf32>
    %broadcast_in_dim3A_1102 = arith.constant 44 : i32
    %broadcast_in_dim3A_1103 = vector.broadcast %broadcast_in_dim3A_1102 : i32 to vector<128x128xi32>
    %select_n3A_1104 = arith.select %lt3A_1100, %broadcast_in_dim3A_1103, %select_n3A_1098 : vector<128x128xi1>, vector<128x128xi32>
    %slice3A_1105 = vector.extract_strided_slice %add3A_1026 {offsets = [128, 640], sizes = [128, 128], strides = [1, 1]} : vector<512x1024xf32> to vector<128x128xf32>
    %lt3A_1106 = arith.cmpf olt, %slice3A_1105, %select_n3A_1101 : vector<128x128xf32>
    %select_n3A_1107 = arith.select %lt3A_1106, %slice3A_1105, %select_n3A_1101 : vector<128x128xi1>, vector<128x128xf32>
    %broadcast_in_dim3A_1108 = arith.constant 45 : i32
    %broadcast_in_dim3A_1109 = vector.broadcast %broadcast_in_dim3A_1108 : i32 to vector<128x128xi32>
    %select_n3A_1110 = arith.select %lt3A_1106, %broadcast_in_dim3A_1109, %select_n3A_1104 : vector<128x128xi1>, vector<128x128xi32>
    %slice3A_1111 = vector.extract_strided_slice %add3A_1026 {offsets = [128, 768], sizes = [128, 128], strides = [1, 1]} : vector<512x1024xf32> to vector<128x128xf32>
    %lt3A_1112 = arith.cmpf olt, %slice3A_1111, %select_n3A_1107 : vector<128x128xf32>
    %select_n3A_1113 = arith.select %lt3A_1112, %slice3A_1111, %select_n3A_1107 : vector<128x128xi1>, vector<128x128xf32>
    %broadcast_in_dim3A_1114 = arith.constant 46 : i32
    %broadcast_in_dim3A_1115 = vector.broadcast %broadcast_in_dim3A_1114 : i32 to vector<128x128xi32>
    %select_n3A_1116 = arith.select %lt3A_1112, %broadcast_in_dim3A_1115, %select_n3A_1110 : vector<128x128xi1>, vector<128x128xi32>
    %slice3A_1117 = vector.extract_strided_slice %add3A_1026 {offsets = [128, 896], sizes = [128, 128], strides = [1, 1]} : vector<512x1024xf32> to vector<128x128xf32>
    %lt3A_1118 = arith.cmpf olt, %slice3A_1117, %select_n3A_1113 : vector<128x128xf32>
    %select_n3A_1119 = arith.select %lt3A_1118, %slice3A_1117, %select_n3A_1113 : vector<128x128xi1>, vector<128x128xf32>
    %broadcast_in_dim3A_1120 = arith.constant 47 : i32
    %broadcast_in_dim3A_1121 = vector.broadcast %broadcast_in_dim3A_1120 : i32 to vector<128x128xi32>
    %select_n3A_1122 = arith.select %lt3A_1118, %broadcast_in_dim3A_1121, %select_n3A_1116 : vector<128x128xi1>, vector<128x128xi32>
    %slice3A_1123 = vector.extract_strided_slice %add3A_1026 {offsets = [256, 0], sizes = [128, 128], strides = [1, 1]} : vector<512x1024xf32> to vector<128x128xf32>
    %lt3A_1124 = arith.cmpf olt, %slice3A_1123, %select_n3A_963 : vector<128x128xf32>
    %select_n3A_1125 = arith.select %lt3A_1124, %slice3A_1123, %select_n3A_963 : vector<128x128xi1>, vector<128x128xf32>
    %broadcast_in_dim3A_1126 = arith.constant 40 : i32
    %broadcast_in_dim3A_1127 = vector.broadcast %broadcast_in_dim3A_1126 : i32 to vector<128x128xi32>
    %select_n3A_1128 = arith.select %lt3A_1124, %broadcast_in_dim3A_1127, %select_n3A_966 : vector<128x128xi1>, vector<128x128xi32>
    %slice3A_1129 = vector.extract_strided_slice %add3A_1026 {offsets = [256, 128], sizes = [128, 128], strides = [1, 1]} : vector<512x1024xf32> to vector<128x128xf32>
    %lt3A_1130 = arith.cmpf olt, %slice3A_1129, %select_n3A_1125 : vector<128x128xf32>
    %select_n3A_1131 = arith.select %lt3A_1130, %slice3A_1129, %select_n3A_1125 : vector<128x128xi1>, vector<128x128xf32>
    %broadcast_in_dim3A_1132 = arith.constant 41 : i32
    %broadcast_in_dim3A_1133 = vector.broadcast %broadcast_in_dim3A_1132 : i32 to vector<128x128xi32>
    %select_n3A_1134 = arith.select %lt3A_1130, %broadcast_in_dim3A_1133, %select_n3A_1128 : vector<128x128xi1>, vector<128x128xi32>
    %slice3A_1135 = vector.extract_strided_slice %add3A_1026 {offsets = [256, 256], sizes = [128, 128], strides = [1, 1]} : vector<512x1024xf32> to vector<128x128xf32>
    %lt3A_1136 = arith.cmpf olt, %slice3A_1135, %select_n3A_1131 : vector<128x128xf32>
    %select_n3A_1137 = arith.select %lt3A_1136, %slice3A_1135, %select_n3A_1131 : vector<128x128xi1>, vector<128x128xf32>
    %broadcast_in_dim3A_1138 = arith.constant 42 : i32
    %broadcast_in_dim3A_1139 = vector.broadcast %broadcast_in_dim3A_1138 : i32 to vector<128x128xi32>
    %select_n3A_1140 = arith.select %lt3A_1136, %broadcast_in_dim3A_1139, %select_n3A_1134 : vector<128x128xi1>, vector<128x128xi32>
    %slice3A_1141 = vector.extract_strided_slice %add3A_1026 {offsets = [256, 384], sizes = [128, 128], strides = [1, 1]} : vector<512x1024xf32> to vector<128x128xf32>
    %lt3A_1142 = arith.cmpf olt, %slice3A_1141, %select_n3A_1137 : vector<128x128xf32>
    %select_n3A_1143 = arith.select %lt3A_1142, %slice3A_1141, %select_n3A_1137 : vector<128x128xi1>, vector<128x128xf32>
    %broadcast_in_dim3A_1144 = arith.constant 43 : i32
    %broadcast_in_dim3A_1145 = vector.broadcast %broadcast_in_dim3A_1144 : i32 to vector<128x128xi32>
    %select_n3A_1146 = arith.select %lt3A_1142, %broadcast_in_dim3A_1145, %select_n3A_1140 : vector<128x128xi1>, vector<128x128xi32>
    %slice3A_1147 = vector.extract_strided_slice %add3A_1026 {offsets = [256, 512], sizes = [128, 128], strides = [1, 1]} : vector<512x1024xf32> to vector<128x128xf32>
    %lt3A_1148 = arith.cmpf olt, %slice3A_1147, %select_n3A_1143 : vector<128x128xf32>
    %select_n3A_1149 = arith.select %lt3A_1148, %slice3A_1147, %select_n3A_1143 : vector<128x128xi1>, vector<128x128xf32>
    %broadcast_in_dim3A_1150 = arith.constant 44 : i32
    %broadcast_in_dim3A_1151 = vector.broadcast %broadcast_in_dim3A_1150 : i32 to vector<128x128xi32>
    %select_n3A_1152 = arith.select %lt3A_1148, %broadcast_in_dim3A_1151, %select_n3A_1146 : vector<128x128xi1>, vector<128x128xi32>
    %slice3A_1153 = vector.extract_strided_slice %add3A_1026 {offsets = [256, 640], sizes = [128, 128], strides = [1, 1]} : vector<512x1024xf32> to vector<128x128xf32>
    %lt3A_1154 = arith.cmpf olt, %slice3A_1153, %select_n3A_1149 : vector<128x128xf32>
    %select_n3A_1155 = arith.select %lt3A_1154, %slice3A_1153, %select_n3A_1149 : vector<128x128xi1>, vector<128x128xf32>
    %broadcast_in_dim3A_1156 = arith.constant 45 : i32
    %broadcast_in_dim3A_1157 = vector.broadcast %broadcast_in_dim3A_1156 : i32 to vector<128x128xi32>
    %select_n3A_1158 = arith.select %lt3A_1154, %broadcast_in_dim3A_1157, %select_n3A_1152 : vector<128x128xi1>, vector<128x128xi32>
    %slice3A_1159 = vector.extract_strided_slice %add3A_1026 {offsets = [256, 768], sizes = [128, 128], strides = [1, 1]} : vector<512x1024xf32> to vector<128x128xf32>
    %lt3A_1160 = arith.cmpf olt, %slice3A_1159, %select_n3A_1155 : vector<128x128xf32>
    %select_n3A_1161 = arith.select %lt3A_1160, %slice3A_1159, %select_n3A_1155 : vector<128x128xi1>, vector<128x128xf32>
    %broadcast_in_dim3A_1162 = arith.constant 46 : i32
    %broadcast_in_dim3A_1163 = vector.broadcast %broadcast_in_dim3A_1162 : i32 to vector<128x128xi32>
    %select_n3A_1164 = arith.select %lt3A_1160, %broadcast_in_dim3A_1163, %select_n3A_1158 : vector<128x128xi1>, vector<128x128xi32>
    %slice3A_1165 = vector.extract_strided_slice %add3A_1026 {offsets = [256, 896], sizes = [128, 128], strides = [1, 1]} : vector<512x1024xf32> to vector<128x128xf32>
    %lt3A_1166 = arith.cmpf olt, %slice3A_1165, %select_n3A_1161 : vector<128x128xf32>
    %select_n3A_1167 = arith.select %lt3A_1166, %slice3A_1165, %select_n3A_1161 : vector<128x128xi1>, vector<128x128xf32>
    %broadcast_in_dim3A_1168 = arith.constant 47 : i32
    %broadcast_in_dim3A_1169 = vector.broadcast %broadcast_in_dim3A_1168 : i32 to vector<128x128xi32>
    %select_n3A_1170 = arith.select %lt3A_1166, %broadcast_in_dim3A_1169, %select_n3A_1164 : vector<128x128xi1>, vector<128x128xi32>
    %slice3A_1171 = vector.extract_strided_slice %add3A_1026 {offsets = [384, 0], sizes = [128, 128], strides = [1, 1]} : vector<512x1024xf32> to vector<128x128xf32>
    %lt3A_1172 = arith.cmpf olt, %slice3A_1171, %select_n3A_1011 : vector<128x128xf32>
    %select_n3A_1173 = arith.select %lt3A_1172, %slice3A_1171, %select_n3A_1011 : vector<128x128xi1>, vector<128x128xf32>
    %broadcast_in_dim3A_1174 = arith.constant 40 : i32
    %broadcast_in_dim3A_1175 = vector.broadcast %broadcast_in_dim3A_1174 : i32 to vector<128x128xi32>
    %select_n3A_1176 = arith.select %lt3A_1172, %broadcast_in_dim3A_1175, %select_n3A_1014 : vector<128x128xi1>, vector<128x128xi32>
    %slice3A_1177 = vector.extract_strided_slice %add3A_1026 {offsets = [384, 128], sizes = [128, 128], strides = [1, 1]} : vector<512x1024xf32> to vector<128x128xf32>
    %lt3A_1178 = arith.cmpf olt, %slice3A_1177, %select_n3A_1173 : vector<128x128xf32>
    %select_n3A_1179 = arith.select %lt3A_1178, %slice3A_1177, %select_n3A_1173 : vector<128x128xi1>, vector<128x128xf32>
    %broadcast_in_dim3A_1180 = arith.constant 41 : i32
    %broadcast_in_dim3A_1181 = vector.broadcast %broadcast_in_dim3A_1180 : i32 to vector<128x128xi32>
    %select_n3A_1182 = arith.select %lt3A_1178, %broadcast_in_dim3A_1181, %select_n3A_1176 : vector<128x128xi1>, vector<128x128xi32>
    %slice3A_1183 = vector.extract_strided_slice %add3A_1026 {offsets = [384, 256], sizes = [128, 128], strides = [1, 1]} : vector<512x1024xf32> to vector<128x128xf32>
    %lt3A_1184 = arith.cmpf olt, %slice3A_1183, %select_n3A_1179 : vector<128x128xf32>
    %select_n3A_1185 = arith.select %lt3A_1184, %slice3A_1183, %select_n3A_1179 : vector<128x128xi1>, vector<128x128xf32>
    %broadcast_in_dim3A_1186 = arith.constant 42 : i32
    %broadcast_in_dim3A_1187 = vector.broadcast %broadcast_in_dim3A_1186 : i32 to vector<128x128xi32>
    %select_n3A_1188 = arith.select %lt3A_1184, %broadcast_in_dim3A_1187, %select_n3A_1182 : vector<128x128xi1>, vector<128x128xi32>
    %slice3A_1189 = vector.extract_strided_slice %add3A_1026 {offsets = [384, 384], sizes = [128, 128], strides = [1, 1]} : vector<512x1024xf32> to vector<128x128xf32>
    %lt3A_1190 = arith.cmpf olt, %slice3A_1189, %select_n3A_1185 : vector<128x128xf32>
    %select_n3A_1191 = arith.select %lt3A_1190, %slice3A_1189, %select_n3A_1185 : vector<128x128xi1>, vector<128x128xf32>
    %broadcast_in_dim3A_1192 = arith.constant 43 : i32
    %broadcast_in_dim3A_1193 = vector.broadcast %broadcast_in_dim3A_1192 : i32 to vector<128x128xi32>
    %select_n3A_1194 = arith.select %lt3A_1190, %broadcast_in_dim3A_1193, %select_n3A_1188 : vector<128x128xi1>, vector<128x128xi32>
    %slice3A_1195 = vector.extract_strided_slice %add3A_1026 {offsets = [384, 512], sizes = [128, 128], strides = [1, 1]} : vector<512x1024xf32> to vector<128x128xf32>
    %lt3A_1196 = arith.cmpf olt, %slice3A_1195, %select_n3A_1191 : vector<128x128xf32>
    %select_n3A_1197 = arith.select %lt3A_1196, %slice3A_1195, %select_n3A_1191 : vector<128x128xi1>, vector<128x128xf32>
    %broadcast_in_dim3A_1198 = arith.constant 44 : i32
    %broadcast_in_dim3A_1199 = vector.broadcast %broadcast_in_dim3A_1198 : i32 to vector<128x128xi32>
    %select_n3A_1200 = arith.select %lt3A_1196, %broadcast_in_dim3A_1199, %select_n3A_1194 : vector<128x128xi1>, vector<128x128xi32>
    %slice3A_1201 = vector.extract_strided_slice %add3A_1026 {offsets = [384, 640], sizes = [128, 128], strides = [1, 1]} : vector<512x1024xf32> to vector<128x128xf32>
    %lt3A_1202 = arith.cmpf olt, %slice3A_1201, %select_n3A_1197 : vector<128x128xf32>
    %select_n3A_1203 = arith.select %lt3A_1202, %slice3A_1201, %select_n3A_1197 : vector<128x128xi1>, vector<128x128xf32>
    %broadcast_in_dim3A_1204 = arith.constant 45 : i32
    %broadcast_in_dim3A_1205 = vector.broadcast %broadcast_in_dim3A_1204 : i32 to vector<128x128xi32>
    %select_n3A_1206 = arith.select %lt3A_1202, %broadcast_in_dim3A_1205, %select_n3A_1200 : vector<128x128xi1>, vector<128x128xi32>
    %slice3A_1207 = vector.extract_strided_slice %add3A_1026 {offsets = [384, 768], sizes = [128, 128], strides = [1, 1]} : vector<512x1024xf32> to vector<128x128xf32>
    %lt3A_1208 = arith.cmpf olt, %slice3A_1207, %select_n3A_1203 : vector<128x128xf32>
    %select_n3A_1209 = arith.select %lt3A_1208, %slice3A_1207, %select_n3A_1203 : vector<128x128xi1>, vector<128x128xf32>
    %broadcast_in_dim3A_1210 = arith.constant 46 : i32
    %broadcast_in_dim3A_1211 = vector.broadcast %broadcast_in_dim3A_1210 : i32 to vector<128x128xi32>
    %select_n3A_1212 = arith.select %lt3A_1208, %broadcast_in_dim3A_1211, %select_n3A_1206 : vector<128x128xi1>, vector<128x128xi32>
    %slice3A_1213 = vector.extract_strided_slice %add3A_1026 {offsets = [384, 896], sizes = [128, 128], strides = [1, 1]} : vector<512x1024xf32> to vector<128x128xf32>
    %lt3A_1214 = arith.cmpf olt, %slice3A_1213, %select_n3A_1209 : vector<128x128xf32>
    %select_n3A_1215 = arith.select %lt3A_1214, %slice3A_1213, %select_n3A_1209 : vector<128x128xi1>, vector<128x128xf32>
    %broadcast_in_dim3A_1216 = arith.constant 47 : i32
    %broadcast_in_dim3A_1217 = vector.broadcast %broadcast_in_dim3A_1216 : i32 to vector<128x128xi32>
    %select_n3A_1218 = arith.select %lt3A_1214, %broadcast_in_dim3A_1217, %select_n3A_1212 : vector<128x128xi1>, vector<128x128xi32>
    %get3A_1219 = arith.constant 6 : index
    %get3A_1220 = arith.constant 0 : index
    %get3A_1221 = arith.constant 0 : index
    %get3A_1222 = vector.load %arg6[%get3A_1219, %get3A_1220, %get3A_1221] : memref<8x256x1024xbf16, #tpu.memory_space<vmem>>, vector<1x256x1024xbf16>
    %get3A_1223 = vector.shape_cast %get3A_1222 : vector<1x256x1024xbf16> to vector<256x1024xbf16>
    %dot_general3A_1224 = arith.constant dense<0.000000e+00> : vector<512x1024xf32>
    %dot_general3A_1225 = tpu.matmul %convert_element_type3A_11, %get3A_1223, %dot_general3A_1224 {dimension_numbers = #tpu.dot_dimension_numbers<[1], [0], [0], [1], [0, 0, 1, 1], [], []>, transpose_lhs_hint = false} : vector<512x256xbf16>, vector<256x1024xbf16>, vector<512x1024xf32> -> vector<512x1024xf32>
    %get3A_1226 = arith.constant 0 : index
    %get3A_1227 = arith.constant 6144 : index
    %get3A_1228 = vector.load %arg3[%get3A_1226, %get3A_1227] : memref<1x8192xf32, #tpu.memory_space<vmem>>, vector<1x1024xf32>
    %add3A_1229 = vector.broadcast %get3A_1228 : vector<1x1024xf32> to vector<512x1024xf32>
    %add3A_1230 = arith.addf %dot_general3A_1225, %add3A_1229 : vector<512x1024xf32>
    %slice3A_1231 = vector.extract_strided_slice %add3A_1230 {offsets = [0, 0], sizes = [128, 128], strides = [1, 1]} : vector<512x1024xf32> to vector<128x128xf32>
    %lt3A_1232 = arith.cmpf olt, %slice3A_1231, %select_n3A_1071 : vector<128x128xf32>
    %select_n3A_1233 = arith.select %lt3A_1232, %slice3A_1231, %select_n3A_1071 : vector<128x128xi1>, vector<128x128xf32>
    %broadcast_in_dim3A_1234 = arith.constant 48 : i32
    %broadcast_in_dim3A_1235 = vector.broadcast %broadcast_in_dim3A_1234 : i32 to vector<128x128xi32>
    %select_n3A_1236 = arith.select %lt3A_1232, %broadcast_in_dim3A_1235, %select_n3A_1074 : vector<128x128xi1>, vector<128x128xi32>
    %slice3A_1237 = vector.extract_strided_slice %add3A_1230 {offsets = [0, 128], sizes = [128, 128], strides = [1, 1]} : vector<512x1024xf32> to vector<128x128xf32>
    %lt3A_1238 = arith.cmpf olt, %slice3A_1237, %select_n3A_1233 : vector<128x128xf32>
    %select_n3A_1239 = arith.select %lt3A_1238, %slice3A_1237, %select_n3A_1233 : vector<128x128xi1>, vector<128x128xf32>
    %broadcast_in_dim3A_1240 = arith.constant 49 : i32
    %broadcast_in_dim3A_1241 = vector.broadcast %broadcast_in_dim3A_1240 : i32 to vector<128x128xi32>
    %select_n3A_1242 = arith.select %lt3A_1238, %broadcast_in_dim3A_1241, %select_n3A_1236 : vector<128x128xi1>, vector<128x128xi32>
    %slice3A_1243 = vector.extract_strided_slice %add3A_1230 {offsets = [0, 256], sizes = [128, 128], strides = [1, 1]} : vector<512x1024xf32> to vector<128x128xf32>
    %lt3A_1244 = arith.cmpf olt, %slice3A_1243, %select_n3A_1239 : vector<128x128xf32>
    %select_n3A_1245 = arith.select %lt3A_1244, %slice3A_1243, %select_n3A_1239 : vector<128x128xi1>, vector<128x128xf32>
    %broadcast_in_dim3A_1246 = arith.constant 50 : i32
    %broadcast_in_dim3A_1247 = vector.broadcast %broadcast_in_dim3A_1246 : i32 to vector<128x128xi32>
    %select_n3A_1248 = arith.select %lt3A_1244, %broadcast_in_dim3A_1247, %select_n3A_1242 : vector<128x128xi1>, vector<128x128xi32>
    %slice3A_1249 = vector.extract_strided_slice %add3A_1230 {offsets = [0, 384], sizes = [128, 128], strides = [1, 1]} : vector<512x1024xf32> to vector<128x128xf32>
    %lt3A_1250 = arith.cmpf olt, %slice3A_1249, %select_n3A_1245 : vector<128x128xf32>
    %select_n3A_1251 = arith.select %lt3A_1250, %slice3A_1249, %select_n3A_1245 : vector<128x128xi1>, vector<128x128xf32>
    %broadcast_in_dim3A_1252 = arith.constant 51 : i32
    %broadcast_in_dim3A_1253 = vector.broadcast %broadcast_in_dim3A_1252 : i32 to vector<128x128xi32>
    %select_n3A_1254 = arith.select %lt3A_1250, %broadcast_in_dim3A_1253, %select_n3A_1248 : vector<128x128xi1>, vector<128x128xi32>
    %slice3A_1255 = vector.extract_strided_slice %add3A_1230 {offsets = [0, 512], sizes = [128, 128], strides = [1, 1]} : vector<512x1024xf32> to vector<128x128xf32>
    %lt3A_1256 = arith.cmpf olt, %slice3A_1255, %select_n3A_1251 : vector<128x128xf32>
    %select_n3A_1257 = arith.select %lt3A_1256, %slice3A_1255, %select_n3A_1251 : vector<128x128xi1>, vector<128x128xf32>
    %broadcast_in_dim3A_1258 = arith.constant 52 : i32
    %broadcast_in_dim3A_1259 = vector.broadcast %broadcast_in_dim3A_1258 : i32 to vector<128x128xi32>
    %select_n3A_1260 = arith.select %lt3A_1256, %broadcast_in_dim3A_1259, %select_n3A_1254 : vector<128x128xi1>, vector<128x128xi32>
    %slice3A_1261 = vector.extract_strided_slice %add3A_1230 {offsets = [0, 640], sizes = [128, 128], strides = [1, 1]} : vector<512x1024xf32> to vector<128x128xf32>
    %lt3A_1262 = arith.cmpf olt, %slice3A_1261, %select_n3A_1257 : vector<128x128xf32>
    %select_n3A_1263 = arith.select %lt3A_1262, %slice3A_1261, %select_n3A_1257 : vector<128x128xi1>, vector<128x128xf32>
    %broadcast_in_dim3A_1264 = arith.constant 53 : i32
    %broadcast_in_dim3A_1265 = vector.broadcast %broadcast_in_dim3A_1264 : i32 to vector<128x128xi32>
    %select_n3A_1266 = arith.select %lt3A_1262, %broadcast_in_dim3A_1265, %select_n3A_1260 : vector<128x128xi1>, vector<128x128xi32>
    %slice3A_1267 = vector.extract_strided_slice %add3A_1230 {offsets = [0, 768], sizes = [128, 128], strides = [1, 1]} : vector<512x1024xf32> to vector<128x128xf32>
    %lt3A_1268 = arith.cmpf olt, %slice3A_1267, %select_n3A_1263 : vector<128x128xf32>
    %select_n3A_1269 = arith.select %lt3A_1268, %slice3A_1267, %select_n3A_1263 : vector<128x128xi1>, vector<128x128xf32>
    %broadcast_in_dim3A_1270 = arith.constant 54 : i32
    %broadcast_in_dim3A_1271 = vector.broadcast %broadcast_in_dim3A_1270 : i32 to vector<128x128xi32>
    %select_n3A_1272 = arith.select %lt3A_1268, %broadcast_in_dim3A_1271, %select_n3A_1266 : vector<128x128xi1>, vector<128x128xi32>
    %slice3A_1273 = vector.extract_strided_slice %add3A_1230 {offsets = [0, 896], sizes = [128, 128], strides = [1, 1]} : vector<512x1024xf32> to vector<128x128xf32>
    %lt3A_1274 = arith.cmpf olt, %slice3A_1273, %select_n3A_1269 : vector<128x128xf32>
    %select_n3A_1275 = arith.select %lt3A_1274, %slice3A_1273, %select_n3A_1269 : vector<128x128xi1>, vector<128x128xf32>
    %broadcast_in_dim3A_1276 = arith.constant 55 : i32
    %broadcast_in_dim3A_1277 = vector.broadcast %broadcast_in_dim3A_1276 : i32 to vector<128x128xi32>
    %select_n3A_1278 = arith.select %lt3A_1274, %broadcast_in_dim3A_1277, %select_n3A_1272 : vector<128x128xi1>, vector<128x128xi32>
    %slice3A_1279 = vector.extract_strided_slice %add3A_1230 {offsets = [128, 0], sizes = [128, 128], strides = [1, 1]} : vector<512x1024xf32> to vector<128x128xf32>
    %lt3A_1280 = arith.cmpf olt, %slice3A_1279, %select_n3A_1119 : vector<128x128xf32>
    %select_n3A_1281 = arith.select %lt3A_1280, %slice3A_1279, %select_n3A_1119 : vector<128x128xi1>, vector<128x128xf32>
    %broadcast_in_dim3A_1282 = arith.constant 48 : i32
    %broadcast_in_dim3A_1283 = vector.broadcast %broadcast_in_dim3A_1282 : i32 to vector<128x128xi32>
    %select_n3A_1284 = arith.select %lt3A_1280, %broadcast_in_dim3A_1283, %select_n3A_1122 : vector<128x128xi1>, vector<128x128xi32>
    %slice3A_1285 = vector.extract_strided_slice %add3A_1230 {offsets = [128, 128], sizes = [128, 128], strides = [1, 1]} : vector<512x1024xf32> to vector<128x128xf32>
    %lt3A_1286 = arith.cmpf olt, %slice3A_1285, %select_n3A_1281 : vector<128x128xf32>
    %select_n3A_1287 = arith.select %lt3A_1286, %slice3A_1285, %select_n3A_1281 : vector<128x128xi1>, vector<128x128xf32>
    %broadcast_in_dim3A_1288 = arith.constant 49 : i32
    %broadcast_in_dim3A_1289 = vector.broadcast %broadcast_in_dim3A_1288 : i32 to vector<128x128xi32>
    %select_n3A_1290 = arith.select %lt3A_1286, %broadcast_in_dim3A_1289, %select_n3A_1284 : vector<128x128xi1>, vector<128x128xi32>
    %slice3A_1291 = vector.extract_strided_slice %add3A_1230 {offsets = [128, 256], sizes = [128, 128], strides = [1, 1]} : vector<512x1024xf32> to vector<128x128xf32>
    %lt3A_1292 = arith.cmpf olt, %slice3A_1291, %select_n3A_1287 : vector<128x128xf32>
    %select_n3A_1293 = arith.select %lt3A_1292, %slice3A_1291, %select_n3A_1287 : vector<128x128xi1>, vector<128x128xf32>
    %broadcast_in_dim3A_1294 = arith.constant 50 : i32
    %broadcast_in_dim3A_1295 = vector.broadcast %broadcast_in_dim3A_1294 : i32 to vector<128x128xi32>
    %select_n3A_1296 = arith.select %lt3A_1292, %broadcast_in_dim3A_1295, %select_n3A_1290 : vector<128x128xi1>, vector<128x128xi32>
    %slice3A_1297 = vector.extract_strided_slice %add3A_1230 {offsets = [128, 384], sizes = [128, 128], strides = [1, 1]} : vector<512x1024xf32> to vector<128x128xf32>
    %lt3A_1298 = arith.cmpf olt, %slice3A_1297, %select_n3A_1293 : vector<128x128xf32>
    %select_n3A_1299 = arith.select %lt3A_1298, %slice3A_1297, %select_n3A_1293 : vector<128x128xi1>, vector<128x128xf32>
    %broadcast_in_dim3A_1300 = arith.constant 51 : i32
    %broadcast_in_dim3A_1301 = vector.broadcast %broadcast_in_dim3A_1300 : i32 to vector<128x128xi32>
    %select_n3A_1302 = arith.select %lt3A_1298, %broadcast_in_dim3A_1301, %select_n3A_1296 : vector<128x128xi1>, vector<128x128xi32>
    %slice3A_1303 = vector.extract_strided_slice %add3A_1230 {offsets = [128, 512], sizes = [128, 128], strides = [1, 1]} : vector<512x1024xf32> to vector<128x128xf32>
    %lt3A_1304 = arith.cmpf olt, %slice3A_1303, %select_n3A_1299 : vector<128x128xf32>
    %select_n3A_1305 = arith.select %lt3A_1304, %slice3A_1303, %select_n3A_1299 : vector<128x128xi1>, vector<128x128xf32>
    %broadcast_in_dim3A_1306 = arith.constant 52 : i32
    %broadcast_in_dim3A_1307 = vector.broadcast %broadcast_in_dim3A_1306 : i32 to vector<128x128xi32>
    %select_n3A_1308 = arith.select %lt3A_1304, %broadcast_in_dim3A_1307, %select_n3A_1302 : vector<128x128xi1>, vector<128x128xi32>
    %slice3A_1309 = vector.extract_strided_slice %add3A_1230 {offsets = [128, 640], sizes = [128, 128], strides = [1, 1]} : vector<512x1024xf32> to vector<128x128xf32>
    %lt3A_1310 = arith.cmpf olt, %slice3A_1309, %select_n3A_1305 : vector<128x128xf32>
    %select_n3A_1311 = arith.select %lt3A_1310, %slice3A_1309, %select_n3A_1305 : vector<128x128xi1>, vector<128x128xf32>
    %broadcast_in_dim3A_1312 = arith.constant 53 : i32
    %broadcast_in_dim3A_1313 = vector.broadcast %broadcast_in_dim3A_1312 : i32 to vector<128x128xi32>
    %select_n3A_1314 = arith.select %lt3A_1310, %broadcast_in_dim3A_1313, %select_n3A_1308 : vector<128x128xi1>, vector<128x128xi32>
    %slice3A_1315 = vector.extract_strided_slice %add3A_1230 {offsets = [128, 768], sizes = [128, 128], strides = [1, 1]} : vector<512x1024xf32> to vector<128x128xf32>
    %lt3A_1316 = arith.cmpf olt, %slice3A_1315, %select_n3A_1311 : vector<128x128xf32>
    %select_n3A_1317 = arith.select %lt3A_1316, %slice3A_1315, %select_n3A_1311 : vector<128x128xi1>, vector<128x128xf32>
    %broadcast_in_dim3A_1318 = arith.constant 54 : i32
    %broadcast_in_dim3A_1319 = vector.broadcast %broadcast_in_dim3A_1318 : i32 to vector<128x128xi32>
    %select_n3A_1320 = arith.select %lt3A_1316, %broadcast_in_dim3A_1319, %select_n3A_1314 : vector<128x128xi1>, vector<128x128xi32>
    %slice3A_1321 = vector.extract_strided_slice %add3A_1230 {offsets = [128, 896], sizes = [128, 128], strides = [1, 1]} : vector<512x1024xf32> to vector<128x128xf32>
    %lt3A_1322 = arith.cmpf olt, %slice3A_1321, %select_n3A_1317 : vector<128x128xf32>
    %select_n3A_1323 = arith.select %lt3A_1322, %slice3A_1321, %select_n3A_1317 : vector<128x128xi1>, vector<128x128xf32>
    %broadcast_in_dim3A_1324 = arith.constant 55 : i32
    %broadcast_in_dim3A_1325 = vector.broadcast %broadcast_in_dim3A_1324 : i32 to vector<128x128xi32>
    %select_n3A_1326 = arith.select %lt3A_1322, %broadcast_in_dim3A_1325, %select_n3A_1320 : vector<128x128xi1>, vector<128x128xi32>
    %slice3A_1327 = vector.extract_strided_slice %add3A_1230 {offsets = [256, 0], sizes = [128, 128], strides = [1, 1]} : vector<512x1024xf32> to vector<128x128xf32>
    %lt3A_1328 = arith.cmpf olt, %slice3A_1327, %select_n3A_1167 : vector<128x128xf32>
    %select_n3A_1329 = arith.select %lt3A_1328, %slice3A_1327, %select_n3A_1167 : vector<128x128xi1>, vector<128x128xf32>
    %broadcast_in_dim3A_1330 = arith.constant 48 : i32
    %broadcast_in_dim3A_1331 = vector.broadcast %broadcast_in_dim3A_1330 : i32 to vector<128x128xi32>
    %select_n3A_1332 = arith.select %lt3A_1328, %broadcast_in_dim3A_1331, %select_n3A_1170 : vector<128x128xi1>, vector<128x128xi32>
    %slice3A_1333 = vector.extract_strided_slice %add3A_1230 {offsets = [256, 128], sizes = [128, 128], strides = [1, 1]} : vector<512x1024xf32> to vector<128x128xf32>
    %lt3A_1334 = arith.cmpf olt, %slice3A_1333, %select_n3A_1329 : vector<128x128xf32>
    %select_n3A_1335 = arith.select %lt3A_1334, %slice3A_1333, %select_n3A_1329 : vector<128x128xi1>, vector<128x128xf32>
    %broadcast_in_dim3A_1336 = arith.constant 49 : i32
    %broadcast_in_dim3A_1337 = vector.broadcast %broadcast_in_dim3A_1336 : i32 to vector<128x128xi32>
    %select_n3A_1338 = arith.select %lt3A_1334, %broadcast_in_dim3A_1337, %select_n3A_1332 : vector<128x128xi1>, vector<128x128xi32>
    %slice3A_1339 = vector.extract_strided_slice %add3A_1230 {offsets = [256, 256], sizes = [128, 128], strides = [1, 1]} : vector<512x1024xf32> to vector<128x128xf32>
    %lt3A_1340 = arith.cmpf olt, %slice3A_1339, %select_n3A_1335 : vector<128x128xf32>
    %select_n3A_1341 = arith.select %lt3A_1340, %slice3A_1339, %select_n3A_1335 : vector<128x128xi1>, vector<128x128xf32>
    %broadcast_in_dim3A_1342 = arith.constant 50 : i32
    %broadcast_in_dim3A_1343 = vector.broadcast %broadcast_in_dim3A_1342 : i32 to vector<128x128xi32>
    %select_n3A_1344 = arith.select %lt3A_1340, %broadcast_in_dim3A_1343, %select_n3A_1338 : vector<128x128xi1>, vector<128x128xi32>
    %slice3A_1345 = vector.extract_strided_slice %add3A_1230 {offsets = [256, 384], sizes = [128, 128], strides = [1, 1]} : vector<512x1024xf32> to vector<128x128xf32>
    %lt3A_1346 = arith.cmpf olt, %slice3A_1345, %select_n3A_1341 : vector<128x128xf32>
    %select_n3A_1347 = arith.select %lt3A_1346, %slice3A_1345, %select_n3A_1341 : vector<128x128xi1>, vector<128x128xf32>
    %broadcast_in_dim3A_1348 = arith.constant 51 : i32
    %broadcast_in_dim3A_1349 = vector.broadcast %broadcast_in_dim3A_1348 : i32 to vector<128x128xi32>
    %select_n3A_1350 = arith.select %lt3A_1346, %broadcast_in_dim3A_1349, %select_n3A_1344 : vector<128x128xi1>, vector<128x128xi32>
    %slice3A_1351 = vector.extract_strided_slice %add3A_1230 {offsets = [256, 512], sizes = [128, 128], strides = [1, 1]} : vector<512x1024xf32> to vector<128x128xf32>
    %lt3A_1352 = arith.cmpf olt, %slice3A_1351, %select_n3A_1347 : vector<128x128xf32>
    %select_n3A_1353 = arith.select %lt3A_1352, %slice3A_1351, %select_n3A_1347 : vector<128x128xi1>, vector<128x128xf32>
    %broadcast_in_dim3A_1354 = arith.constant 52 : i32
    %broadcast_in_dim3A_1355 = vector.broadcast %broadcast_in_dim3A_1354 : i32 to vector<128x128xi32>
    %select_n3A_1356 = arith.select %lt3A_1352, %broadcast_in_dim3A_1355, %select_n3A_1350 : vector<128x128xi1>, vector<128x128xi32>
    %slice3A_1357 = vector.extract_strided_slice %add3A_1230 {offsets = [256, 640], sizes = [128, 128], strides = [1, 1]} : vector<512x1024xf32> to vector<128x128xf32>
    %lt3A_1358 = arith.cmpf olt, %slice3A_1357, %select_n3A_1353 : vector<128x128xf32>
    %select_n3A_1359 = arith.select %lt3A_1358, %slice3A_1357, %select_n3A_1353 : vector<128x128xi1>, vector<128x128xf32>
    %broadcast_in_dim3A_1360 = arith.constant 53 : i32
    %broadcast_in_dim3A_1361 = vector.broadcast %broadcast_in_dim3A_1360 : i32 to vector<128x128xi32>
    %select_n3A_1362 = arith.select %lt3A_1358, %broadcast_in_dim3A_1361, %select_n3A_1356 : vector<128x128xi1>, vector<128x128xi32>
    %slice3A_1363 = vector.extract_strided_slice %add3A_1230 {offsets = [256, 768], sizes = [128, 128], strides = [1, 1]} : vector<512x1024xf32> to vector<128x128xf32>
    %lt3A_1364 = arith.cmpf olt, %slice3A_1363, %select_n3A_1359 : vector<128x128xf32>
    %select_n3A_1365 = arith.select %lt3A_1364, %slice3A_1363, %select_n3A_1359 : vector<128x128xi1>, vector<128x128xf32>
    %broadcast_in_dim3A_1366 = arith.constant 54 : i32
    %broadcast_in_dim3A_1367 = vector.broadcast %broadcast_in_dim3A_1366 : i32 to vector<128x128xi32>
    %select_n3A_1368 = arith.select %lt3A_1364, %broadcast_in_dim3A_1367, %select_n3A_1362 : vector<128x128xi1>, vector<128x128xi32>
    %slice3A_1369 = vector.extract_strided_slice %add3A_1230 {offsets = [256, 896], sizes = [128, 128], strides = [1, 1]} : vector<512x1024xf32> to vector<128x128xf32>
    %lt3A_1370 = arith.cmpf olt, %slice3A_1369, %select_n3A_1365 : vector<128x128xf32>
    %select_n3A_1371 = arith.select %lt3A_1370, %slice3A_1369, %select_n3A_1365 : vector<128x128xi1>, vector<128x128xf32>
    %broadcast_in_dim3A_1372 = arith.constant 55 : i32
    %broadcast_in_dim3A_1373 = vector.broadcast %broadcast_in_dim3A_1372 : i32 to vector<128x128xi32>
    %select_n3A_1374 = arith.select %lt3A_1370, %broadcast_in_dim3A_1373, %select_n3A_1368 : vector<128x128xi1>, vector<128x128xi32>
    %slice3A_1375 = vector.extract_strided_slice %add3A_1230 {offsets = [384, 0], sizes = [128, 128], strides = [1, 1]} : vector<512x1024xf32> to vector<128x128xf32>
    %lt3A_1376 = arith.cmpf olt, %slice3A_1375, %select_n3A_1215 : vector<128x128xf32>
    %select_n3A_1377 = arith.select %lt3A_1376, %slice3A_1375, %select_n3A_1215 : vector<128x128xi1>, vector<128x128xf32>
    %broadcast_in_dim3A_1378 = arith.constant 48 : i32
    %broadcast_in_dim3A_1379 = vector.broadcast %broadcast_in_dim3A_1378 : i32 to vector<128x128xi32>
    %select_n3A_1380 = arith.select %lt3A_1376, %broadcast_in_dim3A_1379, %select_n3A_1218 : vector<128x128xi1>, vector<128x128xi32>
    %slice3A_1381 = vector.extract_strided_slice %add3A_1230 {offsets = [384, 128], sizes = [128, 128], strides = [1, 1]} : vector<512x1024xf32> to vector<128x128xf32>
    %lt3A_1382 = arith.cmpf olt, %slice3A_1381, %select_n3A_1377 : vector<128x128xf32>
    %select_n3A_1383 = arith.select %lt3A_1382, %slice3A_1381, %select_n3A_1377 : vector<128x128xi1>, vector<128x128xf32>
    %broadcast_in_dim3A_1384 = arith.constant 49 : i32
    %broadcast_in_dim3A_1385 = vector.broadcast %broadcast_in_dim3A_1384 : i32 to vector<128x128xi32>
    %select_n3A_1386 = arith.select %lt3A_1382, %broadcast_in_dim3A_1385, %select_n3A_1380 : vector<128x128xi1>, vector<128x128xi32>
    %slice3A_1387 = vector.extract_strided_slice %add3A_1230 {offsets = [384, 256], sizes = [128, 128], strides = [1, 1]} : vector<512x1024xf32> to vector<128x128xf32>
    %lt3A_1388 = arith.cmpf olt, %slice3A_1387, %select_n3A_1383 : vector<128x128xf32>
    %select_n3A_1389 = arith.select %lt3A_1388, %slice3A_1387, %select_n3A_1383 : vector<128x128xi1>, vector<128x128xf32>
    %broadcast_in_dim3A_1390 = arith.constant 50 : i32
    %broadcast_in_dim3A_1391 = vector.broadcast %broadcast_in_dim3A_1390 : i32 to vector<128x128xi32>
    %select_n3A_1392 = arith.select %lt3A_1388, %broadcast_in_dim3A_1391, %select_n3A_1386 : vector<128x128xi1>, vector<128x128xi32>
    %slice3A_1393 = vector.extract_strided_slice %add3A_1230 {offsets = [384, 384], sizes = [128, 128], strides = [1, 1]} : vector<512x1024xf32> to vector<128x128xf32>
    %lt3A_1394 = arith.cmpf olt, %slice3A_1393, %select_n3A_1389 : vector<128x128xf32>
    %select_n3A_1395 = arith.select %lt3A_1394, %slice3A_1393, %select_n3A_1389 : vector<128x128xi1>, vector<128x128xf32>
    %broadcast_in_dim3A_1396 = arith.constant 51 : i32
    %broadcast_in_dim3A_1397 = vector.broadcast %broadcast_in_dim3A_1396 : i32 to vector<128x128xi32>
    %select_n3A_1398 = arith.select %lt3A_1394, %broadcast_in_dim3A_1397, %select_n3A_1392 : vector<128x128xi1>, vector<128x128xi32>
    %slice3A_1399 = vector.extract_strided_slice %add3A_1230 {offsets = [384, 512], sizes = [128, 128], strides = [1, 1]} : vector<512x1024xf32> to vector<128x128xf32>
    %lt3A_1400 = arith.cmpf olt, %slice3A_1399, %select_n3A_1395 : vector<128x128xf32>
    %select_n3A_1401 = arith.select %lt3A_1400, %slice3A_1399, %select_n3A_1395 : vector<128x128xi1>, vector<128x128xf32>
    %broadcast_in_dim3A_1402 = arith.constant 52 : i32
    %broadcast_in_dim3A_1403 = vector.broadcast %broadcast_in_dim3A_1402 : i32 to vector<128x128xi32>
    %select_n3A_1404 = arith.select %lt3A_1400, %broadcast_in_dim3A_1403, %select_n3A_1398 : vector<128x128xi1>, vector<128x128xi32>
    %slice3A_1405 = vector.extract_strided_slice %add3A_1230 {offsets = [384, 640], sizes = [128, 128], strides = [1, 1]} : vector<512x1024xf32> to vector<128x128xf32>
    %lt3A_1406 = arith.cmpf olt, %slice3A_1405, %select_n3A_1401 : vector<128x128xf32>
    %select_n3A_1407 = arith.select %lt3A_1406, %slice3A_1405, %select_n3A_1401 : vector<128x128xi1>, vector<128x128xf32>
    %broadcast_in_dim3A_1408 = arith.constant 53 : i32
    %broadcast_in_dim3A_1409 = vector.broadcast %broadcast_in_dim3A_1408 : i32 to vector<128x128xi32>
    %select_n3A_1410 = arith.select %lt3A_1406, %broadcast_in_dim3A_1409, %select_n3A_1404 : vector<128x128xi1>, vector<128x128xi32>
    %slice3A_1411 = vector.extract_strided_slice %add3A_1230 {offsets = [384, 768], sizes = [128, 128], strides = [1, 1]} : vector<512x1024xf32> to vector<128x128xf32>
    %lt3A_1412 = arith.cmpf olt, %slice3A_1411, %select_n3A_1407 : vector<128x128xf32>
    %select_n3A_1413 = arith.select %lt3A_1412, %slice3A_1411, %select_n3A_1407 : vector<128x128xi1>, vector<128x128xf32>
    %broadcast_in_dim3A_1414 = arith.constant 54 : i32
    %broadcast_in_dim3A_1415 = vector.broadcast %broadcast_in_dim3A_1414 : i32 to vector<128x128xi32>
    %select_n3A_1416 = arith.select %lt3A_1412, %broadcast_in_dim3A_1415, %select_n3A_1410 : vector<128x128xi1>, vector<128x128xi32>
    %slice3A_1417 = vector.extract_strided_slice %add3A_1230 {offsets = [384, 896], sizes = [128, 128], strides = [1, 1]} : vector<512x1024xf32> to vector<128x128xf32>
    %lt3A_1418 = arith.cmpf olt, %slice3A_1417, %select_n3A_1413 : vector<128x128xf32>
    %select_n3A_1419 = arith.select %lt3A_1418, %slice3A_1417, %select_n3A_1413 : vector<128x128xi1>, vector<128x128xf32>
    %broadcast_in_dim3A_1420 = arith.constant 55 : i32
    %broadcast_in_dim3A_1421 = vector.broadcast %broadcast_in_dim3A_1420 : i32 to vector<128x128xi32>
    %select_n3A_1422 = arith.select %lt3A_1418, %broadcast_in_dim3A_1421, %select_n3A_1416 : vector<128x128xi1>, vector<128x128xi32>
    %get3A_1423 = arith.constant 7 : index
    %get3A_1424 = arith.constant 0 : index
    %get3A_1425 = arith.constant 0 : index
    %get3A_1426 = vector.load %arg6[%get3A_1423, %get3A_1424, %get3A_1425] : memref<8x256x1024xbf16, #tpu.memory_space<vmem>>, vector<1x256x1024xbf16>
    %get3A_1427 = vector.shape_cast %get3A_1426 : vector<1x256x1024xbf16> to vector<256x1024xbf16>
    %dot_general3A_1428 = arith.constant dense<0.000000e+00> : vector<512x1024xf32>
    %dot_general3A_1429 = tpu.matmul %convert_element_type3A_11, %get3A_1427, %dot_general3A_1428 {dimension_numbers = #tpu.dot_dimension_numbers<[1], [0], [0], [1], [0, 0, 1, 1], [], []>, transpose_lhs_hint = false} : vector<512x256xbf16>, vector<256x1024xbf16>, vector<512x1024xf32> -> vector<512x1024xf32>
    %get3A_1430 = arith.constant 0 : index
    %get3A_1431 = arith.constant 7168 : index
    %get3A_1432 = vector.load %arg3[%get3A_1430, %get3A_1431] : memref<1x8192xf32, #tpu.memory_space<vmem>>, vector<1x1024xf32>
    %add3A_1433 = vector.broadcast %get3A_1432 : vector<1x1024xf32> to vector<512x1024xf32>
    %add3A_1434 = arith.addf %dot_general3A_1429, %add3A_1433 : vector<512x1024xf32>
    %slice3A_1435 = vector.extract_strided_slice %add3A_1434 {offsets = [0, 0], sizes = [128, 128], strides = [1, 1]} : vector<512x1024xf32> to vector<128x128xf32>
    %lt3A_1436 = arith.cmpf olt, %slice3A_1435, %select_n3A_1275 : vector<128x128xf32>
    %select_n3A_1437 = arith.select %lt3A_1436, %slice3A_1435, %select_n3A_1275 : vector<128x128xi1>, vector<128x128xf32>
    %broadcast_in_dim3A_1438 = arith.constant 56 : i32
    %broadcast_in_dim3A_1439 = vector.broadcast %broadcast_in_dim3A_1438 : i32 to vector<128x128xi32>
    %select_n3A_1440 = arith.select %lt3A_1436, %broadcast_in_dim3A_1439, %select_n3A_1278 : vector<128x128xi1>, vector<128x128xi32>
    %slice3A_1441 = vector.extract_strided_slice %add3A_1434 {offsets = [0, 128], sizes = [128, 128], strides = [1, 1]} : vector<512x1024xf32> to vector<128x128xf32>
    %lt3A_1442 = arith.cmpf olt, %slice3A_1441, %select_n3A_1437 : vector<128x128xf32>
    %select_n3A_1443 = arith.select %lt3A_1442, %slice3A_1441, %select_n3A_1437 : vector<128x128xi1>, vector<128x128xf32>
    %broadcast_in_dim3A_1444 = arith.constant 57 : i32
    %broadcast_in_dim3A_1445 = vector.broadcast %broadcast_in_dim3A_1444 : i32 to vector<128x128xi32>
    %select_n3A_1446 = arith.select %lt3A_1442, %broadcast_in_dim3A_1445, %select_n3A_1440 : vector<128x128xi1>, vector<128x128xi32>
    %slice3A_1447 = vector.extract_strided_slice %add3A_1434 {offsets = [0, 256], sizes = [128, 128], strides = [1, 1]} : vector<512x1024xf32> to vector<128x128xf32>
    %lt3A_1448 = arith.cmpf olt, %slice3A_1447, %select_n3A_1443 : vector<128x128xf32>
    %select_n3A_1449 = arith.select %lt3A_1448, %slice3A_1447, %select_n3A_1443 : vector<128x128xi1>, vector<128x128xf32>
    %broadcast_in_dim3A_1450 = arith.constant 58 : i32
    %broadcast_in_dim3A_1451 = vector.broadcast %broadcast_in_dim3A_1450 : i32 to vector<128x128xi32>
    %select_n3A_1452 = arith.select %lt3A_1448, %broadcast_in_dim3A_1451, %select_n3A_1446 : vector<128x128xi1>, vector<128x128xi32>
    %slice3A_1453 = vector.extract_strided_slice %add3A_1434 {offsets = [0, 384], sizes = [128, 128], strides = [1, 1]} : vector<512x1024xf32> to vector<128x128xf32>
    %lt3A_1454 = arith.cmpf olt, %slice3A_1453, %select_n3A_1449 : vector<128x128xf32>
    %select_n3A_1455 = arith.select %lt3A_1454, %slice3A_1453, %select_n3A_1449 : vector<128x128xi1>, vector<128x128xf32>
    %broadcast_in_dim3A_1456 = arith.constant 59 : i32
    %broadcast_in_dim3A_1457 = vector.broadcast %broadcast_in_dim3A_1456 : i32 to vector<128x128xi32>
    %select_n3A_1458 = arith.select %lt3A_1454, %broadcast_in_dim3A_1457, %select_n3A_1452 : vector<128x128xi1>, vector<128x128xi32>
    %slice3A_1459 = vector.extract_strided_slice %add3A_1434 {offsets = [0, 512], sizes = [128, 128], strides = [1, 1]} : vector<512x1024xf32> to vector<128x128xf32>
    %lt3A_1460 = arith.cmpf olt, %slice3A_1459, %select_n3A_1455 : vector<128x128xf32>
    %select_n3A_1461 = arith.select %lt3A_1460, %slice3A_1459, %select_n3A_1455 : vector<128x128xi1>, vector<128x128xf32>
    %broadcast_in_dim3A_1462 = arith.constant 60 : i32
    %broadcast_in_dim3A_1463 = vector.broadcast %broadcast_in_dim3A_1462 : i32 to vector<128x128xi32>
    %select_n3A_1464 = arith.select %lt3A_1460, %broadcast_in_dim3A_1463, %select_n3A_1458 : vector<128x128xi1>, vector<128x128xi32>
    %slice3A_1465 = vector.extract_strided_slice %add3A_1434 {offsets = [0, 640], sizes = [128, 128], strides = [1, 1]} : vector<512x1024xf32> to vector<128x128xf32>
    %lt3A_1466 = arith.cmpf olt, %slice3A_1465, %select_n3A_1461 : vector<128x128xf32>
    %select_n3A_1467 = arith.select %lt3A_1466, %slice3A_1465, %select_n3A_1461 : vector<128x128xi1>, vector<128x128xf32>
    %broadcast_in_dim3A_1468 = arith.constant 61 : i32
    %broadcast_in_dim3A_1469 = vector.broadcast %broadcast_in_dim3A_1468 : i32 to vector<128x128xi32>
    %select_n3A_1470 = arith.select %lt3A_1466, %broadcast_in_dim3A_1469, %select_n3A_1464 : vector<128x128xi1>, vector<128x128xi32>
    %slice3A_1471 = vector.extract_strided_slice %add3A_1434 {offsets = [0, 768], sizes = [128, 128], strides = [1, 1]} : vector<512x1024xf32> to vector<128x128xf32>
    %lt3A_1472 = arith.cmpf olt, %slice3A_1471, %select_n3A_1467 : vector<128x128xf32>
    %select_n3A_1473 = arith.select %lt3A_1472, %slice3A_1471, %select_n3A_1467 : vector<128x128xi1>, vector<128x128xf32>
    %broadcast_in_dim3A_1474 = arith.constant 62 : i32
    %broadcast_in_dim3A_1475 = vector.broadcast %broadcast_in_dim3A_1474 : i32 to vector<128x128xi32>
    %select_n3A_1476 = arith.select %lt3A_1472, %broadcast_in_dim3A_1475, %select_n3A_1470 : vector<128x128xi1>, vector<128x128xi32>
    %slice3A_1477 = vector.extract_strided_slice %add3A_1434 {offsets = [0, 896], sizes = [128, 128], strides = [1, 1]} : vector<512x1024xf32> to vector<128x128xf32>
    %lt3A_1478 = arith.cmpf olt, %slice3A_1477, %select_n3A_1473 : vector<128x128xf32>
    %select_n3A_1479 = arith.select %lt3A_1478, %slice3A_1477, %select_n3A_1473 : vector<128x128xi1>, vector<128x128xf32>
    %broadcast_in_dim3A_1480 = arith.constant 63 : i32
    %broadcast_in_dim3A_1481 = vector.broadcast %broadcast_in_dim3A_1480 : i32 to vector<128x128xi32>
    %select_n3A_1482 = arith.select %lt3A_1478, %broadcast_in_dim3A_1481, %select_n3A_1476 : vector<128x128xi1>, vector<128x128xi32>
    %slice3A_1483 = vector.extract_strided_slice %add3A_1434 {offsets = [128, 0], sizes = [128, 128], strides = [1, 1]} : vector<512x1024xf32> to vector<128x128xf32>
    %lt3A_1484 = arith.cmpf olt, %slice3A_1483, %select_n3A_1323 : vector<128x128xf32>
    %select_n3A_1485 = arith.select %lt3A_1484, %slice3A_1483, %select_n3A_1323 : vector<128x128xi1>, vector<128x128xf32>
    %broadcast_in_dim3A_1486 = arith.constant 56 : i32
    %broadcast_in_dim3A_1487 = vector.broadcast %broadcast_in_dim3A_1486 : i32 to vector<128x128xi32>
    %select_n3A_1488 = arith.select %lt3A_1484, %broadcast_in_dim3A_1487, %select_n3A_1326 : vector<128x128xi1>, vector<128x128xi32>
    %slice3A_1489 = vector.extract_strided_slice %add3A_1434 {offsets = [128, 128], sizes = [128, 128], strides = [1, 1]} : vector<512x1024xf32> to vector<128x128xf32>
    %lt3A_1490 = arith.cmpf olt, %slice3A_1489, %select_n3A_1485 : vector<128x128xf32>
    %select_n3A_1491 = arith.select %lt3A_1490, %slice3A_1489, %select_n3A_1485 : vector<128x128xi1>, vector<128x128xf32>
    %broadcast_in_dim3A_1492 = arith.constant 57 : i32
    %broadcast_in_dim3A_1493 = vector.broadcast %broadcast_in_dim3A_1492 : i32 to vector<128x128xi32>
    %select_n3A_1494 = arith.select %lt3A_1490, %broadcast_in_dim3A_1493, %select_n3A_1488 : vector<128x128xi1>, vector<128x128xi32>
    %slice3A_1495 = vector.extract_strided_slice %add3A_1434 {offsets = [128, 256], sizes = [128, 128], strides = [1, 1]} : vector<512x1024xf32> to vector<128x128xf32>
    %lt3A_1496 = arith.cmpf olt, %slice3A_1495, %select_n3A_1491 : vector<128x128xf32>
    %select_n3A_1497 = arith.select %lt3A_1496, %slice3A_1495, %select_n3A_1491 : vector<128x128xi1>, vector<128x128xf32>
    %broadcast_in_dim3A_1498 = arith.constant 58 : i32
    %broadcast_in_dim3A_1499 = vector.broadcast %broadcast_in_dim3A_1498 : i32 to vector<128x128xi32>
    %select_n3A_1500 = arith.select %lt3A_1496, %broadcast_in_dim3A_1499, %select_n3A_1494 : vector<128x128xi1>, vector<128x128xi32>
    %slice3A_1501 = vector.extract_strided_slice %add3A_1434 {offsets = [128, 384], sizes = [128, 128], strides = [1, 1]} : vector<512x1024xf32> to vector<128x128xf32>
    %lt3A_1502 = arith.cmpf olt, %slice3A_1501, %select_n3A_1497 : vector<128x128xf32>
    %select_n3A_1503 = arith.select %lt3A_1502, %slice3A_1501, %select_n3A_1497 : vector<128x128xi1>, vector<128x128xf32>
    %broadcast_in_dim3A_1504 = arith.constant 59 : i32
    %broadcast_in_dim3A_1505 = vector.broadcast %broadcast_in_dim3A_1504 : i32 to vector<128x128xi32>
    %select_n3A_1506 = arith.select %lt3A_1502, %broadcast_in_dim3A_1505, %select_n3A_1500 : vector<128x128xi1>, vector<128x128xi32>
    %slice3A_1507 = vector.extract_strided_slice %add3A_1434 {offsets = [128, 512], sizes = [128, 128], strides = [1, 1]} : vector<512x1024xf32> to vector<128x128xf32>
    %lt3A_1508 = arith.cmpf olt, %slice3A_1507, %select_n3A_1503 : vector<128x128xf32>
    %select_n3A_1509 = arith.select %lt3A_1508, %slice3A_1507, %select_n3A_1503 : vector<128x128xi1>, vector<128x128xf32>
    %broadcast_in_dim3A_1510 = arith.constant 60 : i32
    %broadcast_in_dim3A_1511 = vector.broadcast %broadcast_in_dim3A_1510 : i32 to vector<128x128xi32>
    %select_n3A_1512 = arith.select %lt3A_1508, %broadcast_in_dim3A_1511, %select_n3A_1506 : vector<128x128xi1>, vector<128x128xi32>
    %slice3A_1513 = vector.extract_strided_slice %add3A_1434 {offsets = [128, 640], sizes = [128, 128], strides = [1, 1]} : vector<512x1024xf32> to vector<128x128xf32>
    %lt3A_1514 = arith.cmpf olt, %slice3A_1513, %select_n3A_1509 : vector<128x128xf32>
    %select_n3A_1515 = arith.select %lt3A_1514, %slice3A_1513, %select_n3A_1509 : vector<128x128xi1>, vector<128x128xf32>
    %broadcast_in_dim3A_1516 = arith.constant 61 : i32
    %broadcast_in_dim3A_1517 = vector.broadcast %broadcast_in_dim3A_1516 : i32 to vector<128x128xi32>
    %select_n3A_1518 = arith.select %lt3A_1514, %broadcast_in_dim3A_1517, %select_n3A_1512 : vector<128x128xi1>, vector<128x128xi32>
    %slice3A_1519 = vector.extract_strided_slice %add3A_1434 {offsets = [128, 768], sizes = [128, 128], strides = [1, 1]} : vector<512x1024xf32> to vector<128x128xf32>
    %lt3A_1520 = arith.cmpf olt, %slice3A_1519, %select_n3A_1515 : vector<128x128xf32>
    %select_n3A_1521 = arith.select %lt3A_1520, %slice3A_1519, %select_n3A_1515 : vector<128x128xi1>, vector<128x128xf32>
    %broadcast_in_dim3A_1522 = arith.constant 62 : i32
    %broadcast_in_dim3A_1523 = vector.broadcast %broadcast_in_dim3A_1522 : i32 to vector<128x128xi32>
    %select_n3A_1524 = arith.select %lt3A_1520, %broadcast_in_dim3A_1523, %select_n3A_1518 : vector<128x128xi1>, vector<128x128xi32>
    %slice3A_1525 = vector.extract_strided_slice %add3A_1434 {offsets = [128, 896], sizes = [128, 128], strides = [1, 1]} : vector<512x1024xf32> to vector<128x128xf32>
    %lt3A_1526 = arith.cmpf olt, %slice3A_1525, %select_n3A_1521 : vector<128x128xf32>
    %select_n3A_1527 = arith.select %lt3A_1526, %slice3A_1525, %select_n3A_1521 : vector<128x128xi1>, vector<128x128xf32>
    %broadcast_in_dim3A_1528 = arith.constant 63 : i32
    %broadcast_in_dim3A_1529 = vector.broadcast %broadcast_in_dim3A_1528 : i32 to vector<128x128xi32>
    %select_n3A_1530 = arith.select %lt3A_1526, %broadcast_in_dim3A_1529, %select_n3A_1524 : vector<128x128xi1>, vector<128x128xi32>
    %slice3A_1531 = vector.extract_strided_slice %add3A_1434 {offsets = [256, 0], sizes = [128, 128], strides = [1, 1]} : vector<512x1024xf32> to vector<128x128xf32>
    %lt3A_1532 = arith.cmpf olt, %slice3A_1531, %select_n3A_1371 : vector<128x128xf32>
    %select_n3A_1533 = arith.select %lt3A_1532, %slice3A_1531, %select_n3A_1371 : vector<128x128xi1>, vector<128x128xf32>
    %broadcast_in_dim3A_1534 = arith.constant 56 : i32
    %broadcast_in_dim3A_1535 = vector.broadcast %broadcast_in_dim3A_1534 : i32 to vector<128x128xi32>
    %select_n3A_1536 = arith.select %lt3A_1532, %broadcast_in_dim3A_1535, %select_n3A_1374 : vector<128x128xi1>, vector<128x128xi32>
    %slice3A_1537 = vector.extract_strided_slice %add3A_1434 {offsets = [256, 128], sizes = [128, 128], strides = [1, 1]} : vector<512x1024xf32> to vector<128x128xf32>
    %lt3A_1538 = arith.cmpf olt, %slice3A_1537, %select_n3A_1533 : vector<128x128xf32>
    %select_n3A_1539 = arith.select %lt3A_1538, %slice3A_1537, %select_n3A_1533 : vector<128x128xi1>, vector<128x128xf32>
    %broadcast_in_dim3A_1540 = arith.constant 57 : i32
    %broadcast_in_dim3A_1541 = vector.broadcast %broadcast_in_dim3A_1540 : i32 to vector<128x128xi32>
    %select_n3A_1542 = arith.select %lt3A_1538, %broadcast_in_dim3A_1541, %select_n3A_1536 : vector<128x128xi1>, vector<128x128xi32>
    %slice3A_1543 = vector.extract_strided_slice %add3A_1434 {offsets = [256, 256], sizes = [128, 128], strides = [1, 1]} : vector<512x1024xf32> to vector<128x128xf32>
    %lt3A_1544 = arith.cmpf olt, %slice3A_1543, %select_n3A_1539 : vector<128x128xf32>
    %select_n3A_1545 = arith.select %lt3A_1544, %slice3A_1543, %select_n3A_1539 : vector<128x128xi1>, vector<128x128xf32>
    %broadcast_in_dim3A_1546 = arith.constant 58 : i32
    %broadcast_in_dim3A_1547 = vector.broadcast %broadcast_in_dim3A_1546 : i32 to vector<128x128xi32>
    %select_n3A_1548 = arith.select %lt3A_1544, %broadcast_in_dim3A_1547, %select_n3A_1542 : vector<128x128xi1>, vector<128x128xi32>
    %slice3A_1549 = vector.extract_strided_slice %add3A_1434 {offsets = [256, 384], sizes = [128, 128], strides = [1, 1]} : vector<512x1024xf32> to vector<128x128xf32>
    %lt3A_1550 = arith.cmpf olt, %slice3A_1549, %select_n3A_1545 : vector<128x128xf32>
    %select_n3A_1551 = arith.select %lt3A_1550, %slice3A_1549, %select_n3A_1545 : vector<128x128xi1>, vector<128x128xf32>
    %broadcast_in_dim3A_1552 = arith.constant 59 : i32
    %broadcast_in_dim3A_1553 = vector.broadcast %broadcast_in_dim3A_1552 : i32 to vector<128x128xi32>
    %select_n3A_1554 = arith.select %lt3A_1550, %broadcast_in_dim3A_1553, %select_n3A_1548 : vector<128x128xi1>, vector<128x128xi32>
    %slice3A_1555 = vector.extract_strided_slice %add3A_1434 {offsets = [256, 512], sizes = [128, 128], strides = [1, 1]} : vector<512x1024xf32> to vector<128x128xf32>
    %lt3A_1556 = arith.cmpf olt, %slice3A_1555, %select_n3A_1551 : vector<128x128xf32>
    %select_n3A_1557 = arith.select %lt3A_1556, %slice3A_1555, %select_n3A_1551 : vector<128x128xi1>, vector<128x128xf32>
    %broadcast_in_dim3A_1558 = arith.constant 60 : i32
    %broadcast_in_dim3A_1559 = vector.broadcast %broadcast_in_dim3A_1558 : i32 to vector<128x128xi32>
    %select_n3A_1560 = arith.select %lt3A_1556, %broadcast_in_dim3A_1559, %select_n3A_1554 : vector<128x128xi1>, vector<128x128xi32>
    %slice3A_1561 = vector.extract_strided_slice %add3A_1434 {offsets = [256, 640], sizes = [128, 128], strides = [1, 1]} : vector<512x1024xf32> to vector<128x128xf32>
    %lt3A_1562 = arith.cmpf olt, %slice3A_1561, %select_n3A_1557 : vector<128x128xf32>
    %select_n3A_1563 = arith.select %lt3A_1562, %slice3A_1561, %select_n3A_1557 : vector<128x128xi1>, vector<128x128xf32>
    %broadcast_in_dim3A_1564 = arith.constant 61 : i32
    %broadcast_in_dim3A_1565 = vector.broadcast %broadcast_in_dim3A_1564 : i32 to vector<128x128xi32>
    %select_n3A_1566 = arith.select %lt3A_1562, %broadcast_in_dim3A_1565, %select_n3A_1560 : vector<128x128xi1>, vector<128x128xi32>
    %slice3A_1567 = vector.extract_strided_slice %add3A_1434 {offsets = [256, 768], sizes = [128, 128], strides = [1, 1]} : vector<512x1024xf32> to vector<128x128xf32>
    %lt3A_1568 = arith.cmpf olt, %slice3A_1567, %select_n3A_1563 : vector<128x128xf32>
    %select_n3A_1569 = arith.select %lt3A_1568, %slice3A_1567, %select_n3A_1563 : vector<128x128xi1>, vector<128x128xf32>
    %broadcast_in_dim3A_1570 = arith.constant 62 : i32
    %broadcast_in_dim3A_1571 = vector.broadcast %broadcast_in_dim3A_1570 : i32 to vector<128x128xi32>
    %select_n3A_1572 = arith.select %lt3A_1568, %broadcast_in_dim3A_1571, %select_n3A_1566 : vector<128x128xi1>, vector<128x128xi32>
    %slice3A_1573 = vector.extract_strided_slice %add3A_1434 {offsets = [256, 896], sizes = [128, 128], strides = [1, 1]} : vector<512x1024xf32> to vector<128x128xf32>
    %lt3A_1574 = arith.cmpf olt, %slice3A_1573, %select_n3A_1569 : vector<128x128xf32>
    %select_n3A_1575 = arith.select %lt3A_1574, %slice3A_1573, %select_n3A_1569 : vector<128x128xi1>, vector<128x128xf32>
    %broadcast_in_dim3A_1576 = arith.constant 63 : i32
    %broadcast_in_dim3A_1577 = vector.broadcast %broadcast_in_dim3A_1576 : i32 to vector<128x128xi32>
    %select_n3A_1578 = arith.select %lt3A_1574, %broadcast_in_dim3A_1577, %select_n3A_1572 : vector<128x128xi1>, vector<128x128xi32>
    %slice3A_1579 = vector.extract_strided_slice %add3A_1434 {offsets = [384, 0], sizes = [128, 128], strides = [1, 1]} : vector<512x1024xf32> to vector<128x128xf32>
    %lt3A_1580 = arith.cmpf olt, %slice3A_1579, %select_n3A_1419 : vector<128x128xf32>
    %select_n3A_1581 = arith.select %lt3A_1580, %slice3A_1579, %select_n3A_1419 : vector<128x128xi1>, vector<128x128xf32>
    %broadcast_in_dim3A_1582 = arith.constant 56 : i32
    %broadcast_in_dim3A_1583 = vector.broadcast %broadcast_in_dim3A_1582 : i32 to vector<128x128xi32>
    %select_n3A_1584 = arith.select %lt3A_1580, %broadcast_in_dim3A_1583, %select_n3A_1422 : vector<128x128xi1>, vector<128x128xi32>
    %slice3A_1585 = vector.extract_strided_slice %add3A_1434 {offsets = [384, 128], sizes = [128, 128], strides = [1, 1]} : vector<512x1024xf32> to vector<128x128xf32>
    %lt3A_1586 = arith.cmpf olt, %slice3A_1585, %select_n3A_1581 : vector<128x128xf32>
    %select_n3A_1587 = arith.select %lt3A_1586, %slice3A_1585, %select_n3A_1581 : vector<128x128xi1>, vector<128x128xf32>
    %broadcast_in_dim3A_1588 = arith.constant 57 : i32
    %broadcast_in_dim3A_1589 = vector.broadcast %broadcast_in_dim3A_1588 : i32 to vector<128x128xi32>
    %select_n3A_1590 = arith.select %lt3A_1586, %broadcast_in_dim3A_1589, %select_n3A_1584 : vector<128x128xi1>, vector<128x128xi32>
    %slice3A_1591 = vector.extract_strided_slice %add3A_1434 {offsets = [384, 256], sizes = [128, 128], strides = [1, 1]} : vector<512x1024xf32> to vector<128x128xf32>
    %lt3A_1592 = arith.cmpf olt, %slice3A_1591, %select_n3A_1587 : vector<128x128xf32>
    %select_n3A_1593 = arith.select %lt3A_1592, %slice3A_1591, %select_n3A_1587 : vector<128x128xi1>, vector<128x128xf32>
    %broadcast_in_dim3A_1594 = arith.constant 58 : i32
    %broadcast_in_dim3A_1595 = vector.broadcast %broadcast_in_dim3A_1594 : i32 to vector<128x128xi32>
    %select_n3A_1596 = arith.select %lt3A_1592, %broadcast_in_dim3A_1595, %select_n3A_1590 : vector<128x128xi1>, vector<128x128xi32>
    %slice3A_1597 = vector.extract_strided_slice %add3A_1434 {offsets = [384, 384], sizes = [128, 128], strides = [1, 1]} : vector<512x1024xf32> to vector<128x128xf32>
    %lt3A_1598 = arith.cmpf olt, %slice3A_1597, %select_n3A_1593 : vector<128x128xf32>
    %select_n3A_1599 = arith.select %lt3A_1598, %slice3A_1597, %select_n3A_1593 : vector<128x128xi1>, vector<128x128xf32>
    %broadcast_in_dim3A_1600 = arith.constant 59 : i32
    %broadcast_in_dim3A_1601 = vector.broadcast %broadcast_in_dim3A_1600 : i32 to vector<128x128xi32>
    %select_n3A_1602 = arith.select %lt3A_1598, %broadcast_in_dim3A_1601, %select_n3A_1596 : vector<128x128xi1>, vector<128x128xi32>
    %slice3A_1603 = vector.extract_strided_slice %add3A_1434 {offsets = [384, 512], sizes = [128, 128], strides = [1, 1]} : vector<512x1024xf32> to vector<128x128xf32>
    %lt3A_1604 = arith.cmpf olt, %slice3A_1603, %select_n3A_1599 : vector<128x128xf32>
    %select_n3A_1605 = arith.select %lt3A_1604, %slice3A_1603, %select_n3A_1599 : vector<128x128xi1>, vector<128x128xf32>
    %broadcast_in_dim3A_1606 = arith.constant 60 : i32
    %broadcast_in_dim3A_1607 = vector.broadcast %broadcast_in_dim3A_1606 : i32 to vector<128x128xi32>
    %select_n3A_1608 = arith.select %lt3A_1604, %broadcast_in_dim3A_1607, %select_n3A_1602 : vector<128x128xi1>, vector<128x128xi32>
    %slice3A_1609 = vector.extract_strided_slice %add3A_1434 {offsets = [384, 640], sizes = [128, 128], strides = [1, 1]} : vector<512x1024xf32> to vector<128x128xf32>
    %lt3A_1610 = arith.cmpf olt, %slice3A_1609, %select_n3A_1605 : vector<128x128xf32>
    %select_n3A_1611 = arith.select %lt3A_1610, %slice3A_1609, %select_n3A_1605 : vector<128x128xi1>, vector<128x128xf32>
    %broadcast_in_dim3A_1612 = arith.constant 61 : i32
    %broadcast_in_dim3A_1613 = vector.broadcast %broadcast_in_dim3A_1612 : i32 to vector<128x128xi32>
    %select_n3A_1614 = arith.select %lt3A_1610, %broadcast_in_dim3A_1613, %select_n3A_1608 : vector<128x128xi1>, vector<128x128xi32>
    %slice3A_1615 = vector.extract_strided_slice %add3A_1434 {offsets = [384, 768], sizes = [128, 128], strides = [1, 1]} : vector<512x1024xf32> to vector<128x128xf32>
    %lt3A_1616 = arith.cmpf olt, %slice3A_1615, %select_n3A_1611 : vector<128x128xf32>
    %select_n3A_1617 = arith.select %lt3A_1616, %slice3A_1615, %select_n3A_1611 : vector<128x128xi1>, vector<128x128xf32>
    %broadcast_in_dim3A_1618 = arith.constant 62 : i32
    %broadcast_in_dim3A_1619 = vector.broadcast %broadcast_in_dim3A_1618 : i32 to vector<128x128xi32>
    %select_n3A_1620 = arith.select %lt3A_1616, %broadcast_in_dim3A_1619, %select_n3A_1614 : vector<128x128xi1>, vector<128x128xi32>
    %slice3A_1621 = vector.extract_strided_slice %add3A_1434 {offsets = [384, 896], sizes = [128, 128], strides = [1, 1]} : vector<512x1024xf32> to vector<128x128xf32>
    %lt3A_1622 = arith.cmpf olt, %slice3A_1621, %select_n3A_1617 : vector<128x128xf32>
    %select_n3A_1623 = arith.select %lt3A_1622, %slice3A_1621, %select_n3A_1617 : vector<128x128xi1>, vector<128x128xf32>
    %broadcast_in_dim3A_1624 = arith.constant 63 : i32
    %broadcast_in_dim3A_1625 = vector.broadcast %broadcast_in_dim3A_1624 : i32 to vector<128x128xi32>
    %select_n3A_1626 = arith.select %lt3A_1622, %broadcast_in_dim3A_1625, %select_n3A_1620 : vector<128x128xi1>, vector<128x128xi32>
    %concatenate3A = tpu.concatenate %select_n3A_1479, %select_n3A_1527, %select_n3A_1575, %select_n3A_1623 in 0 : vector<128x128xf32>, vector<128x128xf32>, vector<128x128xf32>, vector<128x128xf32> -> vector<512x128xf32>
    %concatenate3A_1627 = tpu.concatenate %select_n3A_1482, %select_n3A_1530, %select_n3A_1578, %select_n3A_1626 in 0 : vector<128x128xi32>, vector<128x128xi32>, vector<128x128xi32>, vector<128x128xi32> -> vector<512x128xi32>
    %transpose3A = tpu.transpose %concatenate3A, [1, 0] : vector<512x128xf32> -> vector<128x512xf32>
    %transpose3A_1628 = tpu.transpose %concatenate3A_1627, [1, 0] : vector<512x128xi32> -> vector<128x512xi32>
    %iota3A = tpu.iota {dimensions = array<i32: 0>} : vector<128x512xi32>
    %mul3A_1629 = arith.constant 128 : i32
    %mul3A_1630 = vector.broadcast %mul3A_1629 : i32 to vector<128x512xi32>
    %mul3A_1631 = arith.muli %transpose3A_1628, %mul3A_1630 : vector<128x512xi32>
    %add3A_1632 = arith.addi %mul3A_1631, %iota3A : vector<128x512xi32>
    %reduce_min3A = arith.constant dense<0x7F800000> : vector<512xf32>
    %reduce_min3A_1633 = vector.multi_reduction <minimumf>, %transpose3A, %reduce_min3A [0] : vector<128x512xf32> to vector<512xf32>
    %broadcast_in_dim3A_1634 = vector.shape_cast %reduce_min3A_1633 : vector<512xf32> to vector<1x512xf32>
    %eq3A_1635 = vector.broadcast %broadcast_in_dim3A_1634 : vector<1x512xf32> to vector<128x512xf32>
    %eq3A_1636 = arith.cmpf oeq, %transpose3A, %eq3A_1635 : vector<128x512xf32>
    %broadcast_in_dim3A_1637 = arith.constant 2147483647 : i32
    %broadcast_in_dim3A_1638 = vector.broadcast %broadcast_in_dim3A_1637 : i32 to vector<128x512xi32>
    %select_n3A_1639 = arith.select %eq3A_1636, %add3A_1632, %broadcast_in_dim3A_1638 : vector<128x512xi1>, vector<128x512xi32>
    %reduce_min3A_1640 = arith.constant dense<2147483647> : vector<512xi32>
    %reduce_min3A_1641 = vector.multi_reduction <minsi>, %select_n3A_1639, %reduce_min3A_1640 [0] : vector<128x512xi32> to vector<512xi32>
    %broadcast_in_dim3A_1642 = vector.shape_cast %reduce_min3A_1641 : vector<512xi32> to vector<1x512xi32>
    %reshape3A = vector.shape_cast %broadcast_in_dim3A_1642 : vector<1x512xi32> to vector<1x1x512xi32>
    %swap3A = arith.constant 0 : index
    %swap3A_1643 = arith.constant 0 : index
    %swap3A_1644 = arith.constant 0 : index
    %swap3A_1645 = vector.load %arg4[%swap3A, %swap3A_1643, %swap3A_1644] : memref<1x1x512xi32, #tpu.memory_space<vmem>>, vector<1x1x512xi32>
    tpu.vector_store %arg4[%swap3A, %swap3A_1643, %swap3A_1644], %reshape3A {strides = array<i32>} : memref<1x1x512xi32, #tpu.memory_space<vmem>>, vector<1x1x512xi32>,
    %reduce_sum3A_1646 = vector.shape_cast %broadcast_in_dim3A_1634 : vector<1x512xf32> to vector<1x1x512xf32>
    %reduce_sum3A_1647 = arith.constant dense<0.000000e+00> : vector<1xf32>
    %reduce_sum3A_1648 = vector.multi_reduction <add>, %reduce_sum3A_1646, %reduce_sum3A_1647 [1, 2] : vector<1x1x512xf32> to vector<1xf32>
    %reduce_sum3A_1649 = vector.shape_cast %reduce_sum3A_1648 : vector<1xf32> to vector<1x1x1xf32>
    %reduce_sum3A_1650 = vector.extract %reduce_sum3A_1649[0, 0, 0] : f32 from vector<1x1x1xf32>
    %broadcast_in_dim3A_1651 = vector.broadcast %reduce_sum3A_1650 : f32 to vector<1x1xf32>
    %add3A_1652 = arith.addf %broadcast_in_dim3A, %broadcast_in_dim3A_1651 : vector<1x1xf32>
    %eq3A_1653 = arith.constant 0 : i32
    %eq3A_1654 = arith.cmpi eq, %arg0, %eq3A_1653 : i32
    %broadcast_in_dim3A_1655 = arith.constant 0.000000e+00 : f32
    %broadcast_in_dim3A_1656 = vector.broadcast %broadcast_in_dim3A_1655 : f32 to vector<1x1xf32>
    %get3A_1657 = arith.constant 0 : index
    %get3A_1658 = arith.constant 0 : index
    %get3A_1659 = vector.load %arg5[%get3A_1657, %get3A_1658] : memref<1x1xf32, #tpu.memory_space<vmem>>, vector<1x1xf32>
    %select_n3A_1660 = arith.select %eq3A_1654, %broadcast_in_dim3A_1656, %get3A_1659 : vector<1x1xf32>
    %add3A_1661 = arith.addf %select_n3A_1660, %add3A_1652 : vector<1x1xf32>
    %eq3A_1662 = arith.constant 8 : i32
    %eq3A_1663 = arith.cmpi eq, %arg0, %eq3A_1662 : i32
    %mul3A_1664 = arith.constant 1.05963818E-6 : f32
    %mul3A_1665 = vector.broadcast %mul3A_1664 : f32 to vector<1x1xf32>
    %mul3A_1666 = arith.mulf %add3A_1661, %mul3A_1665 : vector<1x1xf32>
    %select_n3A_1667 = arith.select %eq3A_1663, %mul3A_1666, %add3A_1661 : vector<1x1xf32>
    %swap3A_1668 = arith.constant 0 : index
    %swap3A_1669 = arith.constant 0 : index
    %swap3A_1670 = vector.load %arg5[%swap3A_1668, %swap3A_1669] : memref<1x1xf32, #tpu.memory_space<vmem>>, vector<1x1xf32>
    tpu.vector_store %arg5[%swap3A_1668, %swap3A_1669], %select_n3A_1667 {strides = array<i32>} : memref<1x1xf32, #tpu.memory_space<vmem>>, vector<1x1xf32>,
    return
  }
  func.func @transform_0(%arg0: i32) -> (i32, i32) {
    %c0_i32 = arith.constant 0 : i32
    %c0_i32_0 = arith.constant 0 : i32
    return %arg0, %c0_i32 : i32, i32
  }
  func.func @transform_1(%arg0: i32) -> (i32, i32) {
    %c0_i32 = arith.constant 0 : i32
    %c0_i32_0 = arith.constant 0 : i32
    %c0_i32_1 = arith.constant 0 : i32
    return %c0_i32, %c0_i32_0 : i32, i32
  }
  func.func @transform_2(%arg0: i32) -> (i32, i32) {
    %c0_i32 = arith.constant 0 : i32
    %c0_i32_0 = arith.constant 0 : i32
    %c0_i32_1 = arith.constant 0 : i32
    return %c0_i32, %c0_i32_0 : i32, i32
  }
  func.func @transform_3(%arg0: i32) -> (i32, i32, i32) {
    %c0_i32 = arith.constant 0 : i32
    %c0_i32_0 = arith.constant 0 : i32
    %c0_i32_1 = arith.constant 0 : i32
    return %arg0, %c0_i32, %c0_i32_0 : i32, i32, i32
  }
  func.func @transform_4(%arg0: i32) -> (i32, i32) {
    %c0_i32 = arith.constant 0 : i32
    %c0_i32_0 = arith.constant 0 : i32
    %c0_i32_1 = arith.constant 0 : i32
    return %c0_i32, %c0_i32_0 : i32, i32
  }
}

</mosaic_0001>

<sc_bundles>
// kernel: kernel.4.cloned.1.call-start
scs
__scs_entry_jumppad:
0x0: {  	(pc) =	sbr.rel $0x88, $3  }
0x1: {  	(tag) =	ssettag $0x0;
	lr =	simm.s32 $0x1  }
0x2: {  	[smem:$0x3F9F] =	sst lr;
	_ =	strace $0xD0000000  }
0x3: {  	_ = 	snop  }
0x4: {  	_ = 	snop  }
0x5: {  	_ = 	snop  }
0x6: {  	_ = 	snop  }
0x7: {  	_ = 	snop  }
__scs_overlays_trampoline_lowered:
0x8: {  	[smem:$0x3FAE] =	sst s0  }
0x9: {  	[smem:$0x3FAF] =	sst s1  }
0xa: {  	[smem:$0x3FB0] =	sst s2  }
0xb: {  	[smem:$0x3FB1] =	sst s3  }
0xc: {  	[smem:$0x3FB2] =	sst s4  }
0xd: {  	[smem:$0x3FB3] =	sst s5  }
0xe: {  	[smem:$0x3FB4] =	sst s6  }
0xf: {  	[smem:$0x3FB5] =	sst s7  }
0x10: {  	[smem:$0x3FB6] =	sst s8  }
0x11: {  	[smem:$0x3FB7] =	sst s9;
	s0 =	simm.s32 @!p0 $0x0  }
0x12: {  	s1 =	sld [smem:$0x3F9D];
	s0 =	simm.s32 @p0 $0x1  }
0x13: {  	[smem:$0x3FB8] =	sst s0;
	s0 =	simm.s32 @!p1 $0x0  }
0x14: {  	s2 =	sld [smem:$0x3F9C];
	s0 =	simm.s32 @p1 $0x1  }
0x15: {  	[smem:$0x3FB9] =	sst s0;
	s0 =	simm.s32 @!p2 $0x0  }
0x16: {  	s3 =	sld [smem:$0x3FDB];
	s0 =	simm.s32 @p2 $0x1  }
0x17: {  	s4 =	simm.s32 $0x1BF5;
	[smem:$0x3FBB] =	sst s0  }
0x18: {  	s0 =	sld [smem:$0x3F9E];
	_ =	swait.ge [sflag:s4], $0x0  }
0x19: {  	s7 =	sld [smem:$0x3F9F]  }
0x1a: {  	s8 =	sadd.s32 $0xFFFFE003, lr  }
0x1b: {  	s9 =	sadd.s32 $0xFFFFFEF7, lr;
	s5 =	simm.s32 $0xFFFFFFFF;
	p2 =	slt.u32 s8, $0xFFFFF086  }
0x1c: {  	p1 =	slt.u32 s9, $0xF7A;
	s5 =	simm.s32 @!p2 $0x0  }
0x1d: {  	s5 =	simm.s32 @p1 $0x1;
	p0 =	seq.s32 s7, s2  }
0x1e: {  	s7 =	smul.u32 @!p0 $0xF7A, s2;
	p2 =	seq.s32 @!p0 s5, $0x0  }
0x1f: {  	s9 =	smul.u32 $0xF7A, s1;
	s8 =	simm.s32 @!p0 $0x1BF5;
	p2 =	por !p2, p0  }
0x20: {  	[sflag:s8] =	ssyncset.s32 @!p0 $0xFFFFF086;
	s6 =	sadd.s32 @!p0 s3, s7;
	s7 =	simm.s32 @!p0 $0x108  }
0x21: {  	s3 =	sadd.s32 s3, s9;
	s6 =	sadd.s32 @!p0 $0x88, s6;
	s7 =	simm.s32 @p2 $0x1082  }
0x22: {  	[simem:s7], [sflag:s8] =	dma.local @!p0 [hbm:s6], $0xF7A  }
0x23: {  	s9 =	sor.u32 $0xD0000000, s2;
	s6 =	simm.s32 $0x108;
	_ =	swait.ge @!p0 [sflag:s8], $0x0  }
0x24: {  	s3 =	sadd.s32 $0x88, s3;
	s6 =	simm.s32 @!p1 $0x1082;
	[sflag:s4] =	ssyncset.s32 $0xFFFFF086  }
0x25: {  	[simem:s6], [sflag:s4] =	dma.local [hbm:s3], $0xF7A  }
0x26: {  	[smem:$0x3F9F] =	sst s1;
	(tag) =	ssettag s2;
	_ =	strace s9  }
0x27: {  	s1 =	sld [smem:$0x3FAF]  }
0x28: {  	s2 =	sld [smem:$0x3FB0]  }
0x29: {  	s4 =	sld [smem:$0x3FB2]  }
0x2a: {  	p0 =	seq.s32 s5, $0x0;
	s5 =	sld [smem:$0x3FB3]  }
0x2b: {  	s6 =	sld [smem:$0x3FB4]  }
0x2c: {  	s7 =	sld [smem:$0x3FB5]  }
0x2d: {  	s3 =	simm.s32 $0x108;
	s8 =	sld [smem:$0x3FB6]  }
0x2e: {  	s3 =	simm.s32 @!p0 $0x1082;
	s9 =	sld [smem:$0x3FB7]  }
0x2f: {  	lr =	sadd.s32 s0, s3;
	s0 =	sld [smem:$0x3FAE]  }
0x30: {  	s3 =	sld [smem:$0x3FB1]  }
0x31: {  	[smem:$0x3FBA] =	sst s10  }
0x32: {  	s10 =	sld [smem:$0x3FB8];
	_ =	sdelay $0x3  }
0x33: {  	p0 =	seq.s32 s10, $0x1;
	s10 =	sld [smem:$0x3FBA];
	_ =	sdelay $0x3  }
0x34: {  	[smem:$0x3FBA] =	sst s10  }
0x35: {  	s10 =	sld [smem:$0x3FB9];
	_ =	sdelay $0x3  }
0x36: {  	p1 =	seq.s32 s10, $0x1;
	s10 =	sld [smem:$0x3FBA];
	_ =	sdelay $0x3  }
0x37: {  	[smem:$0x3FBA] =	sst s10  }
0x38: {  	s10 =	sld [smem:$0x3FBB]  }
0x39: {  	_ = 	snop;
	(pc) =	sbr.ind lr, $3  }
0x3a: {  	_ = 	snop  }
0x3b: {  	_ = 	snop  }
0x3c: {  	p2 =	seq.s32 s10, $0x1;
	s10 =	sld [smem:$0x3FBA]  }
0x3d: {  	_ =	shalt  }
0x3e: {  	_ =	shalt  }
0x3f: {  	_ =	shalt  }
0x40: {  	_ =	shalt  }
0x41: {  	_ =	shalt  }
0x42: {  	_ =	shalt  }
0x43: {  	_ =	shalt  }
0x44: {  	_ =	shalt  }
0x45: {  	_ =	shalt  }
0x46: {  	_ =	shalt  }
0x47: {  	_ =	shalt  }
0x48: {  	_ =	shalt  }
0x49: {  	_ =	shalt  }
0x4a: {  	_ =	shalt  }
0x4b: {  	_ =	shalt  }
0x4c: {  	_ =	shalt  }
0x4d: {  	_ =	shalt  }
0x4e: {  	_ =	shalt  }
0x4f: {  	_ =	shalt  }
0x50: {  	_ =	shalt  }
0x51: {  	_ =	shalt  }
0x52: {  	_ =	shalt  }
0x53: {  	_ =	shalt  }
0x54: {  	_ =	shalt  }
0x55: {  	_ =	shalt  }
0x56: {  	_ =	shalt  }
0x57: {  	_ =	shalt  }
0x58: {  	_ =	shalt  }
0x59: {  	_ =	shalt  }
0x5a: {  	_ =	shalt  }
0x5b: {  	_ =	shalt  }
0x5c: {  	_ =	shalt  }
0x5d: {  	_ =	shalt  }
0x5e: {  	_ =	shalt  }
0x5f: {  	_ =	shalt  }
0x60: {  	_ =	shalt  }
0x61: {  	_ =	shalt  }
0x62: {  	_ =	shalt  }
0x63: {  	_ =	shalt  }
0x64: {  	_ =	shalt  }
0x65: {  	_ =	shalt  }
0x66: {  	_ =	shalt  }
0x67: {  	_ =	shalt  }
0x68: {  	_ =	shalt  }
0x69: {  	_ =	shalt  }
0x6a: {  	_ =	shalt  }
0x6b: {  	_ =	shalt  }
0x6c: {  	_ =	shalt  }
0x6d: {  	_ =	shalt  }
0x6e: {  	_ =	shalt  }
0x6f: {  	_ =	shalt  }
0x70: {  	_ =	shalt  }
0x71: {  	_ =	shalt  }
0x72: {  	_ =	shalt  }
0x73: {  	_ =	shalt  }
0x74: {  	_ =	shalt  }
0x75: {  	_ =	shalt  }
0x76: {  	_ =	shalt  }
0x77: {  	_ =	shalt  }
0x78: {  	_ =	shalt  }
0x79: {  	_ =	shalt  }
0x7a: {  	_ =	shalt  }
0x7b: {  	_ =	shalt  }
0x7c: {  	_ =	shalt  }
0x7d: {  	_ =	shalt  }
0x7e: {  	_ =	shalt  }
0x7f: {  	_ =	shalt  }
0x80: {  	_ =	shalt  }
0x81: {  	_ =	shalt  }
0x82: {  	_ =	shalt  }
0x83: {  	_ =	shalt  }
0x84: {  	_ =	shalt  }
0x85: {  	_ =	shalt  }
0x86: {  	_ =	shalt  }
0x87: {  	_ =	shalt  }
.Lfunc_end0:
.L_simem_size_0:
called_computation_lowered:
.L_overlay_start_0:
0x88: {  	s2 =	sld [smem:$0x3FD9]  }
0x89: {  	s3 =	sld [smem:$0x3FFE];
	_ =	sdelay $0x1  }
0x8a: {  	s1 =	srdreg.scid  }
0x8b: {  	s0 =	sand.u32 $0x1, s1  }
0x8c: {  	s14 =	sshll.u32 s0, $0xA;
	s2 =	sadd.s32 s3, s2  }
0x8d: {  	s2 =	sadd.s32 s2, s14  }
0x8e: {  	[smem:$0x3FC6] =	sst s2  }
0x8f: {  	_ = 	snop  }
0x90: {  	s2 =	sld [smem:$0x3FD0];
	_ =	sdelay $0x2  }
0x91: {  	s15 =	simm.s32 $0xA;
	s4 =	simm.s32 $0x10  }
0x92: {  	[smem:s4], [sflag:s15] =	dma.local [hbm:s2], $0x1  }
0x93: {  	_ =	swait.eq [sflag:s15], $0x1  }
0x94: {  	[sflag:s15] =	ssyncset.done $0x0  }
0x95: {  	[sflag:s15] =	ssyncadd.s32 $0xFFFFFFFF  }
0x96: {  	s16 =	sld [smem:$0x10];
	(tm) =	ssettm $0x1  }
0x97: {  	s17 =	sld [smem:$0x3FFB];
	_ =	sdelay $0x3  }
0x98: {  	_ =	strace s17  }
0x99: {  	s3 =	sld [smem:$0x3FFC];
	_ =	sdelay $0x3  }
0x9a: {  	_ =	strace s3  }
0x9b: {  	s3 =	sld [smem:$0x3FFD];
	_ =	sdelay $0x3  }
0x9c: {  	_ =	strace s3  }
0x9d: {  	_ =	strace $0x8FFFFFFF  }
0x9e: {  	s18 =	sld [smem:$0x3FDB];
	_ =	sdelay $0x1  }
0x9f: {  	s19 =	simm.s32 $_scs_section_size  }
0xa0: {  	s5 =	simm.s32 $_size__tile_overlayer_lowered;
	s6 =	simm.s32 $_tile_overlayer_lowered  }
0xa1: {  	s22 =	simm.s32 $0x1BFF;
	s21 =	sshll.u32 s6, $0x1;
	s3 =	sadd.s32 s19, s18  }
0xa2: {  	s7 =	simm.s32 $0x0;
	s20 =	sshll.u32 s5, $0x1;
	s5 =	sadd.s32 s21, s3  }
0xa3: {  	[timem:s7], [sflag:s22] =	dma.local [hbm:s5], s20  }
0xa4: {  	_ =	swait.ge [sflag:s22], s20  }
0xa5: {  	s4 =	ssub.s32 $0x0, s20;
	[sflag:s22] =	ssyncset.done $0x0  }
0xa6: {  	[sflag:s22] =	ssyncadd.s32 s4;
	_ =	sdelay $0x1  }
0xa7: {  	s23 =	simm.s32 $0x1B8B  }
0xa8: {  	_ =	swait.ge [sflag:s23], $0x1  }
0xa9: {  	[sflag:s23] =	ssyncset.done $0x0  }
0xaa: {  	s25 =	simm.s32 $0x1B8E;
	s24 =	sld [smem:$0x3FFE];
	[sflag:s23] =	ssyncadd.s32 $0xFFFFFFFF  }
0xab: {  	s26 =	simm.s32 $execute0_lowered;
	[smem:$0x3FD2] =	sst s25  }
0xac: {  	s5 =	sshll.u32 s26, $0x1;
	_ =	strace $0x80000046;
	[dreg:$0x1] =	wrdreg $0xFFFFFFFF  }
0xad: {  	s28 =	simm.s32 $_size_execute0_lowered;
	s3 =	sadd.s32 s3, s5;
	[dreg:$0x0] =	wrdreg $0x0  }
0xae: {  	s5 =	sshll.u32 s28, $0x1;
	[dreg:$0x2] =	wrdreg s3  }
0xaf: {  	[dreg:$0x3] =	wrdreg s5  }
0xb0: {  	[dreg:$0x4] =	wrdreg $0xC0  }
0xb1: {  	_ =	task [dreg:s7], $0x5FFFF  }
0xb2: {  	[dreg:$0x1] =	wrdreg $0xFFFFFFFF  }
0xb3: {  	[dreg:$0x0] =	wrdreg $0x60  }
0xb4: {  	[dreg:$0x2] =	wrdreg s24  }
0xb5: {  	[dreg:$0x3] =	wrdreg s16  }
0xb6: {  	[dreg:$0x4] =	wrdreg $0x9  }
0xb7: {  	_ =	task.clear_ibuf [dreg:s7], $0x5FFFF;
	_ =	strace $0x90000046  }
0xb8: {  	s29 =	simm.s32 $0x9;
	_ =	strace $0x8000004F  }
0xb9: {  	_ =	swait.ge [sflag:s29], $0x1  }
0xba: {  	[sflag:s29] =	ssyncadd.s32 $0xFFFFFFFF  }
0xbb: {  	_ =	strace $0x9000004F  }
0xbc: {  	_ =	sfence  }
0xbd: {  	s30 =	sld [smem:$0x0];
	_ =	sdelay $0x2  }
0xbe: {  	s31 =	sshll.u32 s1, $0xD;
	s1 =	sshrl.u32 s1, $0x2  }
0xbf: {  	s3 =	sand.u32 $0x4000, s31;
	s1 =	sadd.s32 s1, s30  }
0xc0: {  	s0 =	sor.u32 s3, s0;
	s1 =	sshll.u32 s1, $0x11  }
0xc1: {  	s0 =	sor.u32 s1, s0  }
0xc2: {  	s0 =	sadd.s32 $0x8F2B, s0  }
0xc3: {  	[sflag:s0] =	ssyncadd.remote.s32 $0x1  }
0xc4: {  	_ =	sfence.sel $0xFFFF  }
0xc5: {  	[dreg:$0x0] =	wrdreg $0xFFFFFFFF;
	(pc) =	sbr.abs _section_cstart, $3  }
0xc6: {  	[dreg:$0x1] =	wrdreg $0xFFFFFFFF  }
0xc7: {  	_ =	task.clear_ibuf [dreg:s7], $0x2FFFF;
	_ =	strace $0x9FFFFFFF  }
0xc8: {  	(tm) =	ssettm $0x7FFFFFFF  }
0xc9: {  	_ =	shalt  }
tec
execute0_lowered:
.L_overlay_start_1:
0x0: {  	(tag) =	ssettag $0x1  }
0x1: {  	s5 =	rddreg [dreg:$0x0]  }
0x2: {  	s1 =	rddreg [dreg:$0x1]  }
0x3: {  	s0 =	rddreg [dreg:$0x2];
	s2 =	simm.s32 $0x0  }
0x4: {  	s3 =	srdreg.scid;
	s12 =	simm.s32 $0x0;
	[smem:$0x7FF] =	sst s2  }
0x5: {  	s7 =	sand.u32 $0x1, s3;
	s3 =	stileid.u32;
	s4 =	sadd.s32 $0x200, s5  }
0x6: {  	s5 =	sadd.s32 $0x40200, s5;
	_ =	strace $0x80000047;
	s6 =	sshll.u32 s7, $0x4  }
0x7: {  	s9 =	ssub.s32 $0x2, s7;
	s7 =	simm.s32 $0x2;
	s6 =	sor.u32 s3, s6  }
0x8: {  	p0 =	slt.u32 s6, $0x4;
	s8 =	sshll.u32 s6, $0x1;
	s6 =	sadd.s32 $0x4, s6  }
0x9: {  	v2 =	vlaneseq.u32;
	s31 =	sshrl.u32 s9, $0x1;
	s6 =	smov.u32 @p0 s8;
	s7 =	simm.s32 @!p0 $0x1  }
0xa: {  	vm0 =	vmmov $0xffff;
	v1 =	vshrl.u32 v2, $0x3;
	s11 =	ssub.s32 s9, s31;
	s10 =	sshll.u32 s6, $0x4;
	s9 =	sadd.s32 $0xFFFFFFFF, s7  }
0xb: {  	v0 =	vand.u32 $0x7, v2;
	v2 =	vor.u32 $0x8, v2;
	v1 =	vmul.u32 $0x8, v1;
	s8 =	sadd.s32 s5, s10;
	s10 =	smax.u32 s11, $0x1;
	s11 =	simm.s32 $0x5  }
.LBB2_1:
0xc: {  	_ =	strace $0x80000048;
	s19 =	simm.s32 $0x0  }
0xd: {  	s13 =	simm.s32 $0x0;
	s14 =	simm.s32 $0x0;
	s15 =	simm.s32 $0x0  }
0xe: {  	[tilespmem:s2], [sflag:$0x1] =	stream.linear.gather [hbm4b:s8+s2], $0x80, $0x200038;
	[tilespmem:$0x10100] =	vst v63  }
0xf: {  	s16 =	simm.s32 $0x1;
	s17 =	simm.s32 $0x0;
	_ =	strace $0x90000048  }
.LBB2_2:
0x10: {  	s18 =	sadd.s32 $0x1, s19  }
0x11: {  	p0 =	seq.s32 s18, s7  }
0x12: {  	s18 =	simm.s32 @p0 $0x0  }
0x13: {  	p3 =	slt.s32 s17, s9;
	p1 =	sne.s32 s19, s18  }
0x14: {  	p0 =	por !p3, !p1  }
0x15: {  	p0 =	por !p0, !p0  }
0x16: {  	s20 =	sadd.s32 @p0 s6, s18  }
0x17: {  	s21 =	sand.u32 @p0 $0x1, s16;
	s20 =	sshll.u32 @p0 s20, $0x4  }
0x18: {  	_ =	strace @p0 $0x80000049;
	s23 =	simm.s32 @p0 $0x0;
	s20 =	sand.u32 @p0 $0x1FFFFFF0, s20  }
0x19: {  	s22 =	sshll.u32 @p0 s21, $0x7;
	s21 =	sadd.s32 @p0 $0x1, s21;
	s20 =	sadd.s32 @p0 s5, s20  }
0x1a: {  	[tilespmem:s22], [sflag:s21] =	stream.linear.gather @p0 [hbm4b:s20+s23], $0x80, $0x200038;
	[tilespmem:$0x10100] =	vst v63  }
0x1b: {  	p2 =	seq.s32 s17, $0x0;
	s20 =	sor.u32 s9, s19  }
0x1c: {  	p3 =	seq.s32 @!p2 s20, $0x0  }
0x1d: {  	p2 =	por p2, !p3  }
0x1e: {  	_ =	strace @p0 $0x90000049;
	s21 =	sand.u32 @p2 $0x1, s15  }
0x1f: {  	_ =	strace @p2 $0x8000004A;
	s21 =	sadd.s32 @p2 $0x1, s21  }
0x20: {  	_ =	swait.ge @p2 [sflag:s21], $0x80  }
0x21: {  	[sflag:s21] =	ssyncset.done @p2 $0x0  }
0x22: {  	[sflag:s21] =	ssyncadd.s32 @p2 $0xFFFFFF80  }
0x23: {  	s28 =	sshll.u32 s15, $0x7;
	_ =	strace @p2 $0x9000004A  }
0x24: {  	s24 =	sand.u32 $0x80, s28;
	_ =	strace $0x8000004B  }
0x25: {  	v3 =	vld [tilespmem:s24+$0x0];
	_ =	sdelay $0x4  }
0x26: {  	v4 =	vshll.u32 v3, $0x1  }
0x27: {  	v3 =	vand.u32 $0x7, v3;
	v4 =	vand.u32 $0xFFFFFFF0, v4  }
0x28: {  	v3 =	vor.u32 v3, v4  }
0x29: {  	v4 =	vperm.xlane v3, v0;
	_ =	sdelay $0x1  }
0x2a: {  	v3 =	vperm.xlane v3, v2;
	v4 =	vadd.s32 v1, v4;
	_ =	sdelay $0x1  }
0x2b: {  	s21 =	sand.u32 $0x1, s14;
	v3 =	vadd.s32 v1, v3  }
0x2c: {  	s23 =	sshll.u32 s21, $0xF  }
0x2d: {  	s22 =	sor.u32 $0x100, s23  }
0x2e: {  	[tilespmem:s22], [sflag:$0x5] =	stream.indirect_vreg.gather [hbm4b:s4+s2], $0x80, v4, vm0, $0x2000b8;
	[tilespmem:$0x10100] =	vst v63  }
0x2f: {  	s25 =	sor.u32 $0x900, s23  }
0x30: {  	[tilespmem:s25], [sflag:$0x5] =	stream.indirect_vreg.gather [hbm4b:s4+s2], $0x80, v3, vm0, $0x2000b8;
	[tilespmem:$0x10100] =	vst v63  }
0x31: {  	v3 =	vld [tilespmem:s24+$0x10];
	_ =	sdelay $0x4  }
0x32: {  	v57 =	vshll.u32 v3, $0x1  }
0x33: {  	v3 =	vand.u32 $0x7, v3;
	v4 =	vand.u32 $0xFFFFFFF0, v57  }
0x34: {  	v3 =	vor.u32 v3, v4  }
0x35: {  	v4 =	vperm.xlane v3, v0;
	_ =	sdelay $0x1  }
0x36: {  	v3 =	vperm.xlane v3, v2;
	v4 =	vadd.s32 v1, v4;
	_ =	sdelay $0x1  }
0x37: {  	v3 =	vadd.s32 v1, v3;
	_ =	sdelay $0x1  }
0x38: {  	s29 =	sor.u32 $0x1100, s23  }
0x39: {  	[tilespmem:s29], [sflag:$0x5] =	stream.indirect_vreg.gather [hbm4b:s4+s2], $0x80, v4, vm0, $0x2000b8;
	[tilespmem:$0x10100] =	vst v63  }
0x3a: {  	s30 =	sor.u32 $0x1900, s23  }
0x3b: {  	[tilespmem:s30], [sflag:$0x5] =	stream.indirect_vreg.gather [hbm4b:s4+s2], $0x80, v3, vm0, $0x2000b8;
	[tilespmem:$0x10100] =	vst v63  }
0x3c: {  	v3 =	vld [tilespmem:s24+$0x20];
	_ =	sdelay $0x4  }
0x3d: {  	v58 =	vshll.u32 v3, $0x1  }
0x3e: {  	v3 =	vand.u32 $0x7, v3;
	v4 =	vand.u32 $0xFFFFFFF0, v58  }
0x3f: {  	v3 =	vor.u32 v3, v4  }
0x40: {  	v4 =	vperm.xlane v3, v0;
	_ =	sdelay $0x1  }
0x41: {  	v3 =	vperm.xlane v3, v2;
	v4 =	vadd.s32 v1, v4;
	_ =	sdelay $0x1  }
0x42: {  	v3 =	vadd.s32 v1, v3;
	_ =	sdelay $0x1  }
0x43: {  	s31 =	sor.u32 $0x2100, s23  }
0x44: {  	[tilespmem:s31], [sflag:$0x5] =	stream.indirect_vreg.gather [hbm4b:s4+s2], $0x80, v4, vm0, $0x2000b8;
	[tilespmem:$0x10100] =	vst v63  }
0x45: {  	s26 =	sor.u32 $0x2900, s23  }
0x46: {  	[tilespmem:s26], [sflag:$0x5] =	stream.indirect_vreg.gather [hbm4b:s4+s2], $0x80, v3, vm0, $0x2000b8;
	[tilespmem:$0x10100] =	vst v63  }
0x47: {  	v3 =	vld [tilespmem:s24+$0x30];
	_ =	sdelay $0x4  }
0x48: {  	v59 =	vshll.u32 v3, $0x1  }
0x49: {  	v3 =	vand.u32 $0x7, v3;
	v4 =	vand.u32 $0xFFFFFFF0, v59  }
0x4a: {  	v3 =	vor.u32 v3, v4  }
0x4b: {  	v4 =	vperm.xlane v3, v0;
	_ =	sdelay $0x1  }
0x4c: {  	v3 =	vperm.xlane v3, v2;
	v4 =	vadd.s32 v1, v4;
	_ =	sdelay $0x1  }
0x4d: {  	v3 =	vadd.s32 v1, v3;
	_ =	sdelay $0x1  }
0x4e: {  	s28 =	sor.u32 $0x3100, s23  }
0x4f: {  	[tilespmem:s28], [sflag:$0x5] =	stream.indirect_vreg.gather [hbm4b:s4+s2], $0x80, v4, vm0, $0x2000b8;
	[tilespmem:$0x10100] =	vst v63  }
0x50: {  	s29 =	sor.u32 $0x3900, s23  }
0x51: {  	[tilespmem:s29], [sflag:$0x5] =	stream.indirect_vreg.gather [hbm4b:s4+s2], $0x80, v3, vm0, $0x2000b8;
	[tilespmem:$0x10100] =	vst v63  }
0x52: {  	v3 =	vld [tilespmem:s24+$0x40];
	_ =	sdelay $0x4  }
0x53: {  	v60 =	vshll.u32 v3, $0x1  }
0x54: {  	v3 =	vand.u32 $0x7, v3;
	v4 =	vand.u32 $0xFFFFFFF0, v60  }
0x55: {  	v3 =	vor.u32 v3, v4  }
0x56: {  	v4 =	vperm.xlane v3, v0;
	_ =	sdelay $0x1  }
0x57: {  	v3 =	vperm.xlane v3, v2;
	v4 =	vadd.s32 v1, v4;
	_ =	sdelay $0x1  }
0x58: {  	v3 =	vadd.s32 v1, v3;
	_ =	sdelay $0x1  }
0x59: {  	s30 =	sor.u32 $0x4100, s23  }
0x5a: {  	[tilespmem:s30], [sflag:$0x5] =	stream.indirect_vreg.gather [hbm4b:s4+s2], $0x80, v4, vm0, $0x2000b8;
	[tilespmem:$0x10100] =	vst v63  }
0x5b: {  	s31 =	sor.u32 $0x4900, s23  }
0x5c: {  	[tilespmem:s31], [sflag:$0x5] =	stream.indirect_vreg.gather [hbm4b:s4+s2], $0x80, v3, vm0, $0x2000b8;
	[tilespmem:$0x10100] =	vst v63  }
0x5d: {  	v3 =	vld [tilespmem:s24+$0x50];
	_ =	sdelay $0x4  }
0x5e: {  	v61 =	vshll.u32 v3, $0x1  }
0x5f: {  	v3 =	vand.u32 $0x7, v3;
	v4 =	vand.u32 $0xFFFFFFF0, v61  }
0x60: {  	v3 =	vor.u32 v3, v4  }
0x61: {  	v4 =	vperm.xlane v3, v0;
	_ =	sdelay $0x1  }
0x62: {  	v3 =	vperm.xlane v3, v2;
	v4 =	vadd.s32 v1, v4;
	_ =	sdelay $0x1  }
0x63: {  	v3 =	vadd.s32 v1, v3;
	_ =	sdelay $0x1  }
0x64: {  	s26 =	sor.u32 $0x5100, s23  }
0x65: {  	[tilespmem:s26], [sflag:$0x5] =	stream.indirect_vreg.gather [hbm4b:s4+s2], $0x80, v4, vm0, $0x2000b8;
	[tilespmem:$0x10100] =	vst v63  }
0x66: {  	s28 =	sor.u32 $0x5900, s23  }
0x67: {  	[tilespmem:s28], [sflag:$0x5] =	stream.indirect_vreg.gather [hbm4b:s4+s2], $0x80, v3, vm0, $0x2000b8;
	[tilespmem:$0x10100] =	vst v63  }
0x68: {  	v3 =	vld [tilespmem:s24+$0x60];
	_ =	sdelay $0x4  }
0x69: {  	v62 =	vshll.u32 v3, $0x1  }
0x6a: {  	v3 =	vand.u32 $0x7, v3;
	v4 =	vand.u32 $0xFFFFFFF0, v62  }
0x6b: {  	v3 =	vor.u32 v3, v4  }
0x6c: {  	v4 =	vperm.xlane v3, v0;
	_ =	sdelay $0x1  }
0x6d: {  	v3 =	vperm.xlane v3, v2;
	v4 =	vadd.s32 v1, v4;
	_ =	sdelay $0x1  }
0x6e: {  	v3 =	vadd.s32 v1, v3;
	_ =	sdelay $0x1  }
0x6f: {  	s29 =	sor.u32 $0x6100, s23  }
0x70: {  	[tilespmem:s29], [sflag:$0x5] =	stream.indirect_vreg.gather [hbm4b:s4+s2], $0x80, v4, vm0, $0x2000b8;
	[tilespmem:$0x10100] =	vst v63  }
0x71: {  	s30 =	sor.u32 $0x6900, s23  }
0x72: {  	[tilespmem:s30], [sflag:$0x5] =	stream.indirect_vreg.gather [hbm4b:s4+s2], $0x80, v3, vm0, $0x2000b8;
	[tilespmem:$0x10100] =	vst v63  }
0x73: {  	v3 =	vld [tilespmem:s24+$0x70];
	_ =	sdelay $0x4  }
0x74: {  	v63 =	vshll.u32 v3, $0x1  }
0x75: {  	v3 =	vand.u32 $0x7, v3;
	v4 =	vand.u32 $0xFFFFFFF0, v63  }
0x76: {  	v3 =	vor.u32 v3, v4  }
0x77: {  	v4 =	vperm.xlane v3, v0;
	_ =	sdelay $0x1  }
0x78: {  	v3 =	vperm.xlane v3, v2;
	v4 =	vadd.s32 v1, v4;
	_ =	sdelay $0x1  }
0x79: {  	v3 =	vadd.s32 v1, v3;
	_ =	sdelay $0x1  }
0x7a: {  	p4 =	seq.s32 s9, s17;
	p6 =	sne.s32 s17, $0x0;
	s31 =	sor.u32 $0x7100, s23  }
0x7b: {  	[tilespmem:s31], [sflag:$0x5] =	stream.indirect_vreg.gather [hbm4b:s4+s2], $0x80, v4, vm0, $0x2000b8;
	[tilespmem:$0x10100] =	vst v63  }
0x7c: {  	p1 =	por p4, p1;
	s19 =	sadd.s32 s6, s19;
	s23 =	sor.u32 $0x7900, s23  }
0x7d: {  	[tilespmem:s23], [sflag:$0x5] =	stream.indirect_vreg.gather [hbm4b:s4+s2], $0x80, v3, vm0, $0x2000b8;
	[tilespmem:$0x10100] =	vst v63  }
0x7e: {  	p5 =	sne.s32 s20, $0x0;
	s19 =	sshll.u32 @p1 s19, $0xC;
	_ =	swait.ge [sflag:s11], $0x8000  }
0x7f: {  	s20 =	simm.s32 $0x1;
	s19 =	sand.u32 @p1 $0x1FFFF000, s19;
	[sflag:s11] =	ssyncset.done $0x0  }
0x80: {  	s20 =	simm.s32 @!p0 $0x0;
	s19 =	sadd.s32 @p1 s1, s19;
	[sflag:s11] =	ssyncadd.s32 $0xFFFF8000  }
0x81: {  	p2 =	por !p6, !p5;
	s21 =	sadd.s32 @p1 $0x3, s21;
	_ =	strace $0x9000004B  }
0x82: {  	p0 =	por !p2, !p2;
	s23 =	simm.s32 @p1 $0x0;
	_ =	strace @p1 $0x8000004C  }
0x83: {  	[hbm4b:s19+s23] =	stream.linear.scatter @p1 [tilespmem:s22], [sflag:s21], $0x8000, $0x200038;
	[tilespmem:$0x10100] =	vst v63  }
0x84: {  	s17 =	sadd.s32 $0x1, s17;
	s19 =	simm.s32 $0x1;
	s21 =	sand.u32 @p0 $0x1, s13  }
0x85: {  	_ =	strace @p1 $0x9000004C;
	s19 =	simm.s32 @!p1 $0x0;
	p1 =	sne.s32 s7, s17  }
.Ltmp0:
0x86: {  	s21 =	sadd.s32 @p0 $0x3, s21;
	_ =	strace @p0 $0x8000004D;
	(pc) =	sbr.rel @p1 .LBB2_2-.Ltmp0, $4  }
0x87: {  	s16 =	sadd.s32 s20, s16;
	s20 =	simm.s32 $0x1;
	_ =	swait.ge @p0 [sflag:s21], $0x8000  }
0x88: {  	s20 =	simm.s32 @!p0 $0x0;
	[sflag:s21] =	ssyncset.done @p0 $0x0  }
0x89: {  	s13 =	sadd.s32 s20, s13;
	s14 =	sadd.s32 s19, s14;
	[sflag:s21] =	ssyncadd.s32 @p0 $0xFFFF8000  }
0x8a: {  	s15 =	sadd.s32 s19, s15;
	s19 =	smov.u32 s18;
	_ =	strace @p0 $0x9000004D  }
0x8b: {  	s12 =	sadd.s32 $0x1, s12  }
0x8c: {  	s13 =	sand.u32 $0x1, s13;
	p0 =	sne.s32 s12, s10  }
.Ltmp1:
0x8d: {  	_ =	strace $0x8000004E;
	s13 =	sadd.s32 $0x3, s13;
	(pc) =	sbr.rel @p0 .LBB2_1-.Ltmp1, $4  }
0x8e: {  	_ =	swait.ge [sflag:s13], $0x8000  }
0x8f: {  	[sflag:s13] =	ssyncset.done $0x0  }
0x90: {  	[sflag:s13] =	ssyncadd.s32 $0xFFFF8000  }
0x91: {  	_ =	strace $0x9000004E  }
0x92: {  	_ =	sfence.sel $0x180000  }
0x93: {  	[bflag:$0x0] =	sbarrier.arrive $0xFFFF  }
0x94: {  	p0 =	sne.s32 s3, $0x0;
	_ =	strace $0x90000047  }
0x95: {  	s0 =	sadd.s32 @!p0 $0x100000, s0;
	[bflag:$0x2] =	sbarrier.arrive $0xFFFF  }
0x96: {  	[sflag:s0] =	ssyncadd.tile.s32 @!p0 $0x1;
	_ =	shalt  }
.Lfunc_end2:
_tile_overlayer_lowered:
.L_overlay_start_2:
0x97: {  	(tag) =	ssettag $0x2  }
0x98: {  	s0 =	rddreg [dreg:$0x0];
	s2 =	stileid.u32  }
0x99: {  	s1 =	rddreg [dreg:$0x1];
	p0 =	sne.s32 s2, $0x0  }
0x9a: {  	s3 =	rddreg [dreg:$0x2];
	[bflag:$0x3] =	sbarrier.arrive $0xFFFF;
	s2 =	simm.s32 @!p0 $0x1C01  }
0x9b: {  	[timem:s3], [sflag:s2] =	dma.local @!p0 [hbm:s0], s1  }
0x9c: {  	s0 =	simm.s32 @!p0 $0x1  }
0x9d: {  	_ =	swait.ge @!p0 [sflag:s0], s1  }
0x9e: {  	s1 =	ssub.s32 @!p0 $0x0, s1;
	[sflag:s0] =	ssyncset.done @!p0 $0x0  }
0x9f: {  	[sflag:s0] =	ssyncadd.s32 @!p0 s1  }
0xa0: {  	[bflag:$0x3] =	sbarrier.arrive $0xFFFF  }
0xa1: {  	_ =	shalt  }

</sc_bundles>
